<compile_context>
chip_gen: v7x
topology: tpu7x:2x2x1
jax: 0.10.2.dev20260603
libtpu: 0.0.44.dev20260713+nightly
codegen_flags: <defaults>
</compile_context>

<pallas_src>
import jax
import jax.numpy as jnp
from jax import lax
from jax.experimental import pallas as pl
from jax.experimental.pallas import tpu as pltpu
from jax.experimental.pallas import tpu_sc as plsc

_POS_T = 0.7
_NEG_T = 0.3
_NFG = 128
_NBG = 128
_N = 5000
_NPAD = 5120
_G = 64
_NSUB = 16
_PER = _NPAD // _NSUB
_VPER = _PER // 16
_L = 16


def _iota16():
    return lax.broadcasted_iota(jnp.int32, (_L,), 0)


def _splat_f(x):
    return jnp.full((_L,), x, jnp.float32)


def _splat_i(x):
    return jnp.full((_L,), x, jnp.int32)


def _lane0(vec):
    return jnp.sum(jnp.where(_iota16() == 0, vec, _splat_f(0.0)))


def _smooth_l1_v(v):
    av = jnp.abs(v)
    return jnp.where(av < 1.0, 0.5 * av * av, av - 0.5)


def _softplus_neg_abs(s):
    u = jnp.exp(-jnp.abs(s))
    z = u / (2.0 + u)
    z2 = z * z
    poly = 1.0 + z2 * (1.0 / 3.0 + z2 * (1.0 / 5.0 + z2 * (1.0 / 7.0 + z2 * (1.0 / 9.0))))
    return 2.0 * z * poly


def _loc_vec(rx_v, rowarg_v, gctr_v, v):
    sl = pl.ds(v * _L, _L)
    x1 = rx_v[pl.ds(0 * _PER + v * _L, _L)]
    y1 = rx_v[pl.ds(1 * _PER + v * _L, _L)]
    x2 = rx_v[pl.ds(2 * _PER + v * _L, _L)]
    y2 = rx_v[pl.ds(3 * _PER + v * _L, _L)]
    w = x2 - x1 + 1.0
    h = y2 - y1 + 1.0
    rcx = x1 + 0.5 * w
    rcy = y1 + 0.5 * h
    arg = rowarg_v[sl]
    tcx = plsc.load_gather(gctr_v, [arg])
    tcy = plsc.load_gather(gctr_v, [arg + _splat_i(_G)])
    tw = plsc.load_gather(gctr_v, [arg + _splat_i(2 * _G)])
    th = plsc.load_gather(gctr_v, [arg + _splat_i(3 * _G)])
    return (_smooth_l1_v(rcx - tcx) + _smooth_l1_v(rcy - tcy)
            + _smooth_l1_v(w - tw) + _smooth_l1_v(h - th))


def _bce_vecs(sc_v, v):
    s = sc_v[pl.ds(v * _L, _L)]
    sp = _softplus_neg_abs(s)
    relu = jnp.maximum(s, 0.0)
    return relu - s + sp, relu + sp


def _sc_body(cx1_hbm, cy1_hbm, cx2_hbm, cy2_hbm, scores_hbm, gts_hbm, out_hbm,
             rx_v, sc_v, gt_v, gctr_v, garea_v, area_v, iou_v, rowarg_v,
             colmax_v, pos_v, neg_v, allcm_v, allfin_v, stage_v, out_v,
             shared_cm, shared_cnt, shared_ls):
    sid = lax.axis_index("s")
    base = sid * _PER

    for c, ref in enumerate((cx1_hbm, cy1_hbm, cx2_hbm, cy2_hbm)):
        pltpu.sync_copy(ref.at[pl.ds(base, _PER)], rx_v.at[pl.ds(c * _PER, _PER)])
    pltpu.sync_copy(scores_hbm.at[pl.ds(base, _PER)], sc_v)
    pltpu.sync_copy(gts_hbm, gt_v)

    for jc in range(_G // _L):
        sl = pl.ds(jc * _L, _L)
        gx1 = gt_v[pl.ds(0 * _G + jc * _L, _L)]
        gy1 = gt_v[pl.ds(1 * _G + jc * _L, _L)]
        gx2 = gt_v[pl.ds(2 * _G + jc * _L, _L)]
        gy2 = gt_v[pl.ds(3 * _G + jc * _L, _L)]
        gw = gx2 - gx1 + 1.0
        gh = gy2 - gy1 + 1.0
        gctr_v[pl.ds(0 * _G + jc * _L, _L)] = gx1 + 0.5 * gw
        gctr_v[pl.ds(1 * _G + jc * _L, _L)] = gy1 + 0.5 * gh
        gctr_v[pl.ds(2 * _G + jc * _L, _L)] = gw
        gctr_v[pl.ds(3 * _G + jc * _L, _L)] = gh
        garea_v[sl] = gw * gh

    def area_body(v, carry):
        sl = pl.ds(v * _L, _L)
        x1 = rx_v[pl.ds(0 * _PER + v * _L, _L)]
        y1 = rx_v[pl.ds(1 * _PER + v * _L, _L)]
        x2 = rx_v[pl.ds(2 * _PER + v * _L, _L)]
        y2 = rx_v[pl.ds(3 * _PER + v * _L, _L)]
        area_v[sl] = (x2 - x1 + 1.0) * (y2 - y1 + 1.0)
        return carry

    lax.fori_loop(0, _VPER, area_body, 0)

    def jc_body(jc, carry):
        def jj_body(jj, cmvec):
            gc = []
            for k in range(4):
                j = jc * _L + jj * 4 + k
                jv = jnp.full((_L,), j, jnp.int32)
                gc.append((
                    plsc.load_gather(gt_v, [jv]),
                    plsc.load_gather(gt_v, [jv + _splat_i(_G)]),
                    plsc.load_gather(gt_v, [jv + _splat_i(2 * _G)]),
                    plsc.load_gather(gt_v, [jv + _splat_i(3 * _G)]),
                    plsc.load_gather(garea_v, [jv]),
                ))

            @plsc.parallel_loop(0, _VPER // 2, carry=(_splat_f(0.0),) * 4,
                                unroll=2)
            def colaccs(vi, colaccs):
                colaccs = list(colaccs)
                for k2 in range(2):
                    v = vi * 2 + k2
                    sl = pl.ds(v * _L, _L)
                    x1 = rx_v[pl.ds(0 * _PER + v * _L, _L)]
                    y1 = rx_v[pl.ds(1 * _PER + v * _L, _L)]
                    x2 = rx_v[pl.ds(2 * _PER + v * _L, _L)]
                    y2 = rx_v[pl.ds(3 * _PER + v * _L, _L)]
                    area = area_v[sl]
                    for k in range(4):
                        gx1, gy1, gx2, gy2, garea = gc[k]
                        j = jc * _L + jj * 4 + k
                        iw = jnp.maximum(jnp.minimum(x2, gx2) - jnp.maximum(x1, gx1) + 1.0, 0.0)
                        ih = jnp.maximum(jnp.minimum(y2, gy2) - jnp.maximum(y1, gy1) + 1.0, 0.0)
                        inter = iw * ih
                        iou = inter / (area + garea - inter)
                        iou_v[pl.ds(j * _PER + v * _L, _L)] = iou
                        colaccs[k] = jnp.maximum(colaccs[k], iou)
                return tuple(colaccs)

            for k in range(4):
                cmj = jnp.max(colaccs[k])
                lane = jj * 4 + k
                cmvec = jnp.where(_iota16() == lane, jnp.full((_L,), cmj), cmvec)
            return cmvec

        cmvec = lax.fori_loop(0, _L // 4, jj_body, _splat_f(0.0))
        colmax_v[pl.ds(jc * _L, _L)] = cmvec
        return carry

    lax.fori_loop(0, _G // _L, jc_body, 0)

    pltpu.sync_copy(colmax_v, shared_cm.at[pl.ds(sid * _G, _G)])
    plsc.subcore_barrier()
    pltpu.sync_copy(shared_cm, allcm_v)
    for jc in range(_G // _L):

        def s_body(s, acc):
            return jnp.maximum(acc, allcm_v[pl.ds(s * _G + jc * _L, _L)])

        acc = lax.fori_loop(1, _NSUB, s_body, allcm_v[pl.ds(jc * _L, _L)])
        acc = jnp.where(acc == 0.0, _splat_f(1e-5), acc)
        colmax_v[pl.ds(jc * _L, _L)] = acc

    def lab_body(vi, carry):
        cntp_acc, cntn_acc = carry
        for k2 in range(2):
            v = vi * 2 + k2
            sl = pl.ds(v * _L, _L)

            @plsc.parallel_loop(0, _G // 8,
                                carry=(_splat_f(-1.0), _splat_i(0),
                                       _splat_f(-1.0)),
                                unroll=4)
            def st(ji, st):
                rm, ra, kd = st
                for k in range(8):
                    j = ji * 8 + k
                    jv = jnp.full((_L,), j, jnp.int32)
                    iou = iou_v[pl.ds(j * _PER + v * _L, _L)]
                    cm = plsc.load_gather(colmax_v, [jv])
                    kd = jnp.maximum(kd, iou - cm)
                    upd = iou > rm
                    ra = jnp.where(upd, jv, ra)
                    rm = jnp.where(upd, iou, rm)
                return rm, ra, kd

            rm, ra, kd = st
            rowarg_v[sl] = ra
            ridx = base + v * _L + _iota16()
            valid = ridx < _N
            pos = ((kd == 0.0) | (rm > _POS_T)) & valid
            neg = (rm < _NEG_T) & (~pos) & valid
            posf = jnp.where(pos, _splat_f(1.0), _splat_f(0.0))
            negf = jnp.where(neg, _splat_f(1.0), _splat_f(0.0))
            pos_v[sl] = posf
            neg_v[sl] = negf
            cntp_acc = cntp_acc + posf
            cntn_acc = cntn_acc + negf
        return cntp_acc, cntn_acc

    cntp_acc, cntn_acc = lax.fori_loop(0, _VPER // 2, lab_body,
                                       (_splat_f(0.0), _splat_f(0.0)))
    cntp = jnp.sum(cntp_acc)
    cntn = jnp.sum(cntn_acc)
    it = _iota16()
    stage_v[...] = (jnp.where(it == 0, jnp.full((_L,), cntp), _splat_f(0.0))
                    + jnp.where(it == 1, jnp.full((_L,), cntn), _splat_f(0.0)))
    pltpu.sync_copy(stage_v, shared_cnt.at[pl.ds(sid * _L, _L)])
    plsc.subcore_barrier()

    pltpu.sync_copy(shared_cnt, allfin_v)
    cntp_vec = plsc.load_gather(allfin_v, [it * _L])
    cntn_vec = plsc.load_gather(allfin_v, [it * _L + _splat_i(1)])
    p_tot = jnp.sum(cntp_vec)
    n_tot = jnp.sum(cntn_vec)
    before = it < sid
    basep = jnp.sum(jnp.where(before, cntp_vec, _splat_f(0.0)))
    basen = jnp.sum(jnp.where(before, cntn_vec, _splat_f(0.0)))

    kp = jnp.minimum(p_tot, float(_NFG))
    kn = jnp.minimum(n_tot, float(_NBG))
    padp = float(_NFG) - kp
    padn = float(_NBG) - kn

    is0 = jnp.where(sid == 0, 1.0, 0.0)
    m0p = _lane0(pos_v[pl.ds(0, _L)])
    m0n = _lane0(neg_v[pl.ds(0, _L)])
    loc0 = _lane0(_loc_vec(rx_v, rowarg_v, gctr_v, 0))
    b1v0, b0v0 = _bce_vecs(sc_v, 0)
    b1_0 = _lane0(b1v0)
    b0_0 = _lane0(b0v0)
    corr_loc = is0 * padp * m0p * loc0
    corr_b1 = is0 * padp * m0p * b1_0
    corr_b0 = is0 * padn * m0n * b0_0

    def loss_body(v, carry):
        runp, runn, acc_loc, acc_b1, acc_b0 = carry
        sl = pl.ds(v * _L, _L)
        posf = pos_v[sl]
        negf = neg_v[sl]
        exclp = plsc.cumsum(posf) - posf
        excln = plsc.cumsum(negf) - negf
        rankp = exclp + jnp.full((_L,), basep + runp)
        rankn = excln + jnp.full((_L,), basen + runn)
        selp = jnp.where(rankp < float(_NFG), posf, _splat_f(0.0))
        seln = jnp.where(rankn < float(_NBG), negf, _splat_f(0.0))
        loc_i = _loc_vec(rx_v, rowarg_v, gctr_v, v)
        b1, b0 = _bce_vecs(sc_v, v)
        return (runp + jnp.sum(posf), runn + jnp.sum(negf),
                acc_loc + selp * loc_i, acc_b1 + selp * b1, acc_b0 + seln * b0)

    _, _, acc_loc, acc_b1, acc_b0 = lax.fori_loop(
        0, _VPER, loss_body,
        (0.0, 0.0, _splat_f(0.0), _splat_f(0.0), _splat_f(0.0)))
    loc_sum = jnp.sum(acc_loc) + corr_loc
    b1_sum = jnp.sum(acc_b1) + corr_b1
    b0_sum = jnp.sum(acc_b0) + corr_b0
    stage_v[...] = (jnp.where(it == 0, jnp.full((_L,), loc_sum), _splat_f(0.0))
                    + jnp.where(it == 1, jnp.full((_L,), b1_sum), _splat_f(0.0))
                    + jnp.where(it == 2, jnp.full((_L,), b0_sum), _splat_f(0.0)))
    pltpu.sync_copy(stage_v, shared_ls.at[pl.ds(sid * _L, _L)])
    plsc.subcore_barrier()

    pltpu.sync_copy(shared_ls, allfin_v)
    loc_num = jnp.sum(plsc.load_gather(allfin_v, [it * _L]))
    b1_num = jnp.sum(plsc.load_gather(allfin_v, [it * _L + _splat_i(1)]))
    b0_num = jnp.sum(plsc.load_gather(allfin_v, [it * _L + _splat_i(2)]))
    spw = jnp.full((_L,), kp + padp * m0p)
    snw = jnp.full((_L,), kn + padn * m0n)
    one = _splat_f(1.0)
    loc_loss = jnp.full((_L,), loc_num) / jnp.maximum(spw * 4.0, one)
    cls_p = jnp.full((_L,), b1_num) / jnp.maximum(spw, one)
    cls_n = jnp.full((_L,), b0_num) / jnp.maximum(snw, one)
    out_v[...] = loc_loss + cls_p + cls_n

    @pl.when(sid == 0)
    def _():
        pltpu.sync_copy(out_v, out_hbm)


def _make_sc_call():
    mesh = plsc.VectorSubcoreMesh(core_axis_name="c", subcore_axis_name="s",
                                  num_cores=1)
    return pl.kernel(
        _sc_body,
        mesh=mesh,
        compiler_params=pltpu.CompilerParams(needs_layout_passes=False),
        out_type=jax.ShapeDtypeStruct((_L,), jnp.float32),
        scratch_types=[
            pltpu.VMEM((4 * _PER,), jnp.float32),
            pltpu.VMEM((_PER,), jnp.float32),
            pltpu.VMEM((4 * _G,), jnp.float32),
            pltpu.VMEM((4 * _G,), jnp.float32),
            pltpu.VMEM((_G,), jnp.float32),
            pltpu.VMEM((_PER,), jnp.float32),
            pltpu.VMEM((_G * _PER,), jnp.float32),
            pltpu.VMEM((_PER,), jnp.int32),
            pltpu.VMEM((_G,), jnp.float32),
            pltpu.VMEM((_PER,), jnp.float32),
            pltpu.VMEM((_PER,), jnp.float32),
            pltpu.VMEM((_NSUB * _G,), jnp.float32),
            pltpu.VMEM((_NSUB * _L,), jnp.float32),
            pltpu.VMEM((_L,), jnp.float32),
            pltpu.VMEM((_L,), jnp.float32),
            pltpu.VMEM_SHARED((_NSUB * _G,), jnp.float32),
            pltpu.VMEM_SHARED((_NSUB * _L,), jnp.float32),
            pltpu.VMEM_SHARED((_NSUB * _L,), jnp.float32),
        ],
    )


_sc_call = _make_sc_call()


@jax.jit
def kernel(rois, fg_scores, gts):
    rois_pad = jnp.full((_NPAD, 4), -1e5, jnp.float32).at[:_N].set(rois)
    coords = rois_pad.T
    scores = jnp.pad(fg_scores[:, 0], (0, _NPAD - _N))
    gts_t = gts.T[:4].reshape(4 * _G)
    out = _sc_call(coords[0], coords[1], coords[2], coords[3], scores, gts_t)
    return out[0]

# --- scband reference (transcript-rebuilt; emitter-appended) ---
"""Pipeline reference for scband-proposal-target-29025388986924 (READ-ONLY COPY).

The authoritative reference and input builder live on the scoring server;
editing this copy changes nothing except your own understanding.
"""

import jax, jax.numpy as jnp
import numpy as np

POS_THRESH = 0.7
NEG_THRESH = 0.3
NUM_FG = 128
NUM_SAMPLE = 256


def _make_boxes(key, n, img=1024.0):
    k1, k2, k3, k4 = jax.random.split(key, 4)
    x1 = jax.random.uniform(k1, (n,), minval=0.0, maxval=img - 130.0)
    y1 = jax.random.uniform(k2, (n,), minval=0.0, maxval=img - 130.0)
    w = jax.random.uniform(k3, (n,), minval=16.0, maxval=128.0)
    h = jax.random.uniform(k4, (n,), minval=16.0, maxval=128.0)
    return jnp.stack([x1, y1, x1 + w, y1 + h], axis=1).astype(jnp.float32)


def setup_inputs(seed: int = 0):
    key = jax.random.key(seed)
    kr, kg, ks, kl = jax.random.split(key, 4)
    rois = _make_boxes(kr, 5000)
    gt_boxes = _make_boxes(kg, 64)
    cls = jax.random.randint(kl, (64, 1), 1, 81).astype(jnp.float32)
    gts = jnp.concatenate([gt_boxes, cls], axis=1)
    fg_scores = jax.random.normal(ks, (5000, 1), dtype=jnp.float32)
    return {"rois": rois, "fg_scores": fg_scores, "gts": gts}


def _bbox_overlaps(boxes, query):
    area_b = (boxes[:, 2] - boxes[:, 0] + 1.0) * (boxes[:, 3] - boxes[:, 1] + 1.0)
    area_q = (query[:, 2] - query[:, 0] + 1.0) * (query[:, 3] - query[:, 1] + 1.0)
    ix1 = jnp.maximum(boxes[:, None, 0], query[None, :, 0])
    iy1 = jnp.maximum(boxes[:, None, 1], query[None, :, 1])
    ix2 = jnp.minimum(boxes[:, None, 2], query[None, :, 2])
    iy2 = jnp.minimum(boxes[:, None, 3], query[None, :, 3])
    iw = jnp.clip(ix2 - ix1 + 1.0, 0.0)
    ih = jnp.clip(iy2 - iy1 + 1.0, 0.0)
    inter = iw * ih
    union = area_b[:, None] + area_q[None, :] - inter
    return inter / union


def _ctr_form(b):
    w = b[:, 2] - b[:, 0] + 1.0
    h = b[:, 3] - b[:, 1] + 1.0
    cx = b[:, 0] + 0.5 * w
    cy = b[:, 1] + 0.5 * h
    return jnp.stack([cx, cy, w, h], axis=1)


def _smooth_l1(x):
    ax = jnp.abs(x)
    return jnp.where(ax < 1.0, 0.5 * ax * ax, ax - 0.5)


def _bce_with_logits(logit, target):
    return jnp.maximum(logit, 0.0) - logit * target + jnp.log1p(jnp.exp(-jnp.abs(logit)))


def _forward(rois, fg_scores, gts):
    gt_boxes = gts[:, :4]
    overlaps = _bbox_overlaps(rois, gt_boxes)  # [N, G]
    max_overlaps = jnp.max(overlaps, axis=1)
    argmax_overlaps = jnp.argmax(overlaps, axis=1)
    gt_max_overlaps = jnp.max(overlaps, axis=0)
    gt_max_overlaps = jnp.where(gt_max_overlaps == 0.0, 1e-05, gt_max_overlaps)
    keep = jnp.sum((overlaps == gt_max_overlaps[None, :]).astype(jnp.int32), axis=1)
    n = rois.shape[0]
    labels = jnp.full((n,), -1.0, dtype=jnp.float32)
    labels = jnp.where(max_overlaps < NEG_THRESH, 0.0, labels)
    labels = jnp.where(keep > 0, 1.0, labels)
    labels = jnp.where(max_overlaps > POS_THRESH, 1.0, labels)
    pos_mask = labels == 1.0
    neg_mask = labels == 0.0
    # fixed-size deterministic subsampling (replaces torch.randperm truncation)
    pos_idx = jnp.nonzero(pos_mask, size=NUM_FG, fill_value=0)[0]
    neg_idx = jnp.nonzero(neg_mask, size=NUM_SAMPLE - NUM_FG, fill_value=0)[0]
    pos_w = pos_mask[pos_idx].astype(jnp.float32)
    neg_w = neg_mask[neg_idx].astype(jnp.float32)
    pos_boxes = rois[pos_idx]
    target_boxes = gt_boxes[argmax_overlaps[pos_idx]]
    diff = _ctr_form(pos_boxes) - _ctr_form(target_boxes)
    loc_loss = jnp.sum(_smooth_l1(diff) * pos_w[:, None]) / jnp.maximum(jnp.sum(pos_w) * 4.0, 1.0)
    pos_scores = fg_scores[pos_idx][:, 0]
    neg_scores = fg_scores[neg_idx][:, 0]
    cls_loss = (jnp.sum(_bce_with_logits(pos_scores, 1.0) * pos_w) / jnp.maximum(jnp.sum(pos_w), 1.0)
                + jnp.sum(_bce_with_logits(neg_scores, 0.0) * neg_w) / jnp.maximum(jnp.sum(neg_w), 1.0))
    return loc_loss + cls_loss


def reference(rois, fg_scores, gts):
    return _forward(rois, fg_scores, gts)

if __name__ == "__main__":
    import jax
    _d = setup_inputs()
    print(jax.jit(kernel)(*tuple(_d.values())))

</pallas_src>

<mosaic_0001>
#map = affine_map<(d0, d1) -> (0)>
module attributes {stable_mosaic.version = 14 : i64} {
  func.func @_sc_body(%arg0: i32, %arg1: i32, %arg2: memref<5120xf32, #tpu.memory_space<hbm>>, %arg3: memref<5120xf32, #tpu.memory_space<hbm>>, %arg4: memref<5120xf32, #tpu.memory_space<hbm>>, %arg5: memref<5120xf32, #tpu.memory_space<hbm>>, %arg6: memref<5120xf32, #tpu.memory_space<hbm>>, %arg7: memref<256xf32, #tpu.memory_space<hbm>>, %arg8: memref<16xf32, #tpu.memory_space<hbm>>, %arg9: memref<1280xf32, #tpu.memory_space<vmem>>, %arg10: memref<320xf32, #tpu.memory_space<vmem>>, %arg11: memref<256xf32, #tpu.memory_space<vmem>>, %arg12: memref<256xf32, #tpu.memory_space<vmem>>, %arg13: memref<64xf32, #tpu.memory_space<vmem>>, %arg14: memref<320xf32, #tpu.memory_space<vmem>>, %arg15: memref<20480xf32, #tpu.memory_space<vmem>>, %arg16: memref<320xi32, #tpu.memory_space<vmem>>, %arg17: memref<64xf32, #tpu.memory_space<vmem>>, %arg18: memref<320xf32, #tpu.memory_space<vmem>>, %arg19: memref<320xf32, #tpu.memory_space<vmem>>, %arg20: memref<1024xf32, #tpu.memory_space<vmem>>, %arg21: memref<256xf32, #tpu.memory_space<vmem>>, %arg22: memref<16xf32, #tpu.memory_space<vmem>>, %arg23: memref<16xf32, #tpu.memory_space<vmem>>, %arg24: memref<1024xf32, #tpu.memory_space<vmem_shared>>, %arg25: memref<256xf32, #tpu.memory_space<vmem_shared>>, %arg26: memref<256xf32, #tpu.memory_space<vmem_shared>>) attributes {dimension_semantics = [#tpu.dimension_semantics<core_parallel>, #tpu.dimension_semantics<subcore_parallel>], iteration_bounds = array<i64: 1, 16>, scalar_prefetch = 0 : i64, scratch_operands = 18 : i64, tpu.core_type = #tpu.core_type<sc_vector_subcore>, window_params = [{transform_indices = #map}, {transform_indices = #map}, {transform_indices = #map}, {transform_indices = #map}, {transform_indices = #map}, {transform_indices = #map}, {transform_indices = #map}]} {
    %mul3A = arith.constant 320 : i32
    %mul3A_0 = arith.muli %arg1, %mul3A : i32
    "tpu.region"() ({
      %run_scoped3A = tpu.sem_alloc : memref<!tpu.dma_semaphore, #tpu.memory_space<semaphore_mem>>
      %dma_start3A = arith.constant 0 : i32
      %dma_start3A_603 = tpu.memref_slice %arg9[%dma_start3A] : memref<1280xf32, #tpu.memory_space<vmem>> -> memref<320xf32, #tpu.memory_space<vmem>>
      %dma_start3A_604 = tpu.memref_slice %arg2[%mul3A_0] : memref<5120xf32, #tpu.memory_space<hbm>> -> memref<320xf32, #tpu.memory_space<hbm>>
      %dma_start3A_605 = arith.constant 0 : i32
      %dma_start3A_606 = tpu.memref_slice %arg9[%dma_start3A_605] : memref<1280xf32, #tpu.memory_space<vmem>> -> memref<320xf32, #tpu.memory_space<vmem>>
      %dma_start3A_607 = tpu.memref_slice %arg2[%mul3A_0] : memref<5120xf32, #tpu.memory_space<hbm>> -> memref<320xf32, #tpu.memory_space<hbm>>
      tpu.enqueue_dma source(%dma_start3A_607 : memref<320xf32, #tpu.memory_space<hbm>>) target(%dma_start3A_606 : memref<320xf32, #tpu.memory_space<vmem>>) target_semaphore(%run_scoped3A : memref<!tpu.dma_semaphore, #tpu.memory_space<semaphore_mem>>)
      %dma_wait3A = arith.constant 0 : i32
      %dma_wait3A_608 = tpu.memref_slice %arg9[%dma_wait3A] : memref<1280xf32, #tpu.memory_space<vmem>> -> memref<320xf32, #tpu.memory_space<vmem>>
      %dma_wait3A_609 = tpu.memref_slice %arg2[%mul3A_0] : memref<5120xf32, #tpu.memory_space<hbm>> -> memref<320xf32, #tpu.memory_space<hbm>>
      %dma_wait3A_610 = arith.constant 0 : i32
      %dma_wait3A_611 = tpu.memref_slice %arg9[%dma_wait3A_610] : memref<1280xf32, #tpu.memory_space<vmem>> -> memref<320xf32, #tpu.memory_space<vmem>>
      %dma_wait3A_612 = tpu.memref_slice %arg2[%mul3A_0] : memref<5120xf32, #tpu.memory_space<hbm>> -> memref<320xf32, #tpu.memory_space<hbm>>
      tpu.wait_dma2 semaphore(%run_scoped3A : memref<!tpu.dma_semaphore, #tpu.memory_space<semaphore_mem>>) src(%dma_wait3A_612 : memref<320xf32, #tpu.memory_space<hbm>>) dst(%dma_wait3A_611 : memref<320xf32, #tpu.memory_space<vmem>>)
      tpu.yield
    }) : () -> ()
    "tpu.region"() ({
      %run_scoped3A = tpu.sem_alloc : memref<!tpu.dma_semaphore, #tpu.memory_space<semaphore_mem>>
      %dma_start3A = arith.constant 320 : i32
      %dma_start3A_603 = tpu.memref_slice %arg9[%dma_start3A] : memref<1280xf32, #tpu.memory_space<vmem>> -> memref<320xf32, #tpu.memory_space<vmem>>
      %dma_start3A_604 = tpu.memref_slice %arg3[%mul3A_0] : memref<5120xf32, #tpu.memory_space<hbm>> -> memref<320xf32, #tpu.memory_space<hbm>>
      %dma_start3A_605 = arith.constant 320 : i32
      %dma_start3A_606 = tpu.memref_slice %arg9[%dma_start3A_605] : memref<1280xf32, #tpu.memory_space<vmem>> -> memref<320xf32, #tpu.memory_space<vmem>>
      %dma_start3A_607 = tpu.memref_slice %arg3[%mul3A_0] : memref<5120xf32, #tpu.memory_space<hbm>> -> memref<320xf32, #tpu.memory_space<hbm>>
      tpu.enqueue_dma source(%dma_start3A_607 : memref<320xf32, #tpu.memory_space<hbm>>) target(%dma_start3A_606 : memref<320xf32, #tpu.memory_space<vmem>>) target_semaphore(%run_scoped3A : memref<!tpu.dma_semaphore, #tpu.memory_space<semaphore_mem>>)
      %dma_wait3A = arith.constant 320 : i32
      %dma_wait3A_608 = tpu.memref_slice %arg9[%dma_wait3A] : memref<1280xf32, #tpu.memory_space<vmem>> -> memref<320xf32, #tpu.memory_space<vmem>>
      %dma_wait3A_609 = tpu.memref_slice %arg3[%mul3A_0] : memref<5120xf32, #tpu.memory_space<hbm>> -> memref<320xf32, #tpu.memory_space<hbm>>
      %dma_wait3A_610 = arith.constant 320 : i32
      %dma_wait3A_611 = tpu.memref_slice %arg9[%dma_wait3A_610] : memref<1280xf32, #tpu.memory_space<vmem>> -> memref<320xf32, #tpu.memory_space<vmem>>
      %dma_wait3A_612 = tpu.memref_slice %arg3[%mul3A_0] : memref<5120xf32, #tpu.memory_space<hbm>> -> memref<320xf32, #tpu.memory_space<hbm>>
      tpu.wait_dma2 semaphore(%run_scoped3A : memref<!tpu.dma_semaphore, #tpu.memory_space<semaphore_mem>>) src(%dma_wait3A_612 : memref<320xf32, #tpu.memory_space<hbm>>) dst(%dma_wait3A_611 : memref<320xf32, #tpu.memory_space<vmem>>)
      tpu.yield
    }) : () -> ()
    "tpu.region"() ({
      %run_scoped3A = tpu.sem_alloc : memref<!tpu.dma_semaphore, #tpu.memory_space<semaphore_mem>>
      %dma_start3A = arith.constant 640 : i32
      %dma_start3A_603 = tpu.memref_slice %arg9[%dma_start3A] : memref<1280xf32, #tpu.memory_space<vmem>> -> memref<320xf32, #tpu.memory_space<vmem>>
      %dma_start3A_604 = tpu.memref_slice %arg4[%mul3A_0] : memref<5120xf32, #tpu.memory_space<hbm>> -> memref<320xf32, #tpu.memory_space<hbm>>
      %dma_start3A_605 = arith.constant 640 : i32
      %dma_start3A_606 = tpu.memref_slice %arg9[%dma_start3A_605] : memref<1280xf32, #tpu.memory_space<vmem>> -> memref<320xf32, #tpu.memory_space<vmem>>
      %dma_start3A_607 = tpu.memref_slice %arg4[%mul3A_0] : memref<5120xf32, #tpu.memory_space<hbm>> -> memref<320xf32, #tpu.memory_space<hbm>>
      tpu.enqueue_dma source(%dma_start3A_607 : memref<320xf32, #tpu.memory_space<hbm>>) target(%dma_start3A_606 : memref<320xf32, #tpu.memory_space<vmem>>) target_semaphore(%run_scoped3A : memref<!tpu.dma_semaphore, #tpu.memory_space<semaphore_mem>>)
      %dma_wait3A = arith.constant 640 : i32
      %dma_wait3A_608 = tpu.memref_slice %arg9[%dma_wait3A] : memref<1280xf32, #tpu.memory_space<vmem>> -> memref<320xf32, #tpu.memory_space<vmem>>
      %dma_wait3A_609 = tpu.memref_slice %arg4[%mul3A_0] : memref<5120xf32, #tpu.memory_space<hbm>> -> memref<320xf32, #tpu.memory_space<hbm>>
      %dma_wait3A_610 = arith.constant 640 : i32
      %dma_wait3A_611 = tpu.memref_slice %arg9[%dma_wait3A_610] : memref<1280xf32, #tpu.memory_space<vmem>> -> memref<320xf32, #tpu.memory_space<vmem>>
      %dma_wait3A_612 = tpu.memref_slice %arg4[%mul3A_0] : memref<5120xf32, #tpu.memory_space<hbm>> -> memref<320xf32, #tpu.memory_space<hbm>>
      tpu.wait_dma2 semaphore(%run_scoped3A : memref<!tpu.dma_semaphore, #tpu.memory_space<semaphore_mem>>) src(%dma_wait3A_612 : memref<320xf32, #tpu.memory_space<hbm>>) dst(%dma_wait3A_611 : memref<320xf32, #tpu.memory_space<vmem>>)
      tpu.yield
    }) : () -> ()
    "tpu.region"() ({
      %run_scoped3A = tpu.sem_alloc : memref<!tpu.dma_semaphore, #tpu.memory_space<semaphore_mem>>
      %dma_start3A = arith.constant 960 : i32
      %dma_start3A_603 = tpu.memref_slice %arg9[%dma_start3A] : memref<1280xf32, #tpu.memory_space<vmem>> -> memref<320xf32, #tpu.memory_space<vmem>>
      %dma_start3A_604 = tpu.memref_slice %arg5[%mul3A_0] : memref<5120xf32, #tpu.memory_space<hbm>> -> memref<320xf32, #tpu.memory_space<hbm>>
      %dma_start3A_605 = arith.constant 960 : i32
      %dma_start3A_606 = tpu.memref_slice %arg9[%dma_start3A_605] : memref<1280xf32, #tpu.memory_space<vmem>> -> memref<320xf32, #tpu.memory_space<vmem>>
      %dma_start3A_607 = tpu.memref_slice %arg5[%mul3A_0] : memref<5120xf32, #tpu.memory_space<hbm>> -> memref<320xf32, #tpu.memory_space<hbm>>
      tpu.enqueue_dma source(%dma_start3A_607 : memref<320xf32, #tpu.memory_space<hbm>>) target(%dma_start3A_606 : memref<320xf32, #tpu.memory_space<vmem>>) target_semaphore(%run_scoped3A : memref<!tpu.dma_semaphore, #tpu.memory_space<semaphore_mem>>)
      %dma_wait3A = arith.constant 960 : i32
      %dma_wait3A_608 = tpu.memref_slice %arg9[%dma_wait3A] : memref<1280xf32, #tpu.memory_space<vmem>> -> memref<320xf32, #tpu.memory_space<vmem>>
      %dma_wait3A_609 = tpu.memref_slice %arg5[%mul3A_0] : memref<5120xf32, #tpu.memory_space<hbm>> -> memref<320xf32, #tpu.memory_space<hbm>>
      %dma_wait3A_610 = arith.constant 960 : i32
      %dma_wait3A_611 = tpu.memref_slice %arg9[%dma_wait3A_610] : memref<1280xf32, #tpu.memory_space<vmem>> -> memref<320xf32, #tpu.memory_space<vmem>>
      %dma_wait3A_612 = tpu.memref_slice %arg5[%mul3A_0] : memref<5120xf32, #tpu.memory_space<hbm>> -> memref<320xf32, #tpu.memory_space<hbm>>
      tpu.wait_dma2 semaphore(%run_scoped3A : memref<!tpu.dma_semaphore, #tpu.memory_space<semaphore_mem>>) src(%dma_wait3A_612 : memref<320xf32, #tpu.memory_space<hbm>>) dst(%dma_wait3A_611 : memref<320xf32, #tpu.memory_space<vmem>>)
      tpu.yield
    }) : () -> ()
    "tpu.region"() ({
      %run_scoped3A = tpu.sem_alloc : memref<!tpu.dma_semaphore, #tpu.memory_space<semaphore_mem>>
      %dma_start3A = tpu.memref_slice %arg6[%mul3A_0] : memref<5120xf32, #tpu.memory_space<hbm>> -> memref<320xf32, #tpu.memory_space<hbm>>
      %dma_start3A_603 = tpu.memref_slice %arg6[%mul3A_0] : memref<5120xf32, #tpu.memory_space<hbm>> -> memref<320xf32, #tpu.memory_space<hbm>>
      tpu.enqueue_dma source(%dma_start3A_603 : memref<320xf32, #tpu.memory_space<hbm>>) target(%arg10 : memref<320xf32, #tpu.memory_space<vmem>>) target_semaphore(%run_scoped3A : memref<!tpu.dma_semaphore, #tpu.memory_space<semaphore_mem>>)
      %dma_wait3A = tpu.memref_slice %arg6[%mul3A_0] : memref<5120xf32, #tpu.memory_space<hbm>> -> memref<320xf32, #tpu.memory_space<hbm>>
      %dma_wait3A_604 = tpu.memref_slice %arg6[%mul3A_0] : memref<5120xf32, #tpu.memory_space<hbm>> -> memref<320xf32, #tpu.memory_space<hbm>>
      tpu.wait_dma2 semaphore(%run_scoped3A : memref<!tpu.dma_semaphore, #tpu.memory_space<semaphore_mem>>) src(%dma_wait3A_604 : memref<320xf32, #tpu.memory_space<hbm>>) dst(%arg10 : memref<320xf32, #tpu.memory_space<vmem>>)
      tpu.yield
    }) : () -> ()
    "tpu.region"() ({
      %run_scoped3A = tpu.sem_alloc : memref<!tpu.dma_semaphore, #tpu.memory_space<semaphore_mem>>
      tpu.enqueue_dma source(%arg7 : memref<256xf32, #tpu.memory_space<hbm>>) target(%arg11 : memref<256xf32, #tpu.memory_space<vmem>>) target_semaphore(%run_scoped3A : memref<!tpu.dma_semaphore, #tpu.memory_space<semaphore_mem>>)
      tpu.wait_dma2 semaphore(%run_scoped3A : memref<!tpu.dma_semaphore, #tpu.memory_space<semaphore_mem>>) src(%arg7 : memref<256xf32, #tpu.memory_space<hbm>>) dst(%arg11 : memref<256xf32, #tpu.memory_space<vmem>>)
      tpu.yield
    }) : () -> ()
    %get3A = arith.constant 0 : index
    %get3A_1 = tpu.vector_load %arg11[%get3A] {strides = array<i32>} : memref<256xf32, #tpu.memory_space<vmem>>, vector<16xf32>,
    %get3A_2 = arith.constant 64 : index
    %get3A_3 = tpu.vector_load %arg11[%get3A_2] {strides = array<i32>} : memref<256xf32, #tpu.memory_space<vmem>>, vector<16xf32>,
    %get3A_4 = arith.constant 128 : index
    %get3A_5 = tpu.vector_load %arg11[%get3A_4] {strides = array<i32>} : memref<256xf32, #tpu.memory_space<vmem>>, vector<16xf32>,
    %get3A_6 = arith.constant 192 : index
    %get3A_7 = tpu.vector_load %arg11[%get3A_6] {strides = array<i32>} : memref<256xf32, #tpu.memory_space<vmem>>, vector<16xf32>,
    %sub3A = arith.subf %get3A_5, %get3A_1 : vector<16xf32>
    %add3A = arith.constant 1.000000e+00 : f32
    %add3A_8 = vector.broadcast %add3A : f32 to vector<16xf32>
    %add3A_9 = arith.addf %sub3A, %add3A_8 : vector<16xf32>
    %sub3A_10 = arith.subf %get3A_7, %get3A_3 : vector<16xf32>
    %add3A_11 = arith.constant 1.000000e+00 : f32
    %add3A_12 = vector.broadcast %add3A_11 : f32 to vector<16xf32>
    %add3A_13 = arith.addf %sub3A_10, %add3A_12 : vector<16xf32>
    %mul3A_14 = arith.constant 5.000000e-01 : f32
    %mul3A_15 = vector.broadcast %mul3A_14 : f32 to vector<16xf32>
    %mul3A_16 = arith.mulf %mul3A_15, %add3A_9 : vector<16xf32>
    %add3A_17 = arith.addf %get3A_1, %mul3A_16 : vector<16xf32>
    %swap3A = arith.constant 0 : index
    %swap3A_18 = tpu.vector_load %arg12[%swap3A] {strides = array<i32>} : memref<256xf32, #tpu.memory_space<vmem>>, vector<16xf32>,
    tpu.vector_store %arg12[%swap3A], %add3A_17 {strides = array<i32>} : memref<256xf32, #tpu.memory_space<vmem>>, vector<16xf32>,
    %mul3A_19 = arith.constant 5.000000e-01 : f32
    %mul3A_20 = vector.broadcast %mul3A_19 : f32 to vector<16xf32>
    %mul3A_21 = arith.mulf %mul3A_20, %add3A_13 : vector<16xf32>
    %add3A_22 = arith.addf %get3A_3, %mul3A_21 : vector<16xf32>
    %swap3A_23 = arith.constant 64 : index
    %swap3A_24 = tpu.vector_load %arg12[%swap3A_23] {strides = array<i32>} : memref<256xf32, #tpu.memory_space<vmem>>, vector<16xf32>,
    tpu.vector_store %arg12[%swap3A_23], %add3A_22 {strides = array<i32>} : memref<256xf32, #tpu.memory_space<vmem>>, vector<16xf32>,
    %swap3A_25 = arith.constant 128 : index
    %swap3A_26 = tpu.vector_load %arg12[%swap3A_25] {strides = array<i32>} : memref<256xf32, #tpu.memory_space<vmem>>, vector<16xf32>,
    tpu.vector_store %arg12[%swap3A_25], %add3A_9 {strides = array<i32>} : memref<256xf32, #tpu.memory_space<vmem>>, vector<16xf32>,
    %swap3A_27 = arith.constant 192 : index
    %swap3A_28 = tpu.vector_load %arg12[%swap3A_27] {strides = array<i32>} : memref<256xf32, #tpu.memory_space<vmem>>, vector<16xf32>,
    tpu.vector_store %arg12[%swap3A_27], %add3A_13 {strides = array<i32>} : memref<256xf32, #tpu.memory_space<vmem>>, vector<16xf32>,
    %mul3A_29 = arith.mulf %add3A_9, %add3A_13 : vector<16xf32>
    %swap3A_30 = arith.constant 0 : index
    %swap3A_31 = tpu.vector_load %arg13[%swap3A_30] {strides = array<i32>} : memref<64xf32, #tpu.memory_space<vmem>>, vector<16xf32>,
    tpu.vector_store %arg13[%swap3A_30], %mul3A_29 {strides = array<i32>} : memref<64xf32, #tpu.memory_space<vmem>>, vector<16xf32>,
    %get3A_32 = arith.constant 16 : index
    %get3A_33 = tpu.vector_load %arg11[%get3A_32] {strides = array<i32>} : memref<256xf32, #tpu.memory_space<vmem>>, vector<16xf32>,
    %get3A_34 = arith.constant 80 : index
    %get3A_35 = tpu.vector_load %arg11[%get3A_34] {strides = array<i32>} : memref<256xf32, #tpu.memory_space<vmem>>, vector<16xf32>,
    %get3A_36 = arith.constant 144 : index
    %get3A_37 = tpu.vector_load %arg11[%get3A_36] {strides = array<i32>} : memref<256xf32, #tpu.memory_space<vmem>>, vector<16xf32>,
    %get3A_38 = arith.constant 208 : index
    %get3A_39 = tpu.vector_load %arg11[%get3A_38] {strides = array<i32>} : memref<256xf32, #tpu.memory_space<vmem>>, vector<16xf32>,
    %sub3A_40 = arith.subf %get3A_37, %get3A_33 : vector<16xf32>
    %add3A_41 = arith.constant 1.000000e+00 : f32
    %add3A_42 = vector.broadcast %add3A_41 : f32 to vector<16xf32>
    %add3A_43 = arith.addf %sub3A_40, %add3A_42 : vector<16xf32>
    %sub3A_44 = arith.subf %get3A_39, %get3A_35 : vector<16xf32>
    %add3A_45 = arith.constant 1.000000e+00 : f32
    %add3A_46 = vector.broadcast %add3A_45 : f32 to vector<16xf32>
    %add3A_47 = arith.addf %sub3A_44, %add3A_46 : vector<16xf32>
    %mul3A_48 = arith.constant 5.000000e-01 : f32
    %mul3A_49 = vector.broadcast %mul3A_48 : f32 to vector<16xf32>
    %mul3A_50 = arith.mulf %mul3A_49, %add3A_43 : vector<16xf32>
    %add3A_51 = arith.addf %get3A_33, %mul3A_50 : vector<16xf32>
    %swap3A_52 = arith.constant 16 : index
    %swap3A_53 = tpu.vector_load %arg12[%swap3A_52] {strides = array<i32>} : memref<256xf32, #tpu.memory_space<vmem>>, vector<16xf32>,
    tpu.vector_store %arg12[%swap3A_52], %add3A_51 {strides = array<i32>} : memref<256xf32, #tpu.memory_space<vmem>>, vector<16xf32>,
    %mul3A_54 = arith.constant 5.000000e-01 : f32
    %mul3A_55 = vector.broadcast %mul3A_54 : f32 to vector<16xf32>
    %mul3A_56 = arith.mulf %mul3A_55, %add3A_47 : vector<16xf32>
    %add3A_57 = arith.addf %get3A_35, %mul3A_56 : vector<16xf32>
    %swap3A_58 = arith.constant 80 : index
    %swap3A_59 = tpu.vector_load %arg12[%swap3A_58] {strides = array<i32>} : memref<256xf32, #tpu.memory_space<vmem>>, vector<16xf32>,
    tpu.vector_store %arg12[%swap3A_58], %add3A_57 {strides = array<i32>} : memref<256xf32, #tpu.memory_space<vmem>>, vector<16xf32>,
    %swap3A_60 = arith.constant 144 : index
    %swap3A_61 = tpu.vector_load %arg12[%swap3A_60] {strides = array<i32>} : memref<256xf32, #tpu.memory_space<vmem>>, vector<16xf32>,
    tpu.vector_store %arg12[%swap3A_60], %add3A_43 {strides = array<i32>} : memref<256xf32, #tpu.memory_space<vmem>>, vector<16xf32>,
    %swap3A_62 = arith.constant 208 : index
    %swap3A_63 = tpu.vector_load %arg12[%swap3A_62] {strides = array<i32>} : memref<256xf32, #tpu.memory_space<vmem>>, vector<16xf32>,
    tpu.vector_store %arg12[%swap3A_62], %add3A_47 {strides = array<i32>} : memref<256xf32, #tpu.memory_space<vmem>>, vector<16xf32>,
    %mul3A_64 = arith.mulf %add3A_43, %add3A_47 : vector<16xf32>
    %swap3A_65 = arith.constant 16 : index
    %swap3A_66 = tpu.vector_load %arg13[%swap3A_65] {strides = array<i32>} : memref<64xf32, #tpu.memory_space<vmem>>, vector<16xf32>,
    tpu.vector_store %arg13[%swap3A_65], %mul3A_64 {strides = array<i32>} : memref<64xf32, #tpu.memory_space<vmem>>, vector<16xf32>,
    %get3A_67 = arith.constant 32 : index
    %get3A_68 = tpu.vector_load %arg11[%get3A_67] {strides = array<i32>} : memref<256xf32, #tpu.memory_space<vmem>>, vector<16xf32>,
    %get3A_69 = arith.constant 96 : index
    %get3A_70 = tpu.vector_load %arg11[%get3A_69] {strides = array<i32>} : memref<256xf32, #tpu.memory_space<vmem>>, vector<16xf32>,
    %get3A_71 = arith.constant 160 : index
    %get3A_72 = tpu.vector_load %arg11[%get3A_71] {strides = array<i32>} : memref<256xf32, #tpu.memory_space<vmem>>, vector<16xf32>,
    %get3A_73 = arith.constant 224 : index
    %get3A_74 = tpu.vector_load %arg11[%get3A_73] {strides = array<i32>} : memref<256xf32, #tpu.memory_space<vmem>>, vector<16xf32>,
    %sub3A_75 = arith.subf %get3A_72, %get3A_68 : vector<16xf32>
    %add3A_76 = arith.constant 1.000000e+00 : f32
    %add3A_77 = vector.broadcast %add3A_76 : f32 to vector<16xf32>
    %add3A_78 = arith.addf %sub3A_75, %add3A_77 : vector<16xf32>
    %sub3A_79 = arith.subf %get3A_74, %get3A_70 : vector<16xf32>
    %add3A_80 = arith.constant 1.000000e+00 : f32
    %add3A_81 = vector.broadcast %add3A_80 : f32 to vector<16xf32>
    %add3A_82 = arith.addf %sub3A_79, %add3A_81 : vector<16xf32>
    %mul3A_83 = arith.constant 5.000000e-01 : f32
    %mul3A_84 = vector.broadcast %mul3A_83 : f32 to vector<16xf32>
    %mul3A_85 = arith.mulf %mul3A_84, %add3A_78 : vector<16xf32>
    %add3A_86 = arith.addf %get3A_68, %mul3A_85 : vector<16xf32>
    %swap3A_87 = arith.constant 32 : index
    %swap3A_88 = tpu.vector_load %arg12[%swap3A_87] {strides = array<i32>} : memref<256xf32, #tpu.memory_space<vmem>>, vector<16xf32>,
    tpu.vector_store %arg12[%swap3A_87], %add3A_86 {strides = array<i32>} : memref<256xf32, #tpu.memory_space<vmem>>, vector<16xf32>,
    %mul3A_89 = arith.constant 5.000000e-01 : f32
    %mul3A_90 = vector.broadcast %mul3A_89 : f32 to vector<16xf32>
    %mul3A_91 = arith.mulf %mul3A_90, %add3A_82 : vector<16xf32>
    %add3A_92 = arith.addf %get3A_70, %mul3A_91 : vector<16xf32>
    %swap3A_93 = arith.constant 96 : index
    %swap3A_94 = tpu.vector_load %arg12[%swap3A_93] {strides = array<i32>} : memref<256xf32, #tpu.memory_space<vmem>>, vector<16xf32>,
    tpu.vector_store %arg12[%swap3A_93], %add3A_92 {strides = array<i32>} : memref<256xf32, #tpu.memory_space<vmem>>, vector<16xf32>,
    %swap3A_95 = arith.constant 160 : index
    %swap3A_96 = tpu.vector_load %arg12[%swap3A_95] {strides = array<i32>} : memref<256xf32, #tpu.memory_space<vmem>>, vector<16xf32>,
    tpu.vector_store %arg12[%swap3A_95], %add3A_78 {strides = array<i32>} : memref<256xf32, #tpu.memory_space<vmem>>, vector<16xf32>,
    %swap3A_97 = arith.constant 224 : index
    %swap3A_98 = tpu.vector_load %arg12[%swap3A_97] {strides = array<i32>} : memref<256xf32, #tpu.memory_space<vmem>>, vector<16xf32>,
    tpu.vector_store %arg12[%swap3A_97], %add3A_82 {strides = array<i32>} : memref<256xf32, #tpu.memory_space<vmem>>, vector<16xf32>,
    %mul3A_99 = arith.mulf %add3A_78, %add3A_82 : vector<16xf32>
    %swap3A_100 = arith.constant 32 : index
    %swap3A_101 = tpu.vector_load %arg13[%swap3A_100] {strides = array<i32>} : memref<64xf32, #tpu.memory_space<vmem>>, vector<16xf32>,
    tpu.vector_store %arg13[%swap3A_100], %mul3A_99 {strides = array<i32>} : memref<64xf32, #tpu.memory_space<vmem>>, vector<16xf32>,
    %get3A_102 = arith.constant 48 : index
    %get3A_103 = tpu.vector_load %arg11[%get3A_102] {strides = array<i32>} : memref<256xf32, #tpu.memory_space<vmem>>, vector<16xf32>,
    %get3A_104 = arith.constant 112 : index
    %get3A_105 = tpu.vector_load %arg11[%get3A_104] {strides = array<i32>} : memref<256xf32, #tpu.memory_space<vmem>>, vector<16xf32>,
    %get3A_106 = arith.constant 176 : index
    %get3A_107 = tpu.vector_load %arg11[%get3A_106] {strides = array<i32>} : memref<256xf32, #tpu.memory_space<vmem>>, vector<16xf32>,
    %get3A_108 = arith.constant 240 : index
    %get3A_109 = tpu.vector_load %arg11[%get3A_108] {strides = array<i32>} : memref<256xf32, #tpu.memory_space<vmem>>, vector<16xf32>,
    %sub3A_110 = arith.subf %get3A_107, %get3A_103 : vector<16xf32>
    %add3A_111 = arith.constant 1.000000e+00 : f32
    %add3A_112 = vector.broadcast %add3A_111 : f32 to vector<16xf32>
    %add3A_113 = arith.addf %sub3A_110, %add3A_112 : vector<16xf32>
    %sub3A_114 = arith.subf %get3A_109, %get3A_105 : vector<16xf32>
    %add3A_115 = arith.constant 1.000000e+00 : f32
    %add3A_116 = vector.broadcast %add3A_115 : f32 to vector<16xf32>
    %add3A_117 = arith.addf %sub3A_114, %add3A_116 : vector<16xf32>
    %mul3A_118 = arith.constant 5.000000e-01 : f32
    %mul3A_119 = vector.broadcast %mul3A_118 : f32 to vector<16xf32>
    %mul3A_120 = arith.mulf %mul3A_119, %add3A_113 : vector<16xf32>
    %add3A_121 = arith.addf %get3A_103, %mul3A_120 : vector<16xf32>
    %swap3A_122 = arith.constant 48 : index
    %swap3A_123 = tpu.vector_load %arg12[%swap3A_122] {strides = array<i32>} : memref<256xf32, #tpu.memory_space<vmem>>, vector<16xf32>,
    tpu.vector_store %arg12[%swap3A_122], %add3A_121 {strides = array<i32>} : memref<256xf32, #tpu.memory_space<vmem>>, vector<16xf32>,
    %mul3A_124 = arith.constant 5.000000e-01 : f32
    %mul3A_125 = vector.broadcast %mul3A_124 : f32 to vector<16xf32>
    %mul3A_126 = arith.mulf %mul3A_125, %add3A_117 : vector<16xf32>
    %add3A_127 = arith.addf %get3A_105, %mul3A_126 : vector<16xf32>
    %swap3A_128 = arith.constant 112 : index
    %swap3A_129 = tpu.vector_load %arg12[%swap3A_128] {strides = array<i32>} : memref<256xf32, #tpu.memory_space<vmem>>, vector<16xf32>,
    tpu.vector_store %arg12[%swap3A_128], %add3A_127 {strides = array<i32>} : memref<256xf32, #tpu.memory_space<vmem>>, vector<16xf32>,
    %swap3A_130 = arith.constant 176 : index
    %swap3A_131 = tpu.vector_load %arg12[%swap3A_130] {strides = array<i32>} : memref<256xf32, #tpu.memory_space<vmem>>, vector<16xf32>,
    tpu.vector_store %arg12[%swap3A_130], %add3A_113 {strides = array<i32>} : memref<256xf32, #tpu.memory_space<vmem>>, vector<16xf32>,
    %swap3A_132 = arith.constant 240 : index
    %swap3A_133 = tpu.vector_load %arg12[%swap3A_132] {strides = array<i32>} : memref<256xf32, #tpu.memory_space<vmem>>, vector<16xf32>,
    tpu.vector_store %arg12[%swap3A_132], %add3A_117 {strides = array<i32>} : memref<256xf32, #tpu.memory_space<vmem>>, vector<16xf32>,
    %mul3A_134 = arith.mulf %add3A_113, %add3A_117 : vector<16xf32>
    %swap3A_135 = arith.constant 48 : index
    %swap3A_136 = tpu.vector_load %arg13[%swap3A_135] {strides = array<i32>} : memref<64xf32, #tpu.memory_space<vmem>>, vector<16xf32>,
    tpu.vector_store %arg13[%swap3A_135], %mul3A_134 {strides = array<i32>} : memref<64xf32, #tpu.memory_space<vmem>>, vector<16xf32>,
    %scan3A = arith.constant 0 : i32
    %scan3A_137 = arith.constant 0 : i32
    %scan3A_138 = arith.constant 20 : i32
    %scan3A_139 = arith.addi %scan3A_137, %scan3A_138 : i32
    %scan3A_140 = arith.constant 1 : i32
    scf.for %scan3A_603 = %scan3A_137 to %scan3A_139 step %scan3A_140  : i32 {
      %mul3A_604 = arith.constant 16 : i32
      %mul3A_605 = arith.muli %scan3A_603, %mul3A_604 : i32
      %mul3A_606 = arith.constant 16 : i32
      %mul3A_607 = arith.muli %scan3A_603, %mul3A_606 : i32
      %add3A_608 = arith.constant 0 : i32
      %add3A_609 = arith.addi %add3A_608, %mul3A_607 : i32
      %get3A_610 = arith.index_cast %add3A_609 : i32 to index
      %get3A_611 = tpu.vector_load %arg9[%get3A_610] {strides = array<i32>} : memref<1280xf32, #tpu.memory_space<vmem>>, vector<16xf32>,
      %mul3A_612 = arith.constant 16 : i32
      %mul3A_613 = arith.muli %scan3A_603, %mul3A_612 : i32
      %add3A_614 = arith.constant 320 : i32
      %add3A_615 = arith.addi %add3A_614, %mul3A_613 : i32
      %get3A_616 = arith.index_cast %add3A_615 : i32 to index
      %get3A_617 = tpu.vector_load %arg9[%get3A_616] {strides = array<i32>} : memref<1280xf32, #tpu.memory_space<vmem>>, vector<16xf32>,
      %mul3A_618 = arith.constant 16 : i32
      %mul3A_619 = arith.muli %scan3A_603, %mul3A_618 : i32
      %add3A_620 = arith.constant 640 : i32
      %add3A_621 = arith.addi %add3A_620, %mul3A_619 : i32
      %get3A_622 = arith.index_cast %add3A_621 : i32 to index
      %get3A_623 = tpu.vector_load %arg9[%get3A_622] {strides = array<i32>} : memref<1280xf32, #tpu.memory_space<vmem>>, vector<16xf32>,
      %mul3A_624 = arith.constant 16 : i32
      %mul3A_625 = arith.muli %scan3A_603, %mul3A_624 : i32
      %add3A_626 = arith.constant 960 : i32
      %add3A_627 = arith.addi %add3A_626, %mul3A_625 : i32
      %get3A_628 = arith.index_cast %add3A_627 : i32 to index
      %get3A_629 = tpu.vector_load %arg9[%get3A_628] {strides = array<i32>} : memref<1280xf32, #tpu.memory_space<vmem>>, vector<16xf32>,
      %sub3A_630 = arith.subf %get3A_623, %get3A_611 : vector<16xf32>
      %add3A_631 = arith.constant 1.000000e+00 : f32
      %add3A_632 = vector.broadcast %add3A_631 : f32 to vector<16xf32>
      %add3A_633 = arith.addf %sub3A_630, %add3A_632 : vector<16xf32>
      %sub3A_634 = arith.subf %get3A_629, %get3A_617 : vector<16xf32>
      %add3A_635 = arith.constant 1.000000e+00 : f32
      %add3A_636 = vector.broadcast %add3A_635 : f32 to vector<16xf32>
      %add3A_637 = arith.addf %sub3A_634, %add3A_636 : vector<16xf32>
      %mul3A_638 = arith.mulf %add3A_633, %add3A_637 : vector<16xf32>
      %swap3A_639 = arith.index_cast %mul3A_605 : i32 to index
      %swap3A_640 = tpu.vector_load %arg14[%swap3A_639] {strides = array<i32>} : memref<320xf32, #tpu.memory_space<vmem>>, vector<16xf32>,
      tpu.vector_store %arg14[%swap3A_639], %mul3A_638 {strides = array<i32>} : memref<320xf32, #tpu.memory_space<vmem>>, vector<16xf32>,
    }
    %scan3A_141 = arith.constant 20 : i32
    %scan3A_142 = arith.constant 0 : i32
    %scan3A_143 = arith.constant 0 : i32
    %scan3A_144 = arith.constant 4 : i32
    %scan3A_145 = arith.addi %scan3A_143, %scan3A_144 : i32
    %scan3A_146 = arith.constant 1 : i32
    scf.for %scan3A_603 = %scan3A_143 to %scan3A_145 step %scan3A_146  : i32 {
      %broadcast_in_dim3A_604 = arith.constant 0.000000e+00 : f32
      %broadcast_in_dim3A_605 = vector.broadcast %broadcast_in_dim3A_604 : f32 to vector<16xf32>
      %scan3A_606 = arith.constant 0 : i32
      %scan3A_607 = arith.constant 4 : i32
      %scan3A_608 = arith.addi %scan3A_606, %scan3A_607 : i32
      %scan3A_609 = arith.constant 1 : i32
      %scan3A_610 = scf.for %scan3A_616 = %scan3A_606 to %scan3A_608 step %scan3A_609 iter_args(%scan3A_617 = %broadcast_in_dim3A_605) -> (vector<16xf32>)  : i32 {
        %mul3A_618 = arith.constant 16 : i32
        %mul3A_619 = arith.muli %scan3A_603, %mul3A_618 : i32
        %mul3A_620 = arith.constant 4 : i32
        %mul3A_621 = arith.muli %scan3A_616, %mul3A_620 : i32
        %add3A_622 = arith.addi %mul3A_619, %mul3A_621 : i32
        %add3A_623 = arith.constant 0 : i32
        %add3A_624 = arith.addi %add3A_622, %add3A_623 : i32
        %broadcast_in_dim3A_625 = vector.broadcast %add3A_624 : i32 to vector<16xi32>
        %gather3A_626 = tpu.vector_load_idx %arg11[%broadcast_in_dim3A_625] : memref<256xf32, #tpu.memory_space<vmem>>[vector<16xi32>], vector<16xf32>,
        %broadcast_in_dim3A_627 = arith.constant 64 : i32
        %broadcast_in_dim3A_628 = vector.broadcast %broadcast_in_dim3A_627 : i32 to vector<16xi32>
        %add3A_629 = arith.addi %broadcast_in_dim3A_625, %broadcast_in_dim3A_628 : vector<16xi32>
        %gather3A_630 = tpu.vector_load_idx %arg11[%add3A_629] : memref<256xf32, #tpu.memory_space<vmem>>[vector<16xi32>], vector<16xf32>,
        %broadcast_in_dim3A_631 = arith.constant 128 : i32
        %broadcast_in_dim3A_632 = vector.broadcast %broadcast_in_dim3A_631 : i32 to vector<16xi32>
        %add3A_633 = arith.addi %broadcast_in_dim3A_625, %broadcast_in_dim3A_632 : vector<16xi32>
        %gather3A_634 = tpu.vector_load_idx %arg11[%add3A_633] : memref<256xf32, #tpu.memory_space<vmem>>[vector<16xi32>], vector<16xf32>,
        %broadcast_in_dim3A_635 = arith.constant 192 : i32
        %broadcast_in_dim3A_636 = vector.broadcast %broadcast_in_dim3A_635 : i32 to vector<16xi32>
        %add3A_637 = arith.addi %broadcast_in_dim3A_625, %broadcast_in_dim3A_636 : vector<16xi32>
        %gather3A_638 = tpu.vector_load_idx %arg11[%add3A_637] : memref<256xf32, #tpu.memory_space<vmem>>[vector<16xi32>], vector<16xf32>,
        %gather3A_639 = tpu.vector_load_idx %arg13[%broadcast_in_dim3A_625] : memref<64xf32, #tpu.memory_space<vmem>>[vector<16xi32>], vector<16xf32>,
        %mul3A_640 = arith.constant 16 : i32
        %mul3A_641 = arith.muli %scan3A_603, %mul3A_640 : i32
        %mul3A_642 = arith.constant 4 : i32
        %mul3A_643 = arith.muli %scan3A_616, %mul3A_642 : i32
        %add3A_644 = arith.addi %mul3A_641, %mul3A_643 : i32
        %add3A_645 = arith.constant 1 : i32
        %add3A_646 = arith.addi %add3A_644, %add3A_645 : i32
        %broadcast_in_dim3A_647 = vector.broadcast %add3A_646 : i32 to vector<16xi32>
        %gather3A_648 = tpu.vector_load_idx %arg11[%broadcast_in_dim3A_647] : memref<256xf32, #tpu.memory_space<vmem>>[vector<16xi32>], vector<16xf32>,
        %broadcast_in_dim3A_649 = arith.constant 64 : i32
        %broadcast_in_dim3A_650 = vector.broadcast %broadcast_in_dim3A_649 : i32 to vector<16xi32>
        %add3A_651 = arith.addi %broadcast_in_dim3A_647, %broadcast_in_dim3A_650 : vector<16xi32>
        %gather3A_652 = tpu.vector_load_idx %arg11[%add3A_651] : memref<256xf32, #tpu.memory_space<vmem>>[vector<16xi32>], vector<16xf32>,
        %broadcast_in_dim3A_653 = arith.constant 128 : i32
        %broadcast_in_dim3A_654 = vector.broadcast %broadcast_in_dim3A_653 : i32 to vector<16xi32>
        %add3A_655 = arith.addi %broadcast_in_dim3A_647, %broadcast_in_dim3A_654 : vector<16xi32>
        %gather3A_656 = tpu.vector_load_idx %arg11[%add3A_655] : memref<256xf32, #tpu.memory_space<vmem>>[vector<16xi32>], vector<16xf32>,
        %broadcast_in_dim3A_657 = arith.constant 192 : i32
        %broadcast_in_dim3A_658 = vector.broadcast %broadcast_in_dim3A_657 : i32 to vector<16xi32>
        %add3A_659 = arith.addi %broadcast_in_dim3A_647, %broadcast_in_dim3A_658 : vector<16xi32>
        %gather3A_660 = tpu.vector_load_idx %arg11[%add3A_659] : memref<256xf32, #tpu.memory_space<vmem>>[vector<16xi32>], vector<16xf32>,
        %gather3A_661 = tpu.vector_load_idx %arg13[%broadcast_in_dim3A_647] : memref<64xf32, #tpu.memory_space<vmem>>[vector<16xi32>], vector<16xf32>,
        %mul3A_662 = arith.constant 16 : i32
        %mul3A_663 = arith.muli %scan3A_603, %mul3A_662 : i32
        %mul3A_664 = arith.constant 4 : i32
        %mul3A_665 = arith.muli %scan3A_616, %mul3A_664 : i32
        %add3A_666 = arith.addi %mul3A_663, %mul3A_665 : i32
        %add3A_667 = arith.constant 2 : i32
        %add3A_668 = arith.addi %add3A_666, %add3A_667 : i32
        %broadcast_in_dim3A_669 = vector.broadcast %add3A_668 : i32 to vector<16xi32>
        %gather3A_670 = tpu.vector_load_idx %arg11[%broadcast_in_dim3A_669] : memref<256xf32, #tpu.memory_space<vmem>>[vector<16xi32>], vector<16xf32>,
        %broadcast_in_dim3A_671 = arith.constant 64 : i32
        %broadcast_in_dim3A_672 = vector.broadcast %broadcast_in_dim3A_671 : i32 to vector<16xi32>
        %add3A_673 = arith.addi %broadcast_in_dim3A_669, %broadcast_in_dim3A_672 : vector<16xi32>
        %gather3A_674 = tpu.vector_load_idx %arg11[%add3A_673] : memref<256xf32, #tpu.memory_space<vmem>>[vector<16xi32>], vector<16xf32>,
        %broadcast_in_dim3A_675 = arith.constant 128 : i32
        %broadcast_in_dim3A_676 = vector.broadcast %broadcast_in_dim3A_675 : i32 to vector<16xi32>
        %add3A_677 = arith.addi %broadcast_in_dim3A_669, %broadcast_in_dim3A_676 : vector<16xi32>
        %gather3A_678 = tpu.vector_load_idx %arg11[%add3A_677] : memref<256xf32, #tpu.memory_space<vmem>>[vector<16xi32>], vector<16xf32>,
        %broadcast_in_dim3A_679 = arith.constant 192 : i32
        %broadcast_in_dim3A_680 = vector.broadcast %broadcast_in_dim3A_679 : i32 to vector<16xi32>
        %add3A_681 = arith.addi %broadcast_in_dim3A_669, %broadcast_in_dim3A_680 : vector<16xi32>
        %gather3A_682 = tpu.vector_load_idx %arg11[%add3A_681] : memref<256xf32, #tpu.memory_space<vmem>>[vector<16xi32>], vector<16xf32>,
        %gather3A_683 = tpu.vector_load_idx %arg13[%broadcast_in_dim3A_669] : memref<64xf32, #tpu.memory_space<vmem>>[vector<16xi32>], vector<16xf32>,
        %mul3A_684 = arith.constant 16 : i32
        %mul3A_685 = arith.muli %scan3A_603, %mul3A_684 : i32
        %mul3A_686 = arith.constant 4 : i32
        %mul3A_687 = arith.muli %scan3A_616, %mul3A_686 : i32
        %add3A_688 = arith.addi %mul3A_685, %mul3A_687 : i32
        %add3A_689 = arith.constant 3 : i32
        %add3A_690 = arith.addi %add3A_688, %add3A_689 : i32
        %broadcast_in_dim3A_691 = vector.broadcast %add3A_690 : i32 to vector<16xi32>
        %gather3A_692 = tpu.vector_load_idx %arg11[%broadcast_in_dim3A_691] : memref<256xf32, #tpu.memory_space<vmem>>[vector<16xi32>], vector<16xf32>,
        %broadcast_in_dim3A_693 = arith.constant 64 : i32
        %broadcast_in_dim3A_694 = vector.broadcast %broadcast_in_dim3A_693 : i32 to vector<16xi32>
        %add3A_695 = arith.addi %broadcast_in_dim3A_691, %broadcast_in_dim3A_694 : vector<16xi32>
        %gather3A_696 = tpu.vector_load_idx %arg11[%add3A_695] : memref<256xf32, #tpu.memory_space<vmem>>[vector<16xi32>], vector<16xf32>,
        %broadcast_in_dim3A_697 = arith.constant 128 : i32
        %broadcast_in_dim3A_698 = vector.broadcast %broadcast_in_dim3A_697 : i32 to vector<16xi32>
        %add3A_699 = arith.addi %broadcast_in_dim3A_691, %broadcast_in_dim3A_698 : vector<16xi32>
        %gather3A_700 = tpu.vector_load_idx %arg11[%add3A_699] : memref<256xf32, #tpu.memory_space<vmem>>[vector<16xi32>], vector<16xf32>,
        %broadcast_in_dim3A_701 = arith.constant 192 : i32
        %broadcast_in_dim3A_702 = vector.broadcast %broadcast_in_dim3A_701 : i32 to vector<16xi32>
        %add3A_703 = arith.addi %broadcast_in_dim3A_691, %broadcast_in_dim3A_702 : vector<16xi32>
        %gather3A_704 = tpu.vector_load_idx %arg11[%add3A_703] : memref<256xf32, #tpu.memory_space<vmem>>[vector<16xi32>], vector<16xf32>,
        %gather3A_705 = tpu.vector_load_idx %arg13[%broadcast_in_dim3A_691] : memref<64xf32, #tpu.memory_space<vmem>>[vector<16xi32>], vector<16xf32>,
        %broadcast_in_dim3A_706 = arith.constant 0.000000e+00 : f32
        %broadcast_in_dim3A_707 = vector.broadcast %broadcast_in_dim3A_706 : f32 to vector<16xf32>
        %parallel_loop3A = arith.constant 0 : i32
        %parallel_loop3A_708 = arith.constant 10 : i32
        %parallel_loop3A_709 = arith.constant 1 : i32
        %parallel_loop3A_710:4 = scf.for %parallel_loop3A_762 = %parallel_loop3A to %parallel_loop3A_708 step %parallel_loop3A_709 iter_args(%parallel_loop3A_763 = %broadcast_in_dim3A_707, %parallel_loop3A_764 = %broadcast_in_dim3A_707, %parallel_loop3A_765 = %broadcast_in_dim3A_707, %parallel_loop3A_766 = %broadcast_in_dim3A_707) -> (vector<16xf32>, vector<16xf32>, vector<16xf32>, vector<16xf32>)  : i32 {
          %parallel_loop3A_767 = arith.constant 2 : i32
          %parallel_loop3A_768 = arith.muli %parallel_loop3A_762, %parallel_loop3A_767 : i32
          %parallel_loop3A_769 = arith.constant 0 : i32
          %parallel_loop3A_770 = arith.addi %parallel_loop3A_768, %parallel_loop3A_769 : i32
          %parallel_loop3A_771 = arith.constant 16 : i32
          %parallel_loop3A_772 = arith.muli %parallel_loop3A_770, %parallel_loop3A_771 : i32
          %parallel_loop3A_773 = arith.constant 16 : i32
          %parallel_loop3A_774 = arith.muli %parallel_loop3A_770, %parallel_loop3A_773 : i32
          %parallel_loop3A_775 = arith.constant 0 : i32
          %parallel_loop3A_776 = arith.addi %parallel_loop3A_775, %parallel_loop3A_774 : i32
          %parallel_loop3A_777 = arith.index_cast %parallel_loop3A_776 : i32 to index
          %parallel_loop3A_778 = tpu.vector_load %arg9[%parallel_loop3A_777] {strides = array<i32>} : memref<1280xf32, #tpu.memory_space<vmem>>, vector<16xf32>,
          %parallel_loop3A_779 = arith.constant 16 : i32
          %parallel_loop3A_780 = arith.muli %parallel_loop3A_770, %parallel_loop3A_779 : i32
          %parallel_loop3A_781 = arith.constant 320 : i32
          %parallel_loop3A_782 = arith.addi %parallel_loop3A_781, %parallel_loop3A_780 : i32
          %parallel_loop3A_783 = arith.index_cast %parallel_loop3A_782 : i32 to index
          %parallel_loop3A_784 = tpu.vector_load %arg9[%parallel_loop3A_783] {strides = array<i32>} : memref<1280xf32, #tpu.memory_space<vmem>>, vector<16xf32>,
          %parallel_loop3A_785 = arith.constant 16 : i32
          %parallel_loop3A_786 = arith.muli %parallel_loop3A_770, %parallel_loop3A_785 : i32
          %parallel_loop3A_787 = arith.constant 640 : i32
          %parallel_loop3A_788 = arith.addi %parallel_loop3A_787, %parallel_loop3A_786 : i32
          %parallel_loop3A_789 = arith.index_cast %parallel_loop3A_788 : i32 to index
          %parallel_loop3A_790 = tpu.vector_load %arg9[%parallel_loop3A_789] {strides = array<i32>} : memref<1280xf32, #tpu.memory_space<vmem>>, vector<16xf32>,
          %parallel_loop3A_791 = arith.constant 16 : i32
          %parallel_loop3A_792 = arith.muli %parallel_loop3A_770, %parallel_loop3A_791 : i32
          %parallel_loop3A_793 = arith.constant 960 : i32
          %parallel_loop3A_794 = arith.addi %parallel_loop3A_793, %parallel_loop3A_792 : i32
          %parallel_loop3A_795 = arith.index_cast %parallel_loop3A_794 : i32 to index
          %parallel_loop3A_796 = tpu.vector_load %arg9[%parallel_loop3A_795] {strides = array<i32>} : memref<1280xf32, #tpu.memory_space<vmem>>, vector<16xf32>,
          %parallel_loop3A_797 = arith.index_cast %parallel_loop3A_772 : i32 to index
          %parallel_loop3A_798 = tpu.vector_load %arg14[%parallel_loop3A_797] {strides = array<i32>} : memref<320xf32, #tpu.memory_space<vmem>>, vector<16xf32>,
          %parallel_loop3A_799 = arith.constant 16 : i32
          %parallel_loop3A_800 = arith.muli %scan3A_603, %parallel_loop3A_799 : i32
          %parallel_loop3A_801 = arith.constant 4 : i32
          %parallel_loop3A_802 = arith.muli %scan3A_616, %parallel_loop3A_801 : i32
          %parallel_loop3A_803 = arith.addi %parallel_loop3A_800, %parallel_loop3A_802 : i32
          %parallel_loop3A_804 = arith.constant 0 : i32
          %parallel_loop3A_805 = arith.addi %parallel_loop3A_803, %parallel_loop3A_804 : i32
          %parallel_loop3A_806 = arith.minimumf %parallel_loop3A_790, %gather3A_634 : vector<16xf32>
          %parallel_loop3A_807 = arith.maximumf %parallel_loop3A_778, %gather3A_626 : vector<16xf32>
          %parallel_loop3A_808 = arith.subf %parallel_loop3A_806, %parallel_loop3A_807 : vector<16xf32>
          %parallel_loop3A_809 = arith.constant 1.000000e+00 : f32
          %parallel_loop3A_810 = vector.broadcast %parallel_loop3A_809 : f32 to vector<16xf32>
          %parallel_loop3A_811 = arith.addf %parallel_loop3A_808, %parallel_loop3A_810 : vector<16xf32>
          %parallel_loop3A_812 = arith.constant 0.000000e+00 : f32
          %parallel_loop3A_813 = vector.broadcast %parallel_loop3A_812 : f32 to vector<16xf32>
          %parallel_loop3A_814 = arith.maximumf %parallel_loop3A_811, %parallel_loop3A_813 : vector<16xf32>
          %parallel_loop3A_815 = arith.minimumf %parallel_loop3A_796, %gather3A_638 : vector<16xf32>
          %parallel_loop3A_816 = arith.maximumf %parallel_loop3A_784, %gather3A_630 : vector<16xf32>
          %parallel_loop3A_817 = arith.subf %parallel_loop3A_815, %parallel_loop3A_816 : vector<16xf32>
          %parallel_loop3A_818 = arith.constant 1.000000e+00 : f32
          %parallel_loop3A_819 = vector.broadcast %parallel_loop3A_818 : f32 to vector<16xf32>
          %parallel_loop3A_820 = arith.addf %parallel_loop3A_817, %parallel_loop3A_819 : vector<16xf32>
          %parallel_loop3A_821 = arith.constant 0.000000e+00 : f32
          %parallel_loop3A_822 = vector.broadcast %parallel_loop3A_821 : f32 to vector<16xf32>
          %parallel_loop3A_823 = arith.maximumf %parallel_loop3A_820, %parallel_loop3A_822 : vector<16xf32>
          %parallel_loop3A_824 = arith.mulf %parallel_loop3A_814, %parallel_loop3A_823 : vector<16xf32>
          %parallel_loop3A_825 = arith.addf %parallel_loop3A_798, %gather3A_639 : vector<16xf32>
          %parallel_loop3A_826 = arith.subf %parallel_loop3A_825, %parallel_loop3A_824 : vector<16xf32>
          %parallel_loop3A_827 = arith.divf %parallel_loop3A_824, %parallel_loop3A_826 : vector<16xf32>
          %parallel_loop3A_828 = arith.constant 320 : i32
          %parallel_loop3A_829 = arith.muli %parallel_loop3A_805, %parallel_loop3A_828 : i32
          %parallel_loop3A_830 = arith.constant 16 : i32
          %parallel_loop3A_831 = arith.muli %parallel_loop3A_770, %parallel_loop3A_830 : i32
          %parallel_loop3A_832 = arith.addi %parallel_loop3A_829, %parallel_loop3A_831 : i32
          %parallel_loop3A_833 = arith.index_cast %parallel_loop3A_832 : i32 to index
          %parallel_loop3A_834 = tpu.vector_load %arg15[%parallel_loop3A_833] {strides = array<i32>} : memref<20480xf32, #tpu.memory_space<vmem>>, vector<16xf32>,
          tpu.vector_store %arg15[%parallel_loop3A_833], %parallel_loop3A_827 {strides = array<i32>} : memref<20480xf32, #tpu.memory_space<vmem>>, vector<16xf32>,
          %parallel_loop3A_835 = arith.maximumf %parallel_loop3A_763, %parallel_loop3A_827 : vector<16xf32>
          %parallel_loop3A_836 = arith.constant 16 : i32
          %parallel_loop3A_837 = arith.muli %scan3A_603, %parallel_loop3A_836 : i32
          %parallel_loop3A_838 = arith.constant 4 : i32
          %parallel_loop3A_839 = arith.muli %scan3A_616, %parallel_loop3A_838 : i32
          %parallel_loop3A_840 = arith.addi %parallel_loop3A_837, %parallel_loop3A_839 : i32
          %parallel_loop3A_841 = arith.constant 1 : i32
          %parallel_loop3A_842 = arith.addi %parallel_loop3A_840, %parallel_loop3A_841 : i32
          %parallel_loop3A_843 = arith.minimumf %parallel_loop3A_790, %gather3A_656 : vector<16xf32>
          %parallel_loop3A_844 = arith.maximumf %parallel_loop3A_778, %gather3A_648 : vector<16xf32>
          %parallel_loop3A_845 = arith.subf %parallel_loop3A_843, %parallel_loop3A_844 : vector<16xf32>
          %parallel_loop3A_846 = arith.constant 1.000000e+00 : f32
          %parallel_loop3A_847 = vector.broadcast %parallel_loop3A_846 : f32 to vector<16xf32>
          %parallel_loop3A_848 = arith.addf %parallel_loop3A_845, %parallel_loop3A_847 : vector<16xf32>
          %parallel_loop3A_849 = arith.constant 0.000000e+00 : f32
          %parallel_loop3A_850 = vector.broadcast %parallel_loop3A_849 : f32 to vector<16xf32>
          %parallel_loop3A_851 = arith.maximumf %parallel_loop3A_848, %parallel_loop3A_850 : vector<16xf32>
          %parallel_loop3A_852 = arith.minimumf %parallel_loop3A_796, %gather3A_660 : vector<16xf32>
          %parallel_loop3A_853 = arith.maximumf %parallel_loop3A_784, %gather3A_652 : vector<16xf32>
          %parallel_loop3A_854 = arith.subf %parallel_loop3A_852, %parallel_loop3A_853 : vector<16xf32>
          %parallel_loop3A_855 = arith.constant 1.000000e+00 : f32
          %parallel_loop3A_856 = vector.broadcast %parallel_loop3A_855 : f32 to vector<16xf32>
          %parallel_loop3A_857 = arith.addf %parallel_loop3A_854, %parallel_loop3A_856 : vector<16xf32>
          %parallel_loop3A_858 = arith.constant 0.000000e+00 : f32
          %parallel_loop3A_859 = vector.broadcast %parallel_loop3A_858 : f32 to vector<16xf32>
          %parallel_loop3A_860 = arith.maximumf %parallel_loop3A_857, %parallel_loop3A_859 : vector<16xf32>
          %parallel_loop3A_861 = arith.mulf %parallel_loop3A_851, %parallel_loop3A_860 : vector<16xf32>
          %parallel_loop3A_862 = arith.addf %parallel_loop3A_798, %gather3A_661 : vector<16xf32>
          %parallel_loop3A_863 = arith.subf %parallel_loop3A_862, %parallel_loop3A_861 : vector<16xf32>
          %parallel_loop3A_864 = arith.divf %parallel_loop3A_861, %parallel_loop3A_863 : vector<16xf32>
          %parallel_loop3A_865 = arith.constant 320 : i32
          %parallel_loop3A_866 = arith.muli %parallel_loop3A_842, %parallel_loop3A_865 : i32
          %parallel_loop3A_867 = arith.constant 16 : i32
          %parallel_loop3A_868 = arith.muli %parallel_loop3A_770, %parallel_loop3A_867 : i32
          %parallel_loop3A_869 = arith.addi %parallel_loop3A_866, %parallel_loop3A_868 : i32
          %parallel_loop3A_870 = arith.index_cast %parallel_loop3A_869 : i32 to index
          %parallel_loop3A_871 = tpu.vector_load %arg15[%parallel_loop3A_870] {strides = array<i32>} : memref<20480xf32, #tpu.memory_space<vmem>>, vector<16xf32>,
          tpu.vector_store %arg15[%parallel_loop3A_870], %parallel_loop3A_864 {strides = array<i32>} : memref<20480xf32, #tpu.memory_space<vmem>>, vector<16xf32>,
          %parallel_loop3A_872 = arith.maximumf %parallel_loop3A_764, %parallel_loop3A_864 : vector<16xf32>
          %parallel_loop3A_873 = arith.constant 16 : i32
          %parallel_loop3A_874 = arith.muli %scan3A_603, %parallel_loop3A_873 : i32
          %parallel_loop3A_875 = arith.constant 4 : i32
          %parallel_loop3A_876 = arith.muli %scan3A_616, %parallel_loop3A_875 : i32
          %parallel_loop3A_877 = arith.addi %parallel_loop3A_874, %parallel_loop3A_876 : i32
          %parallel_loop3A_878 = arith.constant 2 : i32
          %parallel_loop3A_879 = arith.addi %parallel_loop3A_877, %parallel_loop3A_878 : i32
          %parallel_loop3A_880 = arith.minimumf %parallel_loop3A_790, %gather3A_678 : vector<16xf32>
          %parallel_loop3A_881 = arith.maximumf %parallel_loop3A_778, %gather3A_670 : vector<16xf32>
          %parallel_loop3A_882 = arith.subf %parallel_loop3A_880, %parallel_loop3A_881 : vector<16xf32>
          %parallel_loop3A_883 = arith.constant 1.000000e+00 : f32
          %parallel_loop3A_884 = vector.broadcast %parallel_loop3A_883 : f32 to vector<16xf32>
          %parallel_loop3A_885 = arith.addf %parallel_loop3A_882, %parallel_loop3A_884 : vector<16xf32>
          %parallel_loop3A_886 = arith.constant 0.000000e+00 : f32
          %parallel_loop3A_887 = vector.broadcast %parallel_loop3A_886 : f32 to vector<16xf32>
          %parallel_loop3A_888 = arith.maximumf %parallel_loop3A_885, %parallel_loop3A_887 : vector<16xf32>
          %parallel_loop3A_889 = arith.minimumf %parallel_loop3A_796, %gather3A_682 : vector<16xf32>
          %parallel_loop3A_890 = arith.maximumf %parallel_loop3A_784, %gather3A_674 : vector<16xf32>
          %parallel_loop3A_891 = arith.subf %parallel_loop3A_889, %parallel_loop3A_890 : vector<16xf32>
          %parallel_loop3A_892 = arith.constant 1.000000e+00 : f32
          %parallel_loop3A_893 = vector.broadcast %parallel_loop3A_892 : f32 to vector<16xf32>
          %parallel_loop3A_894 = arith.addf %parallel_loop3A_891, %parallel_loop3A_893 : vector<16xf32>
          %parallel_loop3A_895 = arith.constant 0.000000e+00 : f32
          %parallel_loop3A_896 = vector.broadcast %parallel_loop3A_895 : f32 to vector<16xf32>
          %parallel_loop3A_897 = arith.maximumf %parallel_loop3A_894, %parallel_loop3A_896 : vector<16xf32>
          %parallel_loop3A_898 = arith.mulf %parallel_loop3A_888, %parallel_loop3A_897 : vector<16xf32>
          %parallel_loop3A_899 = arith.addf %parallel_loop3A_798, %gather3A_683 : vector<16xf32>
          %parallel_loop3A_900 = arith.subf %parallel_loop3A_899, %parallel_loop3A_898 : vector<16xf32>
          %parallel_loop3A_901 = arith.divf %parallel_loop3A_898, %parallel_loop3A_900 : vector<16xf32>
          %parallel_loop3A_902 = arith.constant 320 : i32
          %parallel_loop3A_903 = arith.muli %parallel_loop3A_879, %parallel_loop3A_902 : i32
          %parallel_loop3A_904 = arith.constant 16 : i32
          %parallel_loop3A_905 = arith.muli %parallel_loop3A_770, %parallel_loop3A_904 : i32
          %parallel_loop3A_906 = arith.addi %parallel_loop3A_903, %parallel_loop3A_905 : i32
          %parallel_loop3A_907 = arith.index_cast %parallel_loop3A_906 : i32 to index
          %parallel_loop3A_908 = tpu.vector_load %arg15[%parallel_loop3A_907] {strides = array<i32>} : memref<20480xf32, #tpu.memory_space<vmem>>, vector<16xf32>,
          tpu.vector_store %arg15[%parallel_loop3A_907], %parallel_loop3A_901 {strides = array<i32>} : memref<20480xf32, #tpu.memory_space<vmem>>, vector<16xf32>,
          %parallel_loop3A_909 = arith.maximumf %parallel_loop3A_765, %parallel_loop3A_901 : vector<16xf32>
          %parallel_loop3A_910 = arith.constant 16 : i32
          %parallel_loop3A_911 = arith.muli %scan3A_603, %parallel_loop3A_910 : i32
          %parallel_loop3A_912 = arith.constant 4 : i32
          %parallel_loop3A_913 = arith.muli %scan3A_616, %parallel_loop3A_912 : i32
          %parallel_loop3A_914 = arith.addi %parallel_loop3A_911, %parallel_loop3A_913 : i32
          %parallel_loop3A_915 = arith.constant 3 : i32
          %parallel_loop3A_916 = arith.addi %parallel_loop3A_914, %parallel_loop3A_915 : i32
          %parallel_loop3A_917 = arith.minimumf %parallel_loop3A_790, %gather3A_700 : vector<16xf32>
          %parallel_loop3A_918 = arith.maximumf %parallel_loop3A_778, %gather3A_692 : vector<16xf32>
          %parallel_loop3A_919 = arith.subf %parallel_loop3A_917, %parallel_loop3A_918 : vector<16xf32>
          %parallel_loop3A_920 = arith.constant 1.000000e+00 : f32
          %parallel_loop3A_921 = vector.broadcast %parallel_loop3A_920 : f32 to vector<16xf32>
          %parallel_loop3A_922 = arith.addf %parallel_loop3A_919, %parallel_loop3A_921 : vector<16xf32>
          %parallel_loop3A_923 = arith.constant 0.000000e+00 : f32
          %parallel_loop3A_924 = vector.broadcast %parallel_loop3A_923 : f32 to vector<16xf32>
          %parallel_loop3A_925 = arith.maximumf %parallel_loop3A_922, %parallel_loop3A_924 : vector<16xf32>
          %parallel_loop3A_926 = arith.minimumf %parallel_loop3A_796, %gather3A_704 : vector<16xf32>
          %parallel_loop3A_927 = arith.maximumf %parallel_loop3A_784, %gather3A_696 : vector<16xf32>
          %parallel_loop3A_928 = arith.subf %parallel_loop3A_926, %parallel_loop3A_927 : vector<16xf32>
          %parallel_loop3A_929 = arith.constant 1.000000e+00 : f32
          %parallel_loop3A_930 = vector.broadcast %parallel_loop3A_929 : f32 to vector<16xf32>
          %parallel_loop3A_931 = arith.addf %parallel_loop3A_928, %parallel_loop3A_930 : vector<16xf32>
          %parallel_loop3A_932 = arith.constant 0.000000e+00 : f32
          %parallel_loop3A_933 = vector.broadcast %parallel_loop3A_932 : f32 to vector<16xf32>
          %parallel_loop3A_934 = arith.maximumf %parallel_loop3A_931, %parallel_loop3A_933 : vector<16xf32>
          %parallel_loop3A_935 = arith.mulf %parallel_loop3A_925, %parallel_loop3A_934 : vector<16xf32>
          %parallel_loop3A_936 = arith.addf %parallel_loop3A_798, %gather3A_705 : vector<16xf32>
          %parallel_loop3A_937 = arith.subf %parallel_loop3A_936, %parallel_loop3A_935 : vector<16xf32>
          %parallel_loop3A_938 = arith.divf %parallel_loop3A_935, %parallel_loop3A_937 : vector<16xf32>
          %parallel_loop3A_939 = arith.constant 320 : i32
          %parallel_loop3A_940 = arith.muli %parallel_loop3A_916, %parallel_loop3A_939 : i32
          %parallel_loop3A_941 = arith.constant 16 : i32
          %parallel_loop3A_942 = arith.muli %parallel_loop3A_770, %parallel_loop3A_941 : i32
          %parallel_loop3A_943 = arith.addi %parallel_loop3A_940, %parallel_loop3A_942 : i32
          %parallel_loop3A_944 = arith.index_cast %parallel_loop3A_943 : i32 to index
          %parallel_loop3A_945 = tpu.vector_load %arg15[%parallel_loop3A_944] {strides = array<i32>} : memref<20480xf32, #tpu.memory_space<vmem>>, vector<16xf32>,
          tpu.vector_store %arg15[%parallel_loop3A_944], %parallel_loop3A_938 {strides = array<i32>} : memref<20480xf32, #tpu.memory_space<vmem>>, vector<16xf32>,
          %parallel_loop3A_946 = arith.maximumf %parallel_loop3A_766, %parallel_loop3A_938 : vector<16xf32>
          %parallel_loop3A_947 = arith.constant 2 : i32
          %parallel_loop3A_948 = arith.muli %parallel_loop3A_762, %parallel_loop3A_947 : i32
          %parallel_loop3A_949 = arith.constant 1 : i32
          %parallel_loop3A_950 = arith.addi %parallel_loop3A_948, %parallel_loop3A_949 : i32
          %parallel_loop3A_951 = arith.constant 16 : i32
          %parallel_loop3A_952 = arith.muli %parallel_loop3A_950, %parallel_loop3A_951 : i32
          %parallel_loop3A_953 = arith.constant 16 : i32
          %parallel_loop3A_954 = arith.muli %parallel_loop3A_950, %parallel_loop3A_953 : i32
          %parallel_loop3A_955 = arith.constant 0 : i32
          %parallel_loop3A_956 = arith.addi %parallel_loop3A_955, %parallel_loop3A_954 : i32
          %parallel_loop3A_957 = arith.index_cast %parallel_loop3A_956 : i32 to index
          %parallel_loop3A_958 = tpu.vector_load %arg9[%parallel_loop3A_957] {strides = array<i32>} : memref<1280xf32, #tpu.memory_space<vmem>>, vector<16xf32>,
          %parallel_loop3A_959 = arith.constant 16 : i32
          %parallel_loop3A_960 = arith.muli %parallel_loop3A_950, %parallel_loop3A_959 : i32
          %parallel_loop3A_961 = arith.constant 320 : i32
          %parallel_loop3A_962 = arith.addi %parallel_loop3A_961, %parallel_loop3A_960 : i32
          %parallel_loop3A_963 = arith.index_cast %parallel_loop3A_962 : i32 to index
          %parallel_loop3A_964 = tpu.vector_load %arg9[%parallel_loop3A_963] {strides = array<i32>} : memref<1280xf32, #tpu.memory_space<vmem>>, vector<16xf32>,
          %parallel_loop3A_965 = arith.constant 16 : i32
          %parallel_loop3A_966 = arith.muli %parallel_loop3A_950, %parallel_loop3A_965 : i32
          %parallel_loop3A_967 = arith.constant 640 : i32
          %parallel_loop3A_968 = arith.addi %parallel_loop3A_967, %parallel_loop3A_966 : i32
          %parallel_loop3A_969 = arith.index_cast %parallel_loop3A_968 : i32 to index
          %parallel_loop3A_970 = tpu.vector_load %arg9[%parallel_loop3A_969] {strides = array<i32>} : memref<1280xf32, #tpu.memory_space<vmem>>, vector<16xf32>,
          %parallel_loop3A_971 = arith.constant 16 : i32
          %parallel_loop3A_972 = arith.muli %parallel_loop3A_950, %parallel_loop3A_971 : i32
          %parallel_loop3A_973 = arith.constant 960 : i32
          %parallel_loop3A_974 = arith.addi %parallel_loop3A_973, %parallel_loop3A_972 : i32
          %parallel_loop3A_975 = arith.index_cast %parallel_loop3A_974 : i32 to index
          %parallel_loop3A_976 = tpu.vector_load %arg9[%parallel_loop3A_975] {strides = array<i32>} : memref<1280xf32, #tpu.memory_space<vmem>>, vector<16xf32>,
          %parallel_loop3A_977 = arith.index_cast %parallel_loop3A_952 : i32 to index
          %parallel_loop3A_978 = tpu.vector_load %arg14[%parallel_loop3A_977] {strides = array<i32>} : memref<320xf32, #tpu.memory_space<vmem>>, vector<16xf32>,
          %parallel_loop3A_979 = arith.constant 16 : i32
          %parallel_loop3A_980 = arith.muli %scan3A_603, %parallel_loop3A_979 : i32
          %parallel_loop3A_981 = arith.constant 4 : i32
          %parallel_loop3A_982 = arith.muli %scan3A_616, %parallel_loop3A_981 : i32
          %parallel_loop3A_983 = arith.addi %parallel_loop3A_980, %parallel_loop3A_982 : i32
          %parallel_loop3A_984 = arith.constant 0 : i32
          %parallel_loop3A_985 = arith.addi %parallel_loop3A_983, %parallel_loop3A_984 : i32
          %parallel_loop3A_986 = arith.minimumf %parallel_loop3A_970, %gather3A_634 : vector<16xf32>
          %parallel_loop3A_987 = arith.maximumf %parallel_loop3A_958, %gather3A_626 : vector<16xf32>
          %parallel_loop3A_988 = arith.subf %parallel_loop3A_986, %parallel_loop3A_987 : vector<16xf32>
          %parallel_loop3A_989 = arith.constant 1.000000e+00 : f32
          %parallel_loop3A_990 = vector.broadcast %parallel_loop3A_989 : f32 to vector<16xf32>
          %parallel_loop3A_991 = arith.addf %parallel_loop3A_988, %parallel_loop3A_990 : vector<16xf32>
          %parallel_loop3A_992 = arith.constant 0.000000e+00 : f32
          %parallel_loop3A_993 = vector.broadcast %parallel_loop3A_992 : f32 to vector<16xf32>
          %parallel_loop3A_994 = arith.maximumf %parallel_loop3A_991, %parallel_loop3A_993 : vector<16xf32>
          %parallel_loop3A_995 = arith.minimumf %parallel_loop3A_976, %gather3A_638 : vector<16xf32>
          %parallel_loop3A_996 = arith.maximumf %parallel_loop3A_964, %gather3A_630 : vector<16xf32>
          %parallel_loop3A_997 = arith.subf %parallel_loop3A_995, %parallel_loop3A_996 : vector<16xf32>
          %parallel_loop3A_998 = arith.constant 1.000000e+00 : f32
          %parallel_loop3A_999 = vector.broadcast %parallel_loop3A_998 : f32 to vector<16xf32>
          %parallel_loop3A_1000 = arith.addf %parallel_loop3A_997, %parallel_loop3A_999 : vector<16xf32>
          %parallel_loop3A_1001 = arith.constant 0.000000e+00 : f32
          %parallel_loop3A_1002 = vector.broadcast %parallel_loop3A_1001 : f32 to vector<16xf32>
          %parallel_loop3A_1003 = arith.maximumf %parallel_loop3A_1000, %parallel_loop3A_1002 : vector<16xf32>
          %parallel_loop3A_1004 = arith.mulf %parallel_loop3A_994, %parallel_loop3A_1003 : vector<16xf32>
          %parallel_loop3A_1005 = arith.addf %parallel_loop3A_978, %gather3A_639 : vector<16xf32>
          %parallel_loop3A_1006 = arith.subf %parallel_loop3A_1005, %parallel_loop3A_1004 : vector<16xf32>
          %parallel_loop3A_1007 = arith.divf %parallel_loop3A_1004, %parallel_loop3A_1006 : vector<16xf32>
          %parallel_loop3A_1008 = arith.constant 320 : i32
          %parallel_loop3A_1009 = arith.muli %parallel_loop3A_985, %parallel_loop3A_1008 : i32
          %parallel_loop3A_1010 = arith.constant 16 : i32
          %parallel_loop3A_1011 = arith.muli %parallel_loop3A_950, %parallel_loop3A_1010 : i32
          %parallel_loop3A_1012 = arith.addi %parallel_loop3A_1009, %parallel_loop3A_1011 : i32
          %parallel_loop3A_1013 = arith.index_cast %parallel_loop3A_1012 : i32 to index
          %parallel_loop3A_1014 = tpu.vector_load %arg15[%parallel_loop3A_1013] {strides = array<i32>} : memref<20480xf32, #tpu.memory_space<vmem>>, vector<16xf32>,
          tpu.vector_store %arg15[%parallel_loop3A_1013], %parallel_loop3A_1007 {strides = array<i32>} : memref<20480xf32, #tpu.memory_space<vmem>>, vector<16xf32>,
          %parallel_loop3A_1015 = arith.maximumf %parallel_loop3A_835, %parallel_loop3A_1007 : vector<16xf32>
          %parallel_loop3A_1016 = arith.constant 16 : i32
          %parallel_loop3A_1017 = arith.muli %scan3A_603, %parallel_loop3A_1016 : i32
          %parallel_loop3A_1018 = arith.constant 4 : i32
          %parallel_loop3A_1019 = arith.muli %scan3A_616, %parallel_loop3A_1018 : i32
          %parallel_loop3A_1020 = arith.addi %parallel_loop3A_1017, %parallel_loop3A_1019 : i32
          %parallel_loop3A_1021 = arith.constant 1 : i32
          %parallel_loop3A_1022 = arith.addi %parallel_loop3A_1020, %parallel_loop3A_1021 : i32
          %parallel_loop3A_1023 = arith.minimumf %parallel_loop3A_970, %gather3A_656 : vector<16xf32>
          %parallel_loop3A_1024 = arith.maximumf %parallel_loop3A_958, %gather3A_648 : vector<16xf32>
          %parallel_loop3A_1025 = arith.subf %parallel_loop3A_1023, %parallel_loop3A_1024 : vector<16xf32>
          %parallel_loop3A_1026 = arith.constant 1.000000e+00 : f32
          %parallel_loop3A_1027 = vector.broadcast %parallel_loop3A_1026 : f32 to vector<16xf32>
          %parallel_loop3A_1028 = arith.addf %parallel_loop3A_1025, %parallel_loop3A_1027 : vector<16xf32>
          %parallel_loop3A_1029 = arith.constant 0.000000e+00 : f32
          %parallel_loop3A_1030 = vector.broadcast %parallel_loop3A_1029 : f32 to vector<16xf32>
          %parallel_loop3A_1031 = arith.maximumf %parallel_loop3A_1028, %parallel_loop3A_1030 : vector<16xf32>
          %parallel_loop3A_1032 = arith.minimumf %parallel_loop3A_976, %gather3A_660 : vector<16xf32>
          %parallel_loop3A_1033 = arith.maximumf %parallel_loop3A_964, %gather3A_652 : vector<16xf32>
          %parallel_loop3A_1034 = arith.subf %parallel_loop3A_1032, %parallel_loop3A_1033 : vector<16xf32>
          %parallel_loop3A_1035 = arith.constant 1.000000e+00 : f32
          %parallel_loop3A_1036 = vector.broadcast %parallel_loop3A_1035 : f32 to vector<16xf32>
          %parallel_loop3A_1037 = arith.addf %parallel_loop3A_1034, %parallel_loop3A_1036 : vector<16xf32>
          %parallel_loop3A_1038 = arith.constant 0.000000e+00 : f32
          %parallel_loop3A_1039 = vector.broadcast %parallel_loop3A_1038 : f32 to vector<16xf32>
          %parallel_loop3A_1040 = arith.maximumf %parallel_loop3A_1037, %parallel_loop3A_1039 : vector<16xf32>
          %parallel_loop3A_1041 = arith.mulf %parallel_loop3A_1031, %parallel_loop3A_1040 : vector<16xf32>
          %parallel_loop3A_1042 = arith.addf %parallel_loop3A_978, %gather3A_661 : vector<16xf32>
          %parallel_loop3A_1043 = arith.subf %parallel_loop3A_1042, %parallel_loop3A_1041 : vector<16xf32>
          %parallel_loop3A_1044 = arith.divf %parallel_loop3A_1041, %parallel_loop3A_1043 : vector<16xf32>
          %parallel_loop3A_1045 = arith.constant 320 : i32
          %parallel_loop3A_1046 = arith.muli %parallel_loop3A_1022, %parallel_loop3A_1045 : i32
          %parallel_loop3A_1047 = arith.constant 16 : i32
          %parallel_loop3A_1048 = arith.muli %parallel_loop3A_950, %parallel_loop3A_1047 : i32
          %parallel_loop3A_1049 = arith.addi %parallel_loop3A_1046, %parallel_loop3A_1048 : i32
          %parallel_loop3A_1050 = arith.index_cast %parallel_loop3A_1049 : i32 to index
          %parallel_loop3A_1051 = tpu.vector_load %arg15[%parallel_loop3A_1050] {strides = array<i32>} : memref<20480xf32, #tpu.memory_space<vmem>>, vector<16xf32>,
          tpu.vector_store %arg15[%parallel_loop3A_1050], %parallel_loop3A_1044 {strides = array<i32>} : memref<20480xf32, #tpu.memory_space<vmem>>, vector<16xf32>,
          %parallel_loop3A_1052 = arith.maximumf %parallel_loop3A_872, %parallel_loop3A_1044 : vector<16xf32>
          %parallel_loop3A_1053 = arith.constant 16 : i32
          %parallel_loop3A_1054 = arith.muli %scan3A_603, %parallel_loop3A_1053 : i32
          %parallel_loop3A_1055 = arith.constant 4 : i32
          %parallel_loop3A_1056 = arith.muli %scan3A_616, %parallel_loop3A_1055 : i32
          %parallel_loop3A_1057 = arith.addi %parallel_loop3A_1054, %parallel_loop3A_1056 : i32
          %parallel_loop3A_1058 = arith.constant 2 : i32
          %parallel_loop3A_1059 = arith.addi %parallel_loop3A_1057, %parallel_loop3A_1058 : i32
          %parallel_loop3A_1060 = arith.minimumf %parallel_loop3A_970, %gather3A_678 : vector<16xf32>
          %parallel_loop3A_1061 = arith.maximumf %parallel_loop3A_958, %gather3A_670 : vector<16xf32>
          %parallel_loop3A_1062 = arith.subf %parallel_loop3A_1060, %parallel_loop3A_1061 : vector<16xf32>
          %parallel_loop3A_1063 = arith.constant 1.000000e+00 : f32
          %parallel_loop3A_1064 = vector.broadcast %parallel_loop3A_1063 : f32 to vector<16xf32>
          %parallel_loop3A_1065 = arith.addf %parallel_loop3A_1062, %parallel_loop3A_1064 : vector<16xf32>
          %parallel_loop3A_1066 = arith.constant 0.000000e+00 : f32
          %parallel_loop3A_1067 = vector.broadcast %parallel_loop3A_1066 : f32 to vector<16xf32>
          %parallel_loop3A_1068 = arith.maximumf %parallel_loop3A_1065, %parallel_loop3A_1067 : vector<16xf32>
          %parallel_loop3A_1069 = arith.minimumf %parallel_loop3A_976, %gather3A_682 : vector<16xf32>
          %parallel_loop3A_1070 = arith.maximumf %parallel_loop3A_964, %gather3A_674 : vector<16xf32>
          %parallel_loop3A_1071 = arith.subf %parallel_loop3A_1069, %parallel_loop3A_1070 : vector<16xf32>
          %parallel_loop3A_1072 = arith.constant 1.000000e+00 : f32
          %parallel_loop3A_1073 = vector.broadcast %parallel_loop3A_1072 : f32 to vector<16xf32>
          %parallel_loop3A_1074 = arith.addf %parallel_loop3A_1071, %parallel_loop3A_1073 : vector<16xf32>
          %parallel_loop3A_1075 = arith.constant 0.000000e+00 : f32
          %parallel_loop3A_1076 = vector.broadcast %parallel_loop3A_1075 : f32 to vector<16xf32>
          %parallel_loop3A_1077 = arith.maximumf %parallel_loop3A_1074, %parallel_loop3A_1076 : vector<16xf32>
          %parallel_loop3A_1078 = arith.mulf %parallel_loop3A_1068, %parallel_loop3A_1077 : vector<16xf32>
          %parallel_loop3A_1079 = arith.addf %parallel_loop3A_978, %gather3A_683 : vector<16xf32>
          %parallel_loop3A_1080 = arith.subf %parallel_loop3A_1079, %parallel_loop3A_1078 : vector<16xf32>
          %parallel_loop3A_1081 = arith.divf %parallel_loop3A_1078, %parallel_loop3A_1080 : vector<16xf32>
          %parallel_loop3A_1082 = arith.constant 320 : i32
          %parallel_loop3A_1083 = arith.muli %parallel_loop3A_1059, %parallel_loop3A_1082 : i32
          %parallel_loop3A_1084 = arith.constant 16 : i32
          %parallel_loop3A_1085 = arith.muli %parallel_loop3A_950, %parallel_loop3A_1084 : i32
          %parallel_loop3A_1086 = arith.addi %parallel_loop3A_1083, %parallel_loop3A_1085 : i32
          %parallel_loop3A_1087 = arith.index_cast %parallel_loop3A_1086 : i32 to index
          %parallel_loop3A_1088 = tpu.vector_load %arg15[%parallel_loop3A_1087] {strides = array<i32>} : memref<20480xf32, #tpu.memory_space<vmem>>, vector<16xf32>,
          tpu.vector_store %arg15[%parallel_loop3A_1087], %parallel_loop3A_1081 {strides = array<i32>} : memref<20480xf32, #tpu.memory_space<vmem>>, vector<16xf32>,
          %parallel_loop3A_1089 = arith.maximumf %parallel_loop3A_909, %parallel_loop3A_1081 : vector<16xf32>
          %parallel_loop3A_1090 = arith.constant 16 : i32
          %parallel_loop3A_1091 = arith.muli %scan3A_603, %parallel_loop3A_1090 : i32
          %parallel_loop3A_1092 = arith.constant 4 : i32
          %parallel_loop3A_1093 = arith.muli %scan3A_616, %parallel_loop3A_1092 : i32
          %parallel_loop3A_1094 = arith.addi %parallel_loop3A_1091, %parallel_loop3A_1093 : i32
          %parallel_loop3A_1095 = arith.constant 3 : i32
          %parallel_loop3A_1096 = arith.addi %parallel_loop3A_1094, %parallel_loop3A_1095 : i32
          %parallel_loop3A_1097 = arith.minimumf %parallel_loop3A_970, %gather3A_700 : vector<16xf32>
          %parallel_loop3A_1098 = arith.maximumf %parallel_loop3A_958, %gather3A_692 : vector<16xf32>
          %parallel_loop3A_1099 = arith.subf %parallel_loop3A_1097, %parallel_loop3A_1098 : vector<16xf32>
          %parallel_loop3A_1100 = arith.constant 1.000000e+00 : f32
          %parallel_loop3A_1101 = vector.broadcast %parallel_loop3A_1100 : f32 to vector<16xf32>
          %parallel_loop3A_1102 = arith.addf %parallel_loop3A_1099, %parallel_loop3A_1101 : vector<16xf32>
          %parallel_loop3A_1103 = arith.constant 0.000000e+00 : f32
          %parallel_loop3A_1104 = vector.broadcast %parallel_loop3A_1103 : f32 to vector<16xf32>
          %parallel_loop3A_1105 = arith.maximumf %parallel_loop3A_1102, %parallel_loop3A_1104 : vector<16xf32>
          %parallel_loop3A_1106 = arith.minimumf %parallel_loop3A_976, %gather3A_704 : vector<16xf32>
          %parallel_loop3A_1107 = arith.maximumf %parallel_loop3A_964, %gather3A_696 : vector<16xf32>
          %parallel_loop3A_1108 = arith.subf %parallel_loop3A_1106, %parallel_loop3A_1107 : vector<16xf32>
          %parallel_loop3A_1109 = arith.constant 1.000000e+00 : f32
          %parallel_loop3A_1110 = vector.broadcast %parallel_loop3A_1109 : f32 to vector<16xf32>
          %parallel_loop3A_1111 = arith.addf %parallel_loop3A_1108, %parallel_loop3A_1110 : vector<16xf32>
          %parallel_loop3A_1112 = arith.constant 0.000000e+00 : f32
          %parallel_loop3A_1113 = vector.broadcast %parallel_loop3A_1112 : f32 to vector<16xf32>
          %parallel_loop3A_1114 = arith.maximumf %parallel_loop3A_1111, %parallel_loop3A_1113 : vector<16xf32>
          %parallel_loop3A_1115 = arith.mulf %parallel_loop3A_1105, %parallel_loop3A_1114 : vector<16xf32>
          %parallel_loop3A_1116 = arith.addf %parallel_loop3A_978, %gather3A_705 : vector<16xf32>
          %parallel_loop3A_1117 = arith.subf %parallel_loop3A_1116, %parallel_loop3A_1115 : vector<16xf32>
          %parallel_loop3A_1118 = arith.divf %parallel_loop3A_1115, %parallel_loop3A_1117 : vector<16xf32>
          %parallel_loop3A_1119 = arith.constant 320 : i32
          %parallel_loop3A_1120 = arith.muli %parallel_loop3A_1096, %parallel_loop3A_1119 : i32
          %parallel_loop3A_1121 = arith.constant 16 : i32
          %parallel_loop3A_1122 = arith.muli %parallel_loop3A_950, %parallel_loop3A_1121 : i32
          %parallel_loop3A_1123 = arith.addi %parallel_loop3A_1120, %parallel_loop3A_1122 : i32
          %parallel_loop3A_1124 = arith.index_cast %parallel_loop3A_1123 : i32 to index
          %parallel_loop3A_1125 = tpu.vector_load %arg15[%parallel_loop3A_1124] {strides = array<i32>} : memref<20480xf32, #tpu.memory_space<vmem>>, vector<16xf32>,
          tpu.vector_store %arg15[%parallel_loop3A_1124], %parallel_loop3A_1118 {strides = array<i32>} : memref<20480xf32, #tpu.memory_space<vmem>>, vector<16xf32>,
          %parallel_loop3A_1126 = arith.maximumf %parallel_loop3A_946, %parallel_loop3A_1118 : vector<16xf32>
          scf.yield %parallel_loop3A_1015, %parallel_loop3A_1052, %parallel_loop3A_1089, %parallel_loop3A_1126 : vector<16xf32>, vector<16xf32>, vector<16xf32>, vector<16xf32>
        } {sc.loop_unroll_factor = 2 : i64, sc.parallel_access}
        %reduce_max3A = arith.constant true
        %reduce_max3A_711 = vector.broadcast %reduce_max3A : i1 to vector<16xi1>
        %reduce_max3A_712 = tpu.scan <max>, %parallel_loop3A_710#0 masked %reduce_max3A_711 : vector<16xf32>, vector<16xi1> -> vector<16xf32>
        %reduce_max3A_713 = vector.extract %reduce_max3A_712[15] : f32 from vector<16xf32>
        %mul3A_714 = arith.constant 4 : i32
        %mul3A_715 = arith.muli %scan3A_616, %mul3A_714 : i32
        %add3A_716 = arith.constant 0 : i32
        %add3A_717 = arith.addi %mul3A_715, %add3A_716 : i32
        %iota3A_718 = tpu.iota {dimensions = array<i32: 0>} : vector<16xi32>
        %eq3A_719 = vector.broadcast %add3A_717 : i32 to vector<16xi32>
        %eq3A_720 = arith.cmpi eq, %iota3A_718, %eq3A_719 : vector<16xi32>
        %broadcast_in_dim3A_721 = vector.broadcast %reduce_max3A_713 : f32 to vector<16xf32>
        %select_n3A_722 = arith.select %eq3A_720, %broadcast_in_dim3A_721, %scan3A_617 : vector<16xi1>, vector<16xf32>
        %reduce_max3A_723 = arith.constant true
        %reduce_max3A_724 = vector.broadcast %reduce_max3A_723 : i1 to vector<16xi1>
        %reduce_max3A_725 = tpu.scan <max>, %parallel_loop3A_710#1 masked %reduce_max3A_724 : vector<16xf32>, vector<16xi1> -> vector<16xf32>
        %reduce_max3A_726 = vector.extract %reduce_max3A_725[15] : f32 from vector<16xf32>
        %mul3A_727 = arith.constant 4 : i32
        %mul3A_728 = arith.muli %scan3A_616, %mul3A_727 : i32
        %add3A_729 = arith.constant 1 : i32
        %add3A_730 = arith.addi %mul3A_728, %add3A_729 : i32
        %iota3A_731 = tpu.iota {dimensions = array<i32: 0>} : vector<16xi32>
        %eq3A_732 = vector.broadcast %add3A_730 : i32 to vector<16xi32>
        %eq3A_733 = arith.cmpi eq, %iota3A_731, %eq3A_732 : vector<16xi32>
        %broadcast_in_dim3A_734 = vector.broadcast %reduce_max3A_726 : f32 to vector<16xf32>
        %select_n3A_735 = arith.select %eq3A_733, %broadcast_in_dim3A_734, %select_n3A_722 : vector<16xi1>, vector<16xf32>
        %reduce_max3A_736 = arith.constant true
        %reduce_max3A_737 = vector.broadcast %reduce_max3A_736 : i1 to vector<16xi1>
        %reduce_max3A_738 = tpu.scan <max>, %parallel_loop3A_710#2 masked %reduce_max3A_737 : vector<16xf32>, vector<16xi1> -> vector<16xf32>
        %reduce_max3A_739 = vector.extract %reduce_max3A_738[15] : f32 from vector<16xf32>
        %mul3A_740 = arith.constant 4 : i32
        %mul3A_741 = arith.muli %scan3A_616, %mul3A_740 : i32
        %add3A_742 = arith.constant 2 : i32
        %add3A_743 = arith.addi %mul3A_741, %add3A_742 : i32
        %iota3A_744 = tpu.iota {dimensions = array<i32: 0>} : vector<16xi32>
        %eq3A_745 = vector.broadcast %add3A_743 : i32 to vector<16xi32>
        %eq3A_746 = arith.cmpi eq, %iota3A_744, %eq3A_745 : vector<16xi32>
        %broadcast_in_dim3A_747 = vector.broadcast %reduce_max3A_739 : f32 to vector<16xf32>
        %select_n3A_748 = arith.select %eq3A_746, %broadcast_in_dim3A_747, %select_n3A_735 : vector<16xi1>, vector<16xf32>
        %reduce_max3A_749 = arith.constant true
        %reduce_max3A_750 = vector.broadcast %reduce_max3A_749 : i1 to vector<16xi1>
        %reduce_max3A_751 = tpu.scan <max>, %parallel_loop3A_710#3 masked %reduce_max3A_750 : vector<16xf32>, vector<16xi1> -> vector<16xf32>
        %reduce_max3A_752 = vector.extract %reduce_max3A_751[15] : f32 from vector<16xf32>
        %mul3A_753 = arith.constant 4 : i32
        %mul3A_754 = arith.muli %scan3A_616, %mul3A_753 : i32
        %add3A_755 = arith.constant 3 : i32
        %add3A_756 = arith.addi %mul3A_754, %add3A_755 : i32
        %iota3A_757 = tpu.iota {dimensions = array<i32: 0>} : vector<16xi32>
        %eq3A_758 = vector.broadcast %add3A_756 : i32 to vector<16xi32>
        %eq3A_759 = arith.cmpi eq, %iota3A_757, %eq3A_758 : vector<16xi32>
        %broadcast_in_dim3A_760 = vector.broadcast %reduce_max3A_752 : f32 to vector<16xf32>
        %select_n3A_761 = arith.select %eq3A_759, %broadcast_in_dim3A_760, %select_n3A_748 : vector<16xi1>, vector<16xf32>
        scf.yield %select_n3A_761 : vector<16xf32>
      }
      %scan3A_611 = arith.constant 4 : i32
      %mul3A_612 = arith.constant 16 : i32
      %mul3A_613 = arith.muli %scan3A_603, %mul3A_612 : i32
      %swap3A_614 = arith.index_cast %mul3A_613 : i32 to index
      %swap3A_615 = tpu.vector_load %arg17[%swap3A_614] {strides = array<i32>} : memref<64xf32, #tpu.memory_space<vmem>>, vector<16xf32>,
      tpu.vector_store %arg17[%swap3A_614], %scan3A_610 {strides = array<i32>} : memref<64xf32, #tpu.memory_space<vmem>>, vector<16xf32>,
    }
    %scan3A_147 = arith.constant 4 : i32
    %mul3A_148 = arith.constant 64 : i32
    %mul3A_149 = arith.muli %arg1, %mul3A_148 : i32
    "tpu.region"() ({
      %run_scoped3A = tpu.sem_alloc : memref<!tpu.dma_semaphore, #tpu.memory_space<semaphore_mem>>
      %dma_start3A = tpu.memref_slice %arg24[%mul3A_149] : memref<1024xf32, #tpu.memory_space<vmem_shared>> -> memref<64xf32, #tpu.memory_space<vmem_shared>>
      %dma_start3A_603 = tpu.memref_slice %arg24[%mul3A_149] : memref<1024xf32, #tpu.memory_space<vmem_shared>> -> memref<64xf32, #tpu.memory_space<vmem_shared>>
      tpu.enqueue_dma source(%arg17 : memref<64xf32, #tpu.memory_space<vmem>>) target(%dma_start3A_603 : memref<64xf32, #tpu.memory_space<vmem_shared>>) target_semaphore(%run_scoped3A : memref<!tpu.dma_semaphore, #tpu.memory_space<semaphore_mem>>)
      %dma_wait3A = tpu.memref_slice %arg24[%mul3A_149] : memref<1024xf32, #tpu.memory_space<vmem_shared>> -> memref<64xf32, #tpu.memory_space<vmem_shared>>
      %dma_wait3A_604 = tpu.memref_slice %arg24[%mul3A_149] : memref<1024xf32, #tpu.memory_space<vmem_shared>> -> memref<64xf32, #tpu.memory_space<vmem_shared>>
      tpu.wait_dma2 semaphore(%run_scoped3A : memref<!tpu.dma_semaphore, #tpu.memory_space<semaphore_mem>>) src(%arg17 : memref<64xf32, #tpu.memory_space<vmem>>) dst(%dma_wait3A_604 : memref<64xf32, #tpu.memory_space<vmem_shared>>)
      tpu.yield
    }) : () -> ()
    %barrier3A = arith.constant 0 : index
    tpu.barrier barrier_id(%barrier3A)
    "tpu.region"() ({
      %run_scoped3A = tpu.sem_alloc : memref<!tpu.dma_semaphore, #tpu.memory_space<semaphore_mem>>
      tpu.enqueue_dma source(%arg24 : memref<1024xf32, #tpu.memory_space<vmem_shared>>) target(%arg20 : memref<1024xf32, #tpu.memory_space<vmem>>) target_semaphore(%run_scoped3A : memref<!tpu.dma_semaphore, #tpu.memory_space<semaphore_mem>>)
      tpu.wait_dma2 semaphore(%run_scoped3A : memref<!tpu.dma_semaphore, #tpu.memory_space<semaphore_mem>>) src(%arg24 : memref<1024xf32, #tpu.memory_space<vmem_shared>>) dst(%arg20 : memref<1024xf32, #tpu.memory_space<vmem>>)
      tpu.yield
    }) : () -> ()
    %get3A_150 = arith.constant 0 : index
    %get3A_151 = tpu.vector_load %arg20[%get3A_150] {strides = array<i32>} : memref<1024xf32, #tpu.memory_space<vmem>>, vector<16xf32>,
    %scan3A_152 = arith.constant 1 : i32
    %scan3A_153 = arith.constant 15 : i32
    %scan3A_154 = arith.addi %scan3A_152, %scan3A_153 : i32
    %scan3A_155 = arith.constant 1 : i32
    %scan3A_156 = scf.for %scan3A_603 = %scan3A_152 to %scan3A_154 step %scan3A_155 iter_args(%scan3A_604 = %get3A_151) -> (vector<16xf32>)  : i32 {
      %mul3A_605 = arith.constant 64 : i32
      %mul3A_606 = arith.muli %scan3A_603, %mul3A_605 : i32
      %add3A_607 = arith.constant 0 : i32
      %add3A_608 = arith.addi %mul3A_606, %add3A_607 : i32
      %get3A_609 = arith.index_cast %add3A_608 : i32 to index
      %get3A_610 = tpu.vector_load %arg20[%get3A_609] {strides = array<i32>} : memref<1024xf32, #tpu.memory_space<vmem>>, vector<16xf32>,
      %max3A_611 = arith.maximumf %scan3A_604, %get3A_610 : vector<16xf32>
      scf.yield %max3A_611 : vector<16xf32>
    }
    %scan3A_157 = arith.constant 15 : i32
    %eq3A = arith.constant 0.000000e+00 : f32
    %eq3A_158 = vector.broadcast %eq3A : f32 to vector<16xf32>
    %eq3A_159 = arith.cmpf oeq, %scan3A_156, %eq3A_158 : vector<16xf32>
    %broadcast_in_dim3A = arith.constant 9.99999974E-6 : f32
    %broadcast_in_dim3A_160 = vector.broadcast %broadcast_in_dim3A : f32 to vector<16xf32>
    %select_n3A = arith.select %eq3A_159, %broadcast_in_dim3A_160, %scan3A_156 : vector<16xi1>, vector<16xf32>
    %swap3A_161 = arith.constant 0 : index
    %swap3A_162 = tpu.vector_load %arg17[%swap3A_161] {strides = array<i32>} : memref<64xf32, #tpu.memory_space<vmem>>, vector<16xf32>,
    tpu.vector_store %arg17[%swap3A_161], %select_n3A {strides = array<i32>} : memref<64xf32, #tpu.memory_space<vmem>>, vector<16xf32>,
    %get3A_163 = arith.constant 16 : index
    %get3A_164 = tpu.vector_load %arg20[%get3A_163] {strides = array<i32>} : memref<1024xf32, #tpu.memory_space<vmem>>, vector<16xf32>,
    %scan3A_165 = arith.constant 1 : i32
    %scan3A_166 = arith.constant 15 : i32
    %scan3A_167 = arith.addi %scan3A_165, %scan3A_166 : i32
    %scan3A_168 = arith.constant 1 : i32
    %scan3A_169 = scf.for %scan3A_603 = %scan3A_165 to %scan3A_167 step %scan3A_168 iter_args(%scan3A_604 = %get3A_164) -> (vector<16xf32>)  : i32 {
      %mul3A_605 = arith.constant 64 : i32
      %mul3A_606 = arith.muli %scan3A_603, %mul3A_605 : i32
      %add3A_607 = arith.constant 16 : i32
      %add3A_608 = arith.addi %mul3A_606, %add3A_607 : i32
      %get3A_609 = arith.index_cast %add3A_608 : i32 to index
      %get3A_610 = tpu.vector_load %arg20[%get3A_609] {strides = array<i32>} : memref<1024xf32, #tpu.memory_space<vmem>>, vector<16xf32>,
      %max3A_611 = arith.maximumf %scan3A_604, %get3A_610 : vector<16xf32>
      scf.yield %max3A_611 : vector<16xf32>
    }
    %scan3A_170 = arith.constant 15 : i32
    %eq3A_171 = arith.constant 0.000000e+00 : f32
    %eq3A_172 = vector.broadcast %eq3A_171 : f32 to vector<16xf32>
    %eq3A_173 = arith.cmpf oeq, %scan3A_169, %eq3A_172 : vector<16xf32>
    %broadcast_in_dim3A_174 = arith.constant 9.99999974E-6 : f32
    %broadcast_in_dim3A_175 = vector.broadcast %broadcast_in_dim3A_174 : f32 to vector<16xf32>
    %select_n3A_176 = arith.select %eq3A_173, %broadcast_in_dim3A_175, %scan3A_169 : vector<16xi1>, vector<16xf32>
    %swap3A_177 = arith.constant 16 : index
    %swap3A_178 = tpu.vector_load %arg17[%swap3A_177] {strides = array<i32>} : memref<64xf32, #tpu.memory_space<vmem>>, vector<16xf32>,
    tpu.vector_store %arg17[%swap3A_177], %select_n3A_176 {strides = array<i32>} : memref<64xf32, #tpu.memory_space<vmem>>, vector<16xf32>,
    %get3A_179 = arith.constant 32 : index
    %get3A_180 = tpu.vector_load %arg20[%get3A_179] {strides = array<i32>} : memref<1024xf32, #tpu.memory_space<vmem>>, vector<16xf32>,
    %scan3A_181 = arith.constant 1 : i32
    %scan3A_182 = arith.constant 15 : i32
    %scan3A_183 = arith.addi %scan3A_181, %scan3A_182 : i32
    %scan3A_184 = arith.constant 1 : i32
    %scan3A_185 = scf.for %scan3A_603 = %scan3A_181 to %scan3A_183 step %scan3A_184 iter_args(%scan3A_604 = %get3A_180) -> (vector<16xf32>)  : i32 {
      %mul3A_605 = arith.constant 64 : i32
      %mul3A_606 = arith.muli %scan3A_603, %mul3A_605 : i32
      %add3A_607 = arith.constant 32 : i32
      %add3A_608 = arith.addi %mul3A_606, %add3A_607 : i32
      %get3A_609 = arith.index_cast %add3A_608 : i32 to index
      %get3A_610 = tpu.vector_load %arg20[%get3A_609] {strides = array<i32>} : memref<1024xf32, #tpu.memory_space<vmem>>, vector<16xf32>,
      %max3A_611 = arith.maximumf %scan3A_604, %get3A_610 : vector<16xf32>
      scf.yield %max3A_611 : vector<16xf32>
    }
    %scan3A_186 = arith.constant 15 : i32
    %eq3A_187 = arith.constant 0.000000e+00 : f32
    %eq3A_188 = vector.broadcast %eq3A_187 : f32 to vector<16xf32>
    %eq3A_189 = arith.cmpf oeq, %scan3A_185, %eq3A_188 : vector<16xf32>
    %broadcast_in_dim3A_190 = arith.constant 9.99999974E-6 : f32
    %broadcast_in_dim3A_191 = vector.broadcast %broadcast_in_dim3A_190 : f32 to vector<16xf32>
    %select_n3A_192 = arith.select %eq3A_189, %broadcast_in_dim3A_191, %scan3A_185 : vector<16xi1>, vector<16xf32>
    %swap3A_193 = arith.constant 32 : index
    %swap3A_194 = tpu.vector_load %arg17[%swap3A_193] {strides = array<i32>} : memref<64xf32, #tpu.memory_space<vmem>>, vector<16xf32>,
    tpu.vector_store %arg17[%swap3A_193], %select_n3A_192 {strides = array<i32>} : memref<64xf32, #tpu.memory_space<vmem>>, vector<16xf32>,
    %get3A_195 = arith.constant 48 : index
    %get3A_196 = tpu.vector_load %arg20[%get3A_195] {strides = array<i32>} : memref<1024xf32, #tpu.memory_space<vmem>>, vector<16xf32>,
    %scan3A_197 = arith.constant 1 : i32
    %scan3A_198 = arith.constant 15 : i32
    %scan3A_199 = arith.addi %scan3A_197, %scan3A_198 : i32
    %scan3A_200 = arith.constant 1 : i32
    %scan3A_201 = scf.for %scan3A_603 = %scan3A_197 to %scan3A_199 step %scan3A_200 iter_args(%scan3A_604 = %get3A_196) -> (vector<16xf32>)  : i32 {
      %mul3A_605 = arith.constant 64 : i32
      %mul3A_606 = arith.muli %scan3A_603, %mul3A_605 : i32
      %add3A_607 = arith.constant 48 : i32
      %add3A_608 = arith.addi %mul3A_606, %add3A_607 : i32
      %get3A_609 = arith.index_cast %add3A_608 : i32 to index
      %get3A_610 = tpu.vector_load %arg20[%get3A_609] {strides = array<i32>} : memref<1024xf32, #tpu.memory_space<vmem>>, vector<16xf32>,
      %max3A_611 = arith.maximumf %scan3A_604, %get3A_610 : vector<16xf32>
      scf.yield %max3A_611 : vector<16xf32>
    }
    %scan3A_202 = arith.constant 15 : i32
    %eq3A_203 = arith.constant 0.000000e+00 : f32
    %eq3A_204 = vector.broadcast %eq3A_203 : f32 to vector<16xf32>
    %eq3A_205 = arith.cmpf oeq, %scan3A_201, %eq3A_204 : vector<16xf32>
    %broadcast_in_dim3A_206 = arith.constant 9.99999974E-6 : f32
    %broadcast_in_dim3A_207 = vector.broadcast %broadcast_in_dim3A_206 : f32 to vector<16xf32>
    %select_n3A_208 = arith.select %eq3A_205, %broadcast_in_dim3A_207, %scan3A_201 : vector<16xi1>, vector<16xf32>
    %swap3A_209 = arith.constant 48 : index
    %swap3A_210 = tpu.vector_load %arg17[%swap3A_209] {strides = array<i32>} : memref<64xf32, #tpu.memory_space<vmem>>, vector<16xf32>,
    tpu.vector_store %arg17[%swap3A_209], %select_n3A_208 {strides = array<i32>} : memref<64xf32, #tpu.memory_space<vmem>>, vector<16xf32>,
    %broadcast_in_dim3A_211 = arith.constant 0.000000e+00 : f32
    %broadcast_in_dim3A_212 = vector.broadcast %broadcast_in_dim3A_211 : f32 to vector<16xf32>
    %broadcast_in_dim3A_213 = arith.constant 0.000000e+00 : f32
    %broadcast_in_dim3A_214 = vector.broadcast %broadcast_in_dim3A_213 : f32 to vector<16xf32>
    %scan3A_215 = arith.constant 0 : i32
    %scan3A_216 = arith.constant 10 : i32
    %scan3A_217 = arith.addi %scan3A_215, %scan3A_216 : i32
    %scan3A_218 = arith.constant 1 : i32
    %scan3A_219:2 = scf.for %scan3A_603 = %scan3A_215 to %scan3A_217 step %scan3A_218 iter_args(%scan3A_604 = %broadcast_in_dim3A_212, %scan3A_605 = %broadcast_in_dim3A_214) -> (vector<16xf32>, vector<16xf32>)  : i32 {
      %mul3A_606 = arith.constant 2 : i32
      %mul3A_607 = arith.muli %scan3A_603, %mul3A_606 : i32
      %add3A_608 = arith.constant 0 : i32
      %add3A_609 = arith.addi %mul3A_607, %add3A_608 : i32
      %mul3A_610 = arith.constant 16 : i32
      %mul3A_611 = arith.muli %add3A_609, %mul3A_610 : i32
      %broadcast_in_dim3A_612 = arith.constant -1.000000e+00 : f32
      %broadcast_in_dim3A_613 = vector.broadcast %broadcast_in_dim3A_612 : f32 to vector<16xf32>
      %broadcast_in_dim3A_614 = arith.constant 0 : i32
      %broadcast_in_dim3A_615 = vector.broadcast %broadcast_in_dim3A_614 : i32 to vector<16xi32>
      %broadcast_in_dim3A_616 = arith.constant -1.000000e+00 : f32
      %broadcast_in_dim3A_617 = vector.broadcast %broadcast_in_dim3A_616 : f32 to vector<16xf32>
      %parallel_loop3A = arith.constant 0 : i32
      %parallel_loop3A_618 = arith.constant 8 : i32
      %parallel_loop3A_619 = arith.constant 1 : i32
      %parallel_loop3A_620:3 = scf.for %parallel_loop3A_717 = %parallel_loop3A to %parallel_loop3A_618 step %parallel_loop3A_619 iter_args(%parallel_loop3A_718 = %broadcast_in_dim3A_613, %parallel_loop3A_719 = %broadcast_in_dim3A_615, %parallel_loop3A_720 = %broadcast_in_dim3A_617) -> (vector<16xf32>, vector<16xi32>, vector<16xf32>)  : i32 {
        %parallel_loop3A_721 = arith.constant 8 : i32
        %parallel_loop3A_722 = arith.muli %parallel_loop3A_717, %parallel_loop3A_721 : i32
        %parallel_loop3A_723 = arith.constant 0 : i32
        %parallel_loop3A_724 = arith.addi %parallel_loop3A_722, %parallel_loop3A_723 : i32
        %parallel_loop3A_725 = vector.broadcast %parallel_loop3A_724 : i32 to vector<16xi32>
        %parallel_loop3A_726 = arith.constant 320 : i32
        %parallel_loop3A_727 = arith.muli %parallel_loop3A_724, %parallel_loop3A_726 : i32
        %parallel_loop3A_728 = arith.constant 16 : i32
        %parallel_loop3A_729 = arith.muli %add3A_609, %parallel_loop3A_728 : i32
        %parallel_loop3A_730 = arith.addi %parallel_loop3A_727, %parallel_loop3A_729 : i32
        %parallel_loop3A_731 = arith.index_cast %parallel_loop3A_730 : i32 to index
        %parallel_loop3A_732 = tpu.vector_load %arg15[%parallel_loop3A_731] {strides = array<i32>} : memref<20480xf32, #tpu.memory_space<vmem>>, vector<16xf32>,
        %parallel_loop3A_733 = tpu.vector_load_idx %arg17[%parallel_loop3A_725] : memref<64xf32, #tpu.memory_space<vmem>>[vector<16xi32>], vector<16xf32>,
        %parallel_loop3A_734 = arith.subf %parallel_loop3A_732, %parallel_loop3A_733 : vector<16xf32>
        %parallel_loop3A_735 = arith.maximumf %parallel_loop3A_720, %parallel_loop3A_734 : vector<16xf32>
        %parallel_loop3A_736 = arith.cmpf ogt, %parallel_loop3A_732, %parallel_loop3A_718 : vector<16xf32>
        %parallel_loop3A_737 = arith.select %parallel_loop3A_736, %parallel_loop3A_725, %parallel_loop3A_719 : vector<16xi1>, vector<16xi32>
        %parallel_loop3A_738 = arith.select %parallel_loop3A_736, %parallel_loop3A_732, %parallel_loop3A_718 : vector<16xi1>, vector<16xf32>
        %parallel_loop3A_739 = arith.constant 8 : i32
        %parallel_loop3A_740 = arith.muli %parallel_loop3A_717, %parallel_loop3A_739 : i32
        %parallel_loop3A_741 = arith.constant 1 : i32
        %parallel_loop3A_742 = arith.addi %parallel_loop3A_740, %parallel_loop3A_741 : i32
        %parallel_loop3A_743 = vector.broadcast %parallel_loop3A_742 : i32 to vector<16xi32>
        %parallel_loop3A_744 = arith.constant 320 : i32
        %parallel_loop3A_745 = arith.muli %parallel_loop3A_742, %parallel_loop3A_744 : i32
        %parallel_loop3A_746 = arith.constant 16 : i32
        %parallel_loop3A_747 = arith.muli %add3A_609, %parallel_loop3A_746 : i32
        %parallel_loop3A_748 = arith.addi %parallel_loop3A_745, %parallel_loop3A_747 : i32
        %parallel_loop3A_749 = arith.index_cast %parallel_loop3A_748 : i32 to index
        %parallel_loop3A_750 = tpu.vector_load %arg15[%parallel_loop3A_749] {strides = array<i32>} : memref<20480xf32, #tpu.memory_space<vmem>>, vector<16xf32>,
        %parallel_loop3A_751 = tpu.vector_load_idx %arg17[%parallel_loop3A_743] : memref<64xf32, #tpu.memory_space<vmem>>[vector<16xi32>], vector<16xf32>,
        %parallel_loop3A_752 = arith.subf %parallel_loop3A_750, %parallel_loop3A_751 : vector<16xf32>
        %parallel_loop3A_753 = arith.maximumf %parallel_loop3A_735, %parallel_loop3A_752 : vector<16xf32>
        %parallel_loop3A_754 = arith.cmpf ogt, %parallel_loop3A_750, %parallel_loop3A_738 : vector<16xf32>
        %parallel_loop3A_755 = arith.select %parallel_loop3A_754, %parallel_loop3A_743, %parallel_loop3A_737 : vector<16xi1>, vector<16xi32>
        %parallel_loop3A_756 = arith.select %parallel_loop3A_754, %parallel_loop3A_750, %parallel_loop3A_738 : vector<16xi1>, vector<16xf32>
        %parallel_loop3A_757 = arith.constant 8 : i32
        %parallel_loop3A_758 = arith.muli %parallel_loop3A_717, %parallel_loop3A_757 : i32
        %parallel_loop3A_759 = arith.constant 2 : i32
        %parallel_loop3A_760 = arith.addi %parallel_loop3A_758, %parallel_loop3A_759 : i32
        %parallel_loop3A_761 = vector.broadcast %parallel_loop3A_760 : i32 to vector<16xi32>
        %parallel_loop3A_762 = arith.constant 320 : i32
        %parallel_loop3A_763 = arith.muli %parallel_loop3A_760, %parallel_loop3A_762 : i32
        %parallel_loop3A_764 = arith.constant 16 : i32
        %parallel_loop3A_765 = arith.muli %add3A_609, %parallel_loop3A_764 : i32
        %parallel_loop3A_766 = arith.addi %parallel_loop3A_763, %parallel_loop3A_765 : i32
        %parallel_loop3A_767 = arith.index_cast %parallel_loop3A_766 : i32 to index
        %parallel_loop3A_768 = tpu.vector_load %arg15[%parallel_loop3A_767] {strides = array<i32>} : memref<20480xf32, #tpu.memory_space<vmem>>, vector<16xf32>,
        %parallel_loop3A_769 = tpu.vector_load_idx %arg17[%parallel_loop3A_761] : memref<64xf32, #tpu.memory_space<vmem>>[vector<16xi32>], vector<16xf32>,
        %parallel_loop3A_770 = arith.subf %parallel_loop3A_768, %parallel_loop3A_769 : vector<16xf32>
        %parallel_loop3A_771 = arith.maximumf %parallel_loop3A_753, %parallel_loop3A_770 : vector<16xf32>
        %parallel_loop3A_772 = arith.cmpf ogt, %parallel_loop3A_768, %parallel_loop3A_756 : vector<16xf32>
        %parallel_loop3A_773 = arith.select %parallel_loop3A_772, %parallel_loop3A_761, %parallel_loop3A_755 : vector<16xi1>, vector<16xi32>
        %parallel_loop3A_774 = arith.select %parallel_loop3A_772, %parallel_loop3A_768, %parallel_loop3A_756 : vector<16xi1>, vector<16xf32>
        %parallel_loop3A_775 = arith.constant 8 : i32
        %parallel_loop3A_776 = arith.muli %parallel_loop3A_717, %parallel_loop3A_775 : i32
        %parallel_loop3A_777 = arith.constant 3 : i32
        %parallel_loop3A_778 = arith.addi %parallel_loop3A_776, %parallel_loop3A_777 : i32
        %parallel_loop3A_779 = vector.broadcast %parallel_loop3A_778 : i32 to vector<16xi32>
        %parallel_loop3A_780 = arith.constant 320 : i32
        %parallel_loop3A_781 = arith.muli %parallel_loop3A_778, %parallel_loop3A_780 : i32
        %parallel_loop3A_782 = arith.constant 16 : i32
        %parallel_loop3A_783 = arith.muli %add3A_609, %parallel_loop3A_782 : i32
        %parallel_loop3A_784 = arith.addi %parallel_loop3A_781, %parallel_loop3A_783 : i32
        %parallel_loop3A_785 = arith.index_cast %parallel_loop3A_784 : i32 to index
        %parallel_loop3A_786 = tpu.vector_load %arg15[%parallel_loop3A_785] {strides = array<i32>} : memref<20480xf32, #tpu.memory_space<vmem>>, vector<16xf32>,
        %parallel_loop3A_787 = tpu.vector_load_idx %arg17[%parallel_loop3A_779] : memref<64xf32, #tpu.memory_space<vmem>>[vector<16xi32>], vector<16xf32>,
        %parallel_loop3A_788 = arith.subf %parallel_loop3A_786, %parallel_loop3A_787 : vector<16xf32>
        %parallel_loop3A_789 = arith.maximumf %parallel_loop3A_771, %parallel_loop3A_788 : vector<16xf32>
        %parallel_loop3A_790 = arith.cmpf ogt, %parallel_loop3A_786, %parallel_loop3A_774 : vector<16xf32>
        %parallel_loop3A_791 = arith.select %parallel_loop3A_790, %parallel_loop3A_779, %parallel_loop3A_773 : vector<16xi1>, vector<16xi32>
        %parallel_loop3A_792 = arith.select %parallel_loop3A_790, %parallel_loop3A_786, %parallel_loop3A_774 : vector<16xi1>, vector<16xf32>
        %parallel_loop3A_793 = arith.constant 8 : i32
        %parallel_loop3A_794 = arith.muli %parallel_loop3A_717, %parallel_loop3A_793 : i32
        %parallel_loop3A_795 = arith.constant 4 : i32
        %parallel_loop3A_796 = arith.addi %parallel_loop3A_794, %parallel_loop3A_795 : i32
        %parallel_loop3A_797 = vector.broadcast %parallel_loop3A_796 : i32 to vector<16xi32>
        %parallel_loop3A_798 = arith.constant 320 : i32
        %parallel_loop3A_799 = arith.muli %parallel_loop3A_796, %parallel_loop3A_798 : i32
        %parallel_loop3A_800 = arith.constant 16 : i32
        %parallel_loop3A_801 = arith.muli %add3A_609, %parallel_loop3A_800 : i32
        %parallel_loop3A_802 = arith.addi %parallel_loop3A_799, %parallel_loop3A_801 : i32
        %parallel_loop3A_803 = arith.index_cast %parallel_loop3A_802 : i32 to index
        %parallel_loop3A_804 = tpu.vector_load %arg15[%parallel_loop3A_803] {strides = array<i32>} : memref<20480xf32, #tpu.memory_space<vmem>>, vector<16xf32>,
        %parallel_loop3A_805 = tpu.vector_load_idx %arg17[%parallel_loop3A_797] : memref<64xf32, #tpu.memory_space<vmem>>[vector<16xi32>], vector<16xf32>,
        %parallel_loop3A_806 = arith.subf %parallel_loop3A_804, %parallel_loop3A_805 : vector<16xf32>
        %parallel_loop3A_807 = arith.maximumf %parallel_loop3A_789, %parallel_loop3A_806 : vector<16xf32>
        %parallel_loop3A_808 = arith.cmpf ogt, %parallel_loop3A_804, %parallel_loop3A_792 : vector<16xf32>
        %parallel_loop3A_809 = arith.select %parallel_loop3A_808, %parallel_loop3A_797, %parallel_loop3A_791 : vector<16xi1>, vector<16xi32>
        %parallel_loop3A_810 = arith.select %parallel_loop3A_808, %parallel_loop3A_804, %parallel_loop3A_792 : vector<16xi1>, vector<16xf32>
        %parallel_loop3A_811 = arith.constant 8 : i32
        %parallel_loop3A_812 = arith.muli %parallel_loop3A_717, %parallel_loop3A_811 : i32
        %parallel_loop3A_813 = arith.constant 5 : i32
        %parallel_loop3A_814 = arith.addi %parallel_loop3A_812, %parallel_loop3A_813 : i32
        %parallel_loop3A_815 = vector.broadcast %parallel_loop3A_814 : i32 to vector<16xi32>
        %parallel_loop3A_816 = arith.constant 320 : i32
        %parallel_loop3A_817 = arith.muli %parallel_loop3A_814, %parallel_loop3A_816 : i32
        %parallel_loop3A_818 = arith.constant 16 : i32
        %parallel_loop3A_819 = arith.muli %add3A_609, %parallel_loop3A_818 : i32
        %parallel_loop3A_820 = arith.addi %parallel_loop3A_817, %parallel_loop3A_819 : i32
        %parallel_loop3A_821 = arith.index_cast %parallel_loop3A_820 : i32 to index
        %parallel_loop3A_822 = tpu.vector_load %arg15[%parallel_loop3A_821] {strides = array<i32>} : memref<20480xf32, #tpu.memory_space<vmem>>, vector<16xf32>,
        %parallel_loop3A_823 = tpu.vector_load_idx %arg17[%parallel_loop3A_815] : memref<64xf32, #tpu.memory_space<vmem>>[vector<16xi32>], vector<16xf32>,
        %parallel_loop3A_824 = arith.subf %parallel_loop3A_822, %parallel_loop3A_823 : vector<16xf32>
        %parallel_loop3A_825 = arith.maximumf %parallel_loop3A_807, %parallel_loop3A_824 : vector<16xf32>
        %parallel_loop3A_826 = arith.cmpf ogt, %parallel_loop3A_822, %parallel_loop3A_810 : vector<16xf32>
        %parallel_loop3A_827 = arith.select %parallel_loop3A_826, %parallel_loop3A_815, %parallel_loop3A_809 : vector<16xi1>, vector<16xi32>
        %parallel_loop3A_828 = arith.select %parallel_loop3A_826, %parallel_loop3A_822, %parallel_loop3A_810 : vector<16xi1>, vector<16xf32>
        %parallel_loop3A_829 = arith.constant 8 : i32
        %parallel_loop3A_830 = arith.muli %parallel_loop3A_717, %parallel_loop3A_829 : i32
        %parallel_loop3A_831 = arith.constant 6 : i32
        %parallel_loop3A_832 = arith.addi %parallel_loop3A_830, %parallel_loop3A_831 : i32
        %parallel_loop3A_833 = vector.broadcast %parallel_loop3A_832 : i32 to vector<16xi32>
        %parallel_loop3A_834 = arith.constant 320 : i32
        %parallel_loop3A_835 = arith.muli %parallel_loop3A_832, %parallel_loop3A_834 : i32
        %parallel_loop3A_836 = arith.constant 16 : i32
        %parallel_loop3A_837 = arith.muli %add3A_609, %parallel_loop3A_836 : i32
        %parallel_loop3A_838 = arith.addi %parallel_loop3A_835, %parallel_loop3A_837 : i32
        %parallel_loop3A_839 = arith.index_cast %parallel_loop3A_838 : i32 to index
        %parallel_loop3A_840 = tpu.vector_load %arg15[%parallel_loop3A_839] {strides = array<i32>} : memref<20480xf32, #tpu.memory_space<vmem>>, vector<16xf32>,
        %parallel_loop3A_841 = tpu.vector_load_idx %arg17[%parallel_loop3A_833] : memref<64xf32, #tpu.memory_space<vmem>>[vector<16xi32>], vector<16xf32>,
        %parallel_loop3A_842 = arith.subf %parallel_loop3A_840, %parallel_loop3A_841 : vector<16xf32>
        %parallel_loop3A_843 = arith.maximumf %parallel_loop3A_825, %parallel_loop3A_842 : vector<16xf32>
        %parallel_loop3A_844 = arith.cmpf ogt, %parallel_loop3A_840, %parallel_loop3A_828 : vector<16xf32>
        %parallel_loop3A_845 = arith.select %parallel_loop3A_844, %parallel_loop3A_833, %parallel_loop3A_827 : vector<16xi1>, vector<16xi32>
        %parallel_loop3A_846 = arith.select %parallel_loop3A_844, %parallel_loop3A_840, %parallel_loop3A_828 : vector<16xi1>, vector<16xf32>
        %parallel_loop3A_847 = arith.constant 8 : i32
        %parallel_loop3A_848 = arith.muli %parallel_loop3A_717, %parallel_loop3A_847 : i32
        %parallel_loop3A_849 = arith.constant 7 : i32
        %parallel_loop3A_850 = arith.addi %parallel_loop3A_848, %parallel_loop3A_849 : i32
        %parallel_loop3A_851 = vector.broadcast %parallel_loop3A_850 : i32 to vector<16xi32>
        %parallel_loop3A_852 = arith.constant 320 : i32
        %parallel_loop3A_853 = arith.muli %parallel_loop3A_850, %parallel_loop3A_852 : i32
        %parallel_loop3A_854 = arith.constant 16 : i32
        %parallel_loop3A_855 = arith.muli %add3A_609, %parallel_loop3A_854 : i32
        %parallel_loop3A_856 = arith.addi %parallel_loop3A_853, %parallel_loop3A_855 : i32
        %parallel_loop3A_857 = arith.index_cast %parallel_loop3A_856 : i32 to index
        %parallel_loop3A_858 = tpu.vector_load %arg15[%parallel_loop3A_857] {strides = array<i32>} : memref<20480xf32, #tpu.memory_space<vmem>>, vector<16xf32>,
        %parallel_loop3A_859 = tpu.vector_load_idx %arg17[%parallel_loop3A_851] : memref<64xf32, #tpu.memory_space<vmem>>[vector<16xi32>], vector<16xf32>,
        %parallel_loop3A_860 = arith.subf %parallel_loop3A_858, %parallel_loop3A_859 : vector<16xf32>
        %parallel_loop3A_861 = arith.maximumf %parallel_loop3A_843, %parallel_loop3A_860 : vector<16xf32>
        %parallel_loop3A_862 = arith.cmpf ogt, %parallel_loop3A_858, %parallel_loop3A_846 : vector<16xf32>
        %parallel_loop3A_863 = arith.select %parallel_loop3A_862, %parallel_loop3A_851, %parallel_loop3A_845 : vector<16xi1>, vector<16xi32>
        %parallel_loop3A_864 = arith.select %parallel_loop3A_862, %parallel_loop3A_858, %parallel_loop3A_846 : vector<16xi1>, vector<16xf32>
        scf.yield %parallel_loop3A_864, %parallel_loop3A_863, %parallel_loop3A_861 : vector<16xf32>, vector<16xi32>, vector<16xf32>
      } {sc.loop_unroll_factor = 4 : i64, sc.parallel_access}
      %swap3A_621 = arith.index_cast %mul3A_611 : i32 to index
      %swap3A_622 = tpu.vector_load %arg16[%swap3A_621] {strides = array<i32>} : memref<320xi32, #tpu.memory_space<vmem>>, vector<16xi32>,
      tpu.vector_store %arg16[%swap3A_621], %parallel_loop3A_620#1 {strides = array<i32>} : memref<320xi32, #tpu.memory_space<vmem>>, vector<16xi32>,
      %mul3A_623 = arith.constant 16 : i32
      %mul3A_624 = arith.muli %add3A_609, %mul3A_623 : i32
      %add3A_625 = arith.addi %mul3A_0, %mul3A_624 : i32
      %iota3A_626 = tpu.iota {dimensions = array<i32: 0>} : vector<16xi32>
      %add3A_627 = vector.broadcast %add3A_625 : i32 to vector<16xi32>
      %add3A_628 = arith.addi %add3A_627, %iota3A_626 : vector<16xi32>
      %lt3A_629 = arith.constant 5000 : i32
      %lt3A_630 = vector.broadcast %lt3A_629 : i32 to vector<16xi32>
      %lt3A_631 = arith.cmpi slt, %add3A_628, %lt3A_630 : vector<16xi32>
      %eq3A_632 = arith.constant 0.000000e+00 : f32
      %eq3A_633 = vector.broadcast %eq3A_632 : f32 to vector<16xf32>
      %eq3A_634 = arith.cmpf oeq, %parallel_loop3A_620#2, %eq3A_633 : vector<16xf32>
      %gt3A = arith.constant 0.699999988 : f32
      %gt3A_635 = vector.broadcast %gt3A : f32 to vector<16xf32>
      %gt3A_636 = arith.cmpf ogt, %parallel_loop3A_620#0, %gt3A_635 : vector<16xf32>
      %or3A = arith.ori %eq3A_634, %gt3A_636 : vector<16xi1>
      %and3A = arith.andi %or3A, %lt3A_631 : vector<16xi1>
      %lt3A_637 = arith.constant 3.000000e-01 : f32
      %lt3A_638 = vector.broadcast %lt3A_637 : f32 to vector<16xf32>
      %lt3A_639 = arith.cmpf olt, %parallel_loop3A_620#0, %lt3A_638 : vector<16xf32>
      %not3A = arith.constant dense<true> : vector<16xi1>
      %not3A_640 = arith.xori %and3A, %not3A : vector<16xi1>
      %and3A_641 = arith.andi %lt3A_639, %not3A_640 : vector<16xi1>
      %and3A_642 = arith.andi %and3A_641, %lt3A_631 : vector<16xi1>
      %broadcast_in_dim3A_643 = arith.constant 1.000000e+00 : f32
      %broadcast_in_dim3A_644 = vector.broadcast %broadcast_in_dim3A_643 : f32 to vector<16xf32>
      %broadcast_in_dim3A_645 = arith.constant 0.000000e+00 : f32
      %broadcast_in_dim3A_646 = vector.broadcast %broadcast_in_dim3A_645 : f32 to vector<16xf32>
      %select_n3A_647 = arith.select %and3A, %broadcast_in_dim3A_644, %broadcast_in_dim3A_646 : vector<16xi1>, vector<16xf32>
      %broadcast_in_dim3A_648 = arith.constant 1.000000e+00 : f32
      %broadcast_in_dim3A_649 = vector.broadcast %broadcast_in_dim3A_648 : f32 to vector<16xf32>
      %broadcast_in_dim3A_650 = arith.constant 0.000000e+00 : f32
      %broadcast_in_dim3A_651 = vector.broadcast %broadcast_in_dim3A_650 : f32 to vector<16xf32>
      %select_n3A_652 = arith.select %and3A_642, %broadcast_in_dim3A_649, %broadcast_in_dim3A_651 : vector<16xi1>, vector<16xf32>
      %swap3A_653 = arith.index_cast %mul3A_611 : i32 to index
      %swap3A_654 = tpu.vector_load %arg18[%swap3A_653] {strides = array<i32>} : memref<320xf32, #tpu.memory_space<vmem>>, vector<16xf32>,
      tpu.vector_store %arg18[%swap3A_653], %select_n3A_647 {strides = array<i32>} : memref<320xf32, #tpu.memory_space<vmem>>, vector<16xf32>,
      %swap3A_655 = arith.index_cast %mul3A_611 : i32 to index
      %swap3A_656 = tpu.vector_load %arg19[%swap3A_655] {strides = array<i32>} : memref<320xf32, #tpu.memory_space<vmem>>, vector<16xf32>,
      tpu.vector_store %arg19[%swap3A_655], %select_n3A_652 {strides = array<i32>} : memref<320xf32, #tpu.memory_space<vmem>>, vector<16xf32>,
      %add3A_657 = arith.addf %scan3A_604, %select_n3A_647 : vector<16xf32>
      %add3A_658 = arith.addf %scan3A_605, %select_n3A_652 : vector<16xf32>
      %mul3A_659 = arith.constant 2 : i32
      %mul3A_660 = arith.muli %scan3A_603, %mul3A_659 : i32
      %add3A_661 = arith.constant 1 : i32
      %add3A_662 = arith.addi %mul3A_660, %add3A_661 : i32
      %mul3A_663 = arith.constant 16 : i32
      %mul3A_664 = arith.muli %add3A_662, %mul3A_663 : i32
      %broadcast_in_dim3A_665 = arith.constant -1.000000e+00 : f32
      %broadcast_in_dim3A_666 = vector.broadcast %broadcast_in_dim3A_665 : f32 to vector<16xf32>
      %broadcast_in_dim3A_667 = arith.constant 0 : i32
      %broadcast_in_dim3A_668 = vector.broadcast %broadcast_in_dim3A_667 : i32 to vector<16xi32>
      %broadcast_in_dim3A_669 = arith.constant -1.000000e+00 : f32
      %broadcast_in_dim3A_670 = vector.broadcast %broadcast_in_dim3A_669 : f32 to vector<16xf32>
      %parallel_loop3A_671 = arith.constant 0 : i32
      %parallel_loop3A_672 = arith.constant 8 : i32
      %parallel_loop3A_673 = arith.constant 1 : i32
      %parallel_loop3A_674:3 = scf.for %parallel_loop3A_717 = %parallel_loop3A_671 to %parallel_loop3A_672 step %parallel_loop3A_673 iter_args(%parallel_loop3A_718 = %broadcast_in_dim3A_666, %parallel_loop3A_719 = %broadcast_in_dim3A_668, %parallel_loop3A_720 = %broadcast_in_dim3A_670) -> (vector<16xf32>, vector<16xi32>, vector<16xf32>)  : i32 {
        %parallel_loop3A_721 = arith.constant 8 : i32
        %parallel_loop3A_722 = arith.muli %parallel_loop3A_717, %parallel_loop3A_721 : i32
        %parallel_loop3A_723 = arith.constant 0 : i32
        %parallel_loop3A_724 = arith.addi %parallel_loop3A_722, %parallel_loop3A_723 : i32
        %parallel_loop3A_725 = vector.broadcast %parallel_loop3A_724 : i32 to vector<16xi32>
        %parallel_loop3A_726 = arith.constant 320 : i32
        %parallel_loop3A_727 = arith.muli %parallel_loop3A_724, %parallel_loop3A_726 : i32
        %parallel_loop3A_728 = arith.constant 16 : i32
        %parallel_loop3A_729 = arith.muli %add3A_662, %parallel_loop3A_728 : i32
        %parallel_loop3A_730 = arith.addi %parallel_loop3A_727, %parallel_loop3A_729 : i32
        %parallel_loop3A_731 = arith.index_cast %parallel_loop3A_730 : i32 to index
        %parallel_loop3A_732 = tpu.vector_load %arg15[%parallel_loop3A_731] {strides = array<i32>} : memref<20480xf32, #tpu.memory_space<vmem>>, vector<16xf32>,
        %parallel_loop3A_733 = tpu.vector_load_idx %arg17[%parallel_loop3A_725] : memref<64xf32, #tpu.memory_space<vmem>>[vector<16xi32>], vector<16xf32>,
        %parallel_loop3A_734 = arith.subf %parallel_loop3A_732, %parallel_loop3A_733 : vector<16xf32>
        %parallel_loop3A_735 = arith.maximumf %parallel_loop3A_720, %parallel_loop3A_734 : vector<16xf32>
        %parallel_loop3A_736 = arith.cmpf ogt, %parallel_loop3A_732, %parallel_loop3A_718 : vector<16xf32>
        %parallel_loop3A_737 = arith.select %parallel_loop3A_736, %parallel_loop3A_725, %parallel_loop3A_719 : vector<16xi1>, vector<16xi32>
        %parallel_loop3A_738 = arith.select %parallel_loop3A_736, %parallel_loop3A_732, %parallel_loop3A_718 : vector<16xi1>, vector<16xf32>
        %parallel_loop3A_739 = arith.constant 8 : i32
        %parallel_loop3A_740 = arith.muli %parallel_loop3A_717, %parallel_loop3A_739 : i32
        %parallel_loop3A_741 = arith.constant 1 : i32
        %parallel_loop3A_742 = arith.addi %parallel_loop3A_740, %parallel_loop3A_741 : i32
        %parallel_loop3A_743 = vector.broadcast %parallel_loop3A_742 : i32 to vector<16xi32>
        %parallel_loop3A_744 = arith.constant 320 : i32
        %parallel_loop3A_745 = arith.muli %parallel_loop3A_742, %parallel_loop3A_744 : i32
        %parallel_loop3A_746 = arith.constant 16 : i32
        %parallel_loop3A_747 = arith.muli %add3A_662, %parallel_loop3A_746 : i32
        %parallel_loop3A_748 = arith.addi %parallel_loop3A_745, %parallel_loop3A_747 : i32
        %parallel_loop3A_749 = arith.index_cast %parallel_loop3A_748 : i32 to index
        %parallel_loop3A_750 = tpu.vector_load %arg15[%parallel_loop3A_749] {strides = array<i32>} : memref<20480xf32, #tpu.memory_space<vmem>>, vector<16xf32>,
        %parallel_loop3A_751 = tpu.vector_load_idx %arg17[%parallel_loop3A_743] : memref<64xf32, #tpu.memory_space<vmem>>[vector<16xi32>], vector<16xf32>,
        %parallel_loop3A_752 = arith.subf %parallel_loop3A_750, %parallel_loop3A_751 : vector<16xf32>
        %parallel_loop3A_753 = arith.maximumf %parallel_loop3A_735, %parallel_loop3A_752 : vector<16xf32>
        %parallel_loop3A_754 = arith.cmpf ogt, %parallel_loop3A_750, %parallel_loop3A_738 : vector<16xf32>
        %parallel_loop3A_755 = arith.select %parallel_loop3A_754, %parallel_loop3A_743, %parallel_loop3A_737 : vector<16xi1>, vector<16xi32>
        %parallel_loop3A_756 = arith.select %parallel_loop3A_754, %parallel_loop3A_750, %parallel_loop3A_738 : vector<16xi1>, vector<16xf32>
        %parallel_loop3A_757 = arith.constant 8 : i32
        %parallel_loop3A_758 = arith.muli %parallel_loop3A_717, %parallel_loop3A_757 : i32
        %parallel_loop3A_759 = arith.constant 2 : i32
        %parallel_loop3A_760 = arith.addi %parallel_loop3A_758, %parallel_loop3A_759 : i32
        %parallel_loop3A_761 = vector.broadcast %parallel_loop3A_760 : i32 to vector<16xi32>
        %parallel_loop3A_762 = arith.constant 320 : i32
        %parallel_loop3A_763 = arith.muli %parallel_loop3A_760, %parallel_loop3A_762 : i32
        %parallel_loop3A_764 = arith.constant 16 : i32
        %parallel_loop3A_765 = arith.muli %add3A_662, %parallel_loop3A_764 : i32
        %parallel_loop3A_766 = arith.addi %parallel_loop3A_763, %parallel_loop3A_765 : i32
        %parallel_loop3A_767 = arith.index_cast %parallel_loop3A_766 : i32 to index
        %parallel_loop3A_768 = tpu.vector_load %arg15[%parallel_loop3A_767] {strides = array<i32>} : memref<20480xf32, #tpu.memory_space<vmem>>, vector<16xf32>,
        %parallel_loop3A_769 = tpu.vector_load_idx %arg17[%parallel_loop3A_761] : memref<64xf32, #tpu.memory_space<vmem>>[vector<16xi32>], vector<16xf32>,
        %parallel_loop3A_770 = arith.subf %parallel_loop3A_768, %parallel_loop3A_769 : vector<16xf32>
        %parallel_loop3A_771 = arith.maximumf %parallel_loop3A_753, %parallel_loop3A_770 : vector<16xf32>
        %parallel_loop3A_772 = arith.cmpf ogt, %parallel_loop3A_768, %parallel_loop3A_756 : vector<16xf32>
        %parallel_loop3A_773 = arith.select %parallel_loop3A_772, %parallel_loop3A_761, %parallel_loop3A_755 : vector<16xi1>, vector<16xi32>
        %parallel_loop3A_774 = arith.select %parallel_loop3A_772, %parallel_loop3A_768, %parallel_loop3A_756 : vector<16xi1>, vector<16xf32>
        %parallel_loop3A_775 = arith.constant 8 : i32
        %parallel_loop3A_776 = arith.muli %parallel_loop3A_717, %parallel_loop3A_775 : i32
        %parallel_loop3A_777 = arith.constant 3 : i32
        %parallel_loop3A_778 = arith.addi %parallel_loop3A_776, %parallel_loop3A_777 : i32
        %parallel_loop3A_779 = vector.broadcast %parallel_loop3A_778 : i32 to vector<16xi32>
        %parallel_loop3A_780 = arith.constant 320 : i32
        %parallel_loop3A_781 = arith.muli %parallel_loop3A_778, %parallel_loop3A_780 : i32
        %parallel_loop3A_782 = arith.constant 16 : i32
        %parallel_loop3A_783 = arith.muli %add3A_662, %parallel_loop3A_782 : i32
        %parallel_loop3A_784 = arith.addi %parallel_loop3A_781, %parallel_loop3A_783 : i32
        %parallel_loop3A_785 = arith.index_cast %parallel_loop3A_784 : i32 to index
        %parallel_loop3A_786 = tpu.vector_load %arg15[%parallel_loop3A_785] {strides = array<i32>} : memref<20480xf32, #tpu.memory_space<vmem>>, vector<16xf32>,
        %parallel_loop3A_787 = tpu.vector_load_idx %arg17[%parallel_loop3A_779] : memref<64xf32, #tpu.memory_space<vmem>>[vector<16xi32>], vector<16xf32>,
        %parallel_loop3A_788 = arith.subf %parallel_loop3A_786, %parallel_loop3A_787 : vector<16xf32>
        %parallel_loop3A_789 = arith.maximumf %parallel_loop3A_771, %parallel_loop3A_788 : vector<16xf32>
        %parallel_loop3A_790 = arith.cmpf ogt, %parallel_loop3A_786, %parallel_loop3A_774 : vector<16xf32>
        %parallel_loop3A_791 = arith.select %parallel_loop3A_790, %parallel_loop3A_779, %parallel_loop3A_773 : vector<16xi1>, vector<16xi32>
        %parallel_loop3A_792 = arith.select %parallel_loop3A_790, %parallel_loop3A_786, %parallel_loop3A_774 : vector<16xi1>, vector<16xf32>
        %parallel_loop3A_793 = arith.constant 8 : i32
        %parallel_loop3A_794 = arith.muli %parallel_loop3A_717, %parallel_loop3A_793 : i32
        %parallel_loop3A_795 = arith.constant 4 : i32
        %parallel_loop3A_796 = arith.addi %parallel_loop3A_794, %parallel_loop3A_795 : i32
        %parallel_loop3A_797 = vector.broadcast %parallel_loop3A_796 : i32 to vector<16xi32>
        %parallel_loop3A_798 = arith.constant 320 : i32
        %parallel_loop3A_799 = arith.muli %parallel_loop3A_796, %parallel_loop3A_798 : i32
        %parallel_loop3A_800 = arith.constant 16 : i32
        %parallel_loop3A_801 = arith.muli %add3A_662, %parallel_loop3A_800 : i32
        %parallel_loop3A_802 = arith.addi %parallel_loop3A_799, %parallel_loop3A_801 : i32
        %parallel_loop3A_803 = arith.index_cast %parallel_loop3A_802 : i32 to index
        %parallel_loop3A_804 = tpu.vector_load %arg15[%parallel_loop3A_803] {strides = array<i32>} : memref<20480xf32, #tpu.memory_space<vmem>>, vector<16xf32>,
        %parallel_loop3A_805 = tpu.vector_load_idx %arg17[%parallel_loop3A_797] : memref<64xf32, #tpu.memory_space<vmem>>[vector<16xi32>], vector<16xf32>,
        %parallel_loop3A_806 = arith.subf %parallel_loop3A_804, %parallel_loop3A_805 : vector<16xf32>
        %parallel_loop3A_807 = arith.maximumf %parallel_loop3A_789, %parallel_loop3A_806 : vector<16xf32>
        %parallel_loop3A_808 = arith.cmpf ogt, %parallel_loop3A_804, %parallel_loop3A_792 : vector<16xf32>
        %parallel_loop3A_809 = arith.select %parallel_loop3A_808, %parallel_loop3A_797, %parallel_loop3A_791 : vector<16xi1>, vector<16xi32>
        %parallel_loop3A_810 = arith.select %parallel_loop3A_808, %parallel_loop3A_804, %parallel_loop3A_792 : vector<16xi1>, vector<16xf32>
        %parallel_loop3A_811 = arith.constant 8 : i32
        %parallel_loop3A_812 = arith.muli %parallel_loop3A_717, %parallel_loop3A_811 : i32
        %parallel_loop3A_813 = arith.constant 5 : i32
        %parallel_loop3A_814 = arith.addi %parallel_loop3A_812, %parallel_loop3A_813 : i32
        %parallel_loop3A_815 = vector.broadcast %parallel_loop3A_814 : i32 to vector<16xi32>
        %parallel_loop3A_816 = arith.constant 320 : i32
        %parallel_loop3A_817 = arith.muli %parallel_loop3A_814, %parallel_loop3A_816 : i32
        %parallel_loop3A_818 = arith.constant 16 : i32
        %parallel_loop3A_819 = arith.muli %add3A_662, %parallel_loop3A_818 : i32
        %parallel_loop3A_820 = arith.addi %parallel_loop3A_817, %parallel_loop3A_819 : i32
        %parallel_loop3A_821 = arith.index_cast %parallel_loop3A_820 : i32 to index
        %parallel_loop3A_822 = tpu.vector_load %arg15[%parallel_loop3A_821] {strides = array<i32>} : memref<20480xf32, #tpu.memory_space<vmem>>, vector<16xf32>,
        %parallel_loop3A_823 = tpu.vector_load_idx %arg17[%parallel_loop3A_815] : memref<64xf32, #tpu.memory_space<vmem>>[vector<16xi32>], vector<16xf32>,
        %parallel_loop3A_824 = arith.subf %parallel_loop3A_822, %parallel_loop3A_823 : vector<16xf32>
        %parallel_loop3A_825 = arith.maximumf %parallel_loop3A_807, %parallel_loop3A_824 : vector<16xf32>
        %parallel_loop3A_826 = arith.cmpf ogt, %parallel_loop3A_822, %parallel_loop3A_810 : vector<16xf32>
        %parallel_loop3A_827 = arith.select %parallel_loop3A_826, %parallel_loop3A_815, %parallel_loop3A_809 : vector<16xi1>, vector<16xi32>
        %parallel_loop3A_828 = arith.select %parallel_loop3A_826, %parallel_loop3A_822, %parallel_loop3A_810 : vector<16xi1>, vector<16xf32>
        %parallel_loop3A_829 = arith.constant 8 : i32
        %parallel_loop3A_830 = arith.muli %parallel_loop3A_717, %parallel_loop3A_829 : i32
        %parallel_loop3A_831 = arith.constant 6 : i32
        %parallel_loop3A_832 = arith.addi %parallel_loop3A_830, %parallel_loop3A_831 : i32
        %parallel_loop3A_833 = vector.broadcast %parallel_loop3A_832 : i32 to vector<16xi32>
        %parallel_loop3A_834 = arith.constant 320 : i32
        %parallel_loop3A_835 = arith.muli %parallel_loop3A_832, %parallel_loop3A_834 : i32
        %parallel_loop3A_836 = arith.constant 16 : i32
        %parallel_loop3A_837 = arith.muli %add3A_662, %parallel_loop3A_836 : i32
        %parallel_loop3A_838 = arith.addi %parallel_loop3A_835, %parallel_loop3A_837 : i32
        %parallel_loop3A_839 = arith.index_cast %parallel_loop3A_838 : i32 to index
        %parallel_loop3A_840 = tpu.vector_load %arg15[%parallel_loop3A_839] {strides = array<i32>} : memref<20480xf32, #tpu.memory_space<vmem>>, vector<16xf32>,
        %parallel_loop3A_841 = tpu.vector_load_idx %arg17[%parallel_loop3A_833] : memref<64xf32, #tpu.memory_space<vmem>>[vector<16xi32>], vector<16xf32>,
        %parallel_loop3A_842 = arith.subf %parallel_loop3A_840, %parallel_loop3A_841 : vector<16xf32>
        %parallel_loop3A_843 = arith.maximumf %parallel_loop3A_825, %parallel_loop3A_842 : vector<16xf32>
        %parallel_loop3A_844 = arith.cmpf ogt, %parallel_loop3A_840, %parallel_loop3A_828 : vector<16xf32>
        %parallel_loop3A_845 = arith.select %parallel_loop3A_844, %parallel_loop3A_833, %parallel_loop3A_827 : vector<16xi1>, vector<16xi32>
        %parallel_loop3A_846 = arith.select %parallel_loop3A_844, %parallel_loop3A_840, %parallel_loop3A_828 : vector<16xi1>, vector<16xf32>
        %parallel_loop3A_847 = arith.constant 8 : i32
        %parallel_loop3A_848 = arith.muli %parallel_loop3A_717, %parallel_loop3A_847 : i32
        %parallel_loop3A_849 = arith.constant 7 : i32
        %parallel_loop3A_850 = arith.addi %parallel_loop3A_848, %parallel_loop3A_849 : i32
        %parallel_loop3A_851 = vector.broadcast %parallel_loop3A_850 : i32 to vector<16xi32>
        %parallel_loop3A_852 = arith.constant 320 : i32
        %parallel_loop3A_853 = arith.muli %parallel_loop3A_850, %parallel_loop3A_852 : i32
        %parallel_loop3A_854 = arith.constant 16 : i32
        %parallel_loop3A_855 = arith.muli %add3A_662, %parallel_loop3A_854 : i32
        %parallel_loop3A_856 = arith.addi %parallel_loop3A_853, %parallel_loop3A_855 : i32
        %parallel_loop3A_857 = arith.index_cast %parallel_loop3A_856 : i32 to index
        %parallel_loop3A_858 = tpu.vector_load %arg15[%parallel_loop3A_857] {strides = array<i32>} : memref<20480xf32, #tpu.memory_space<vmem>>, vector<16xf32>,
        %parallel_loop3A_859 = tpu.vector_load_idx %arg17[%parallel_loop3A_851] : memref<64xf32, #tpu.memory_space<vmem>>[vector<16xi32>], vector<16xf32>,
        %parallel_loop3A_860 = arith.subf %parallel_loop3A_858, %parallel_loop3A_859 : vector<16xf32>
        %parallel_loop3A_861 = arith.maximumf %parallel_loop3A_843, %parallel_loop3A_860 : vector<16xf32>
        %parallel_loop3A_862 = arith.cmpf ogt, %parallel_loop3A_858, %parallel_loop3A_846 : vector<16xf32>
        %parallel_loop3A_863 = arith.select %parallel_loop3A_862, %parallel_loop3A_851, %parallel_loop3A_845 : vector<16xi1>, vector<16xi32>
        %parallel_loop3A_864 = arith.select %parallel_loop3A_862, %parallel_loop3A_858, %parallel_loop3A_846 : vector<16xi1>, vector<16xf32>
        scf.yield %parallel_loop3A_864, %parallel_loop3A_863, %parallel_loop3A_861 : vector<16xf32>, vector<16xi32>, vector<16xf32>
      } {sc.loop_unroll_factor = 4 : i64, sc.parallel_access}
      %swap3A_675 = arith.index_cast %mul3A_664 : i32 to index
      %swap3A_676 = tpu.vector_load %arg16[%swap3A_675] {strides = array<i32>} : memref<320xi32, #tpu.memory_space<vmem>>, vector<16xi32>,
      tpu.vector_store %arg16[%swap3A_675], %parallel_loop3A_674#1 {strides = array<i32>} : memref<320xi32, #tpu.memory_space<vmem>>, vector<16xi32>,
      %mul3A_677 = arith.constant 16 : i32
      %mul3A_678 = arith.muli %add3A_662, %mul3A_677 : i32
      %add3A_679 = arith.addi %mul3A_0, %mul3A_678 : i32
      %iota3A_680 = tpu.iota {dimensions = array<i32: 0>} : vector<16xi32>
      %add3A_681 = vector.broadcast %add3A_679 : i32 to vector<16xi32>
      %add3A_682 = arith.addi %add3A_681, %iota3A_680 : vector<16xi32>
      %lt3A_683 = arith.constant 5000 : i32
      %lt3A_684 = vector.broadcast %lt3A_683 : i32 to vector<16xi32>
      %lt3A_685 = arith.cmpi slt, %add3A_682, %lt3A_684 : vector<16xi32>
      %eq3A_686 = arith.constant 0.000000e+00 : f32
      %eq3A_687 = vector.broadcast %eq3A_686 : f32 to vector<16xf32>
      %eq3A_688 = arith.cmpf oeq, %parallel_loop3A_674#2, %eq3A_687 : vector<16xf32>
      %gt3A_689 = arith.constant 0.699999988 : f32
      %gt3A_690 = vector.broadcast %gt3A_689 : f32 to vector<16xf32>
      %gt3A_691 = arith.cmpf ogt, %parallel_loop3A_674#0, %gt3A_690 : vector<16xf32>
      %or3A_692 = arith.ori %eq3A_688, %gt3A_691 : vector<16xi1>
      %and3A_693 = arith.andi %or3A_692, %lt3A_685 : vector<16xi1>
      %lt3A_694 = arith.constant 3.000000e-01 : f32
      %lt3A_695 = vector.broadcast %lt3A_694 : f32 to vector<16xf32>
      %lt3A_696 = arith.cmpf olt, %parallel_loop3A_674#0, %lt3A_695 : vector<16xf32>
      %not3A_697 = arith.constant dense<true> : vector<16xi1>
      %not3A_698 = arith.xori %and3A_693, %not3A_697 : vector<16xi1>
      %and3A_699 = arith.andi %lt3A_696, %not3A_698 : vector<16xi1>
      %and3A_700 = arith.andi %and3A_699, %lt3A_685 : vector<16xi1>
      %broadcast_in_dim3A_701 = arith.constant 1.000000e+00 : f32
      %broadcast_in_dim3A_702 = vector.broadcast %broadcast_in_dim3A_701 : f32 to vector<16xf32>
      %broadcast_in_dim3A_703 = arith.constant 0.000000e+00 : f32
      %broadcast_in_dim3A_704 = vector.broadcast %broadcast_in_dim3A_703 : f32 to vector<16xf32>
      %select_n3A_705 = arith.select %and3A_693, %broadcast_in_dim3A_702, %broadcast_in_dim3A_704 : vector<16xi1>, vector<16xf32>
      %broadcast_in_dim3A_706 = arith.constant 1.000000e+00 : f32
      %broadcast_in_dim3A_707 = vector.broadcast %broadcast_in_dim3A_706 : f32 to vector<16xf32>
      %broadcast_in_dim3A_708 = arith.constant 0.000000e+00 : f32
      %broadcast_in_dim3A_709 = vector.broadcast %broadcast_in_dim3A_708 : f32 to vector<16xf32>
      %select_n3A_710 = arith.select %and3A_700, %broadcast_in_dim3A_707, %broadcast_in_dim3A_709 : vector<16xi1>, vector<16xf32>
      %swap3A_711 = arith.index_cast %mul3A_664 : i32 to index
      %swap3A_712 = tpu.vector_load %arg18[%swap3A_711] {strides = array<i32>} : memref<320xf32, #tpu.memory_space<vmem>>, vector<16xf32>,
      tpu.vector_store %arg18[%swap3A_711], %select_n3A_705 {strides = array<i32>} : memref<320xf32, #tpu.memory_space<vmem>>, vector<16xf32>,
      %swap3A_713 = arith.index_cast %mul3A_664 : i32 to index
      %swap3A_714 = tpu.vector_load %arg19[%swap3A_713] {strides = array<i32>} : memref<320xf32, #tpu.memory_space<vmem>>, vector<16xf32>,
      tpu.vector_store %arg19[%swap3A_713], %select_n3A_710 {strides = array<i32>} : memref<320xf32, #tpu.memory_space<vmem>>, vector<16xf32>,
      %add3A_715 = arith.addf %add3A_657, %select_n3A_705 : vector<16xf32>
      %add3A_716 = arith.addf %add3A_658, %select_n3A_710 : vector<16xf32>
      scf.yield %add3A_715, %add3A_716 : vector<16xf32>, vector<16xf32>
    }
    %scan3A_220 = arith.constant 10 : i32
    %reduce_sum3A = arith.constant true
    %reduce_sum3A_221 = vector.broadcast %reduce_sum3A : i1 to vector<16xi1>
    %reduce_sum3A_222 = tpu.scan <sum>, %scan3A_219#0 masked %reduce_sum3A_221 : vector<16xf32>, vector<16xi1> -> vector<16xf32>
    %reduce_sum3A_223 = vector.extract %reduce_sum3A_222[15] : f32 from vector<16xf32>
    %reduce_sum3A_224 = arith.constant true
    %reduce_sum3A_225 = vector.broadcast %reduce_sum3A_224 : i1 to vector<16xi1>
    %reduce_sum3A_226 = tpu.scan <sum>, %scan3A_219#1 masked %reduce_sum3A_225 : vector<16xf32>, vector<16xi1> -> vector<16xf32>
    %reduce_sum3A_227 = vector.extract %reduce_sum3A_226[15] : f32 from vector<16xf32>
    %iota3A = tpu.iota {dimensions = array<i32: 0>} : vector<16xi32>
    %eq3A_228 = arith.constant 0 : i32
    %eq3A_229 = vector.broadcast %eq3A_228 : i32 to vector<16xi32>
    %eq3A_230 = arith.cmpi eq, %iota3A, %eq3A_229 : vector<16xi32>
    %broadcast_in_dim3A_231 = vector.broadcast %reduce_sum3A_223 : f32 to vector<16xf32>
    %broadcast_in_dim3A_232 = arith.constant 0.000000e+00 : f32
    %broadcast_in_dim3A_233 = vector.broadcast %broadcast_in_dim3A_232 : f32 to vector<16xf32>
    %select_n3A_234 = arith.select %eq3A_230, %broadcast_in_dim3A_231, %broadcast_in_dim3A_233 : vector<16xi1>, vector<16xf32>
    %eq3A_235 = arith.constant 1 : i32
    %eq3A_236 = vector.broadcast %eq3A_235 : i32 to vector<16xi32>
    %eq3A_237 = arith.cmpi eq, %iota3A, %eq3A_236 : vector<16xi32>
    %broadcast_in_dim3A_238 = vector.broadcast %reduce_sum3A_227 : f32 to vector<16xf32>
    %broadcast_in_dim3A_239 = arith.constant 0.000000e+00 : f32
    %broadcast_in_dim3A_240 = vector.broadcast %broadcast_in_dim3A_239 : f32 to vector<16xf32>
    %select_n3A_241 = arith.select %eq3A_237, %broadcast_in_dim3A_238, %broadcast_in_dim3A_240 : vector<16xi1>, vector<16xf32>
    %add3A_242 = arith.addf %select_n3A_234, %select_n3A_241 : vector<16xf32>
    %swap3A_243 = arith.constant 0 : index
    %swap3A_244 = tpu.vector_load %arg22[%swap3A_243] {strides = array<i32>} : memref<16xf32, #tpu.memory_space<vmem>>, vector<16xf32>,
    tpu.vector_store %arg22[%swap3A_243], %add3A_242 {strides = array<i32>} : memref<16xf32, #tpu.memory_space<vmem>>, vector<16xf32>,
    %mul3A_245 = arith.constant 16 : i32
    %mul3A_246 = arith.muli %arg1, %mul3A_245 : i32
    "tpu.region"() ({
      %run_scoped3A = tpu.sem_alloc : memref<!tpu.dma_semaphore, #tpu.memory_space<semaphore_mem>>
      %dma_start3A = tpu.memref_slice %arg25[%mul3A_246] : memref<256xf32, #tpu.memory_space<vmem_shared>> -> memref<16xf32, #tpu.memory_space<vmem_shared>>
      %dma_start3A_603 = tpu.memref_slice %arg25[%mul3A_246] : memref<256xf32, #tpu.memory_space<vmem_shared>> -> memref<16xf32, #tpu.memory_space<vmem_shared>>
      tpu.enqueue_dma source(%arg22 : memref<16xf32, #tpu.memory_space<vmem>>) target(%dma_start3A_603 : memref<16xf32, #tpu.memory_space<vmem_shared>>) target_semaphore(%run_scoped3A : memref<!tpu.dma_semaphore, #tpu.memory_space<semaphore_mem>>)
      %dma_wait3A = tpu.memref_slice %arg25[%mul3A_246] : memref<256xf32, #tpu.memory_space<vmem_shared>> -> memref<16xf32, #tpu.memory_space<vmem_shared>>
      %dma_wait3A_604 = tpu.memref_slice %arg25[%mul3A_246] : memref<256xf32, #tpu.memory_space<vmem_shared>> -> memref<16xf32, #tpu.memory_space<vmem_shared>>
      tpu.wait_dma2 semaphore(%run_scoped3A : memref<!tpu.dma_semaphore, #tpu.memory_space<semaphore_mem>>) src(%arg22 : memref<16xf32, #tpu.memory_space<vmem>>) dst(%dma_wait3A_604 : memref<16xf32, #tpu.memory_space<vmem_shared>>)
      tpu.yield
    }) : () -> ()
    %barrier3A_247 = arith.constant 0 : index
    tpu.barrier barrier_id(%barrier3A_247)
    "tpu.region"() ({
      %run_scoped3A = tpu.sem_alloc : memref<!tpu.dma_semaphore, #tpu.memory_space<semaphore_mem>>
      tpu.enqueue_dma source(%arg25 : memref<256xf32, #tpu.memory_space<vmem_shared>>) target(%arg21 : memref<256xf32, #tpu.memory_space<vmem>>) target_semaphore(%run_scoped3A : memref<!tpu.dma_semaphore, #tpu.memory_space<semaphore_mem>>)
      tpu.wait_dma2 semaphore(%run_scoped3A : memref<!tpu.dma_semaphore, #tpu.memory_space<semaphore_mem>>) src(%arg25 : memref<256xf32, #tpu.memory_space<vmem_shared>>) dst(%arg21 : memref<256xf32, #tpu.memory_space<vmem>>)
      tpu.yield
    }) : () -> ()
    %mul3A_248 = arith.constant 16 : i32
    %mul3A_249 = vector.broadcast %mul3A_248 : i32 to vector<16xi32>
    %mul3A_250 = arith.muli %iota3A, %mul3A_249 : vector<16xi32>
    %gather3A = tpu.vector_load_idx %arg21[%mul3A_250] : memref<256xf32, #tpu.memory_space<vmem>>[vector<16xi32>], vector<16xf32>,
    %mul3A_251 = arith.constant 16 : i32
    %mul3A_252 = vector.broadcast %mul3A_251 : i32 to vector<16xi32>
    %mul3A_253 = arith.muli %iota3A, %mul3A_252 : vector<16xi32>
    %broadcast_in_dim3A_254 = arith.constant 1 : i32
    %broadcast_in_dim3A_255 = vector.broadcast %broadcast_in_dim3A_254 : i32 to vector<16xi32>
    %add3A_256 = arith.addi %mul3A_253, %broadcast_in_dim3A_255 : vector<16xi32>
    %gather3A_257 = tpu.vector_load_idx %arg21[%add3A_256] : memref<256xf32, #tpu.memory_space<vmem>>[vector<16xi32>], vector<16xf32>,
    %reduce_sum3A_258 = arith.constant true
    %reduce_sum3A_259 = vector.broadcast %reduce_sum3A_258 : i1 to vector<16xi1>
    %reduce_sum3A_260 = tpu.scan <sum>, %gather3A masked %reduce_sum3A_259 : vector<16xf32>, vector<16xi1> -> vector<16xf32>
    %reduce_sum3A_261 = vector.extract %reduce_sum3A_260[15] : f32 from vector<16xf32>
    %reduce_sum3A_262 = arith.constant true
    %reduce_sum3A_263 = vector.broadcast %reduce_sum3A_262 : i1 to vector<16xi1>
    %reduce_sum3A_264 = tpu.scan <sum>, %gather3A_257 masked %reduce_sum3A_263 : vector<16xf32>, vector<16xi1> -> vector<16xf32>
    %reduce_sum3A_265 = vector.extract %reduce_sum3A_264[15] : f32 from vector<16xf32>
    %lt3A = vector.broadcast %arg1 : i32 to vector<16xi32>
    %lt3A_266 = arith.cmpi slt, %iota3A, %lt3A : vector<16xi32>
    %broadcast_in_dim3A_267 = arith.constant 0.000000e+00 : f32
    %broadcast_in_dim3A_268 = vector.broadcast %broadcast_in_dim3A_267 : f32 to vector<16xf32>
    %select_n3A_269 = arith.select %lt3A_266, %gather3A, %broadcast_in_dim3A_268 : vector<16xi1>, vector<16xf32>
    %reduce_sum3A_270 = arith.constant true
    %reduce_sum3A_271 = vector.broadcast %reduce_sum3A_270 : i1 to vector<16xi1>
    %reduce_sum3A_272 = tpu.scan <sum>, %select_n3A_269 masked %reduce_sum3A_271 : vector<16xf32>, vector<16xi1> -> vector<16xf32>
    %reduce_sum3A_273 = vector.extract %reduce_sum3A_272[15] : f32 from vector<16xf32>
    %broadcast_in_dim3A_274 = arith.constant 0.000000e+00 : f32
    %broadcast_in_dim3A_275 = vector.broadcast %broadcast_in_dim3A_274 : f32 to vector<16xf32>
    %select_n3A_276 = arith.select %lt3A_266, %gather3A_257, %broadcast_in_dim3A_275 : vector<16xi1>, vector<16xf32>
    %reduce_sum3A_277 = arith.constant true
    %reduce_sum3A_278 = vector.broadcast %reduce_sum3A_277 : i1 to vector<16xi1>
    %reduce_sum3A_279 = tpu.scan <sum>, %select_n3A_276 masked %reduce_sum3A_278 : vector<16xf32>, vector<16xi1> -> vector<16xf32>
    %reduce_sum3A_280 = vector.extract %reduce_sum3A_279[15] : f32 from vector<16xf32>
    %min3A = arith.constant 1.280000e+02 : f32
    %min3A_281 = arith.minimumf %reduce_sum3A_261, %min3A : f32
    %min3A_282 = arith.constant 1.280000e+02 : f32
    %min3A_283 = arith.minimumf %reduce_sum3A_265, %min3A_282 : f32
    %sub3A_284 = arith.constant 1.280000e+02 : f32
    %sub3A_285 = arith.subf %sub3A_284, %min3A_281 : f32
    %sub3A_286 = arith.constant 1.280000e+02 : f32
    %sub3A_287 = arith.subf %sub3A_286, %min3A_283 : f32
    %eq3A_288 = arith.constant 0 : i32
    %eq3A_289 = arith.cmpi eq, %arg1, %eq3A_288 : i32
    %jit3A = arith.constant 1.000000e+00 : f32
    %jit3A_290 = arith.constant 0.000000e+00 : f32
    %select_n3A_291 = arith.select %eq3A_289, %jit3A, %jit3A_290 : f32
    %get3A_292 = arith.constant 0 : index
    %get3A_293 = tpu.vector_load %arg18[%get3A_292] {strides = array<i32>} : memref<320xf32, #tpu.memory_space<vmem>>, vector<16xf32>,
    %iota3A_294 = tpu.iota {dimensions = array<i32: 0>} : vector<16xi32>
    %eq3A_295 = arith.constant 0 : i32
    %eq3A_296 = vector.broadcast %eq3A_295 : i32 to vector<16xi32>
    %eq3A_297 = arith.cmpi eq, %iota3A_294, %eq3A_296 : vector<16xi32>
    %broadcast_in_dim3A_298 = arith.constant 0.000000e+00 : f32
    %broadcast_in_dim3A_299 = vector.broadcast %broadcast_in_dim3A_298 : f32 to vector<16xf32>
    %select_n3A_300 = arith.select %eq3A_297, %get3A_293, %broadcast_in_dim3A_299 : vector<16xi1>, vector<16xf32>
    %reduce_sum3A_301 = arith.constant true
    %reduce_sum3A_302 = vector.broadcast %reduce_sum3A_301 : i1 to vector<16xi1>
    %reduce_sum3A_303 = tpu.scan <sum>, %select_n3A_300 masked %reduce_sum3A_302 : vector<16xf32>, vector<16xi1> -> vector<16xf32>
    %reduce_sum3A_304 = vector.extract %reduce_sum3A_303[15] : f32 from vector<16xf32>
    %get3A_305 = arith.constant 0 : index
    %get3A_306 = tpu.vector_load %arg19[%get3A_305] {strides = array<i32>} : memref<320xf32, #tpu.memory_space<vmem>>, vector<16xf32>,
    %iota3A_307 = tpu.iota {dimensions = array<i32: 0>} : vector<16xi32>
    %eq3A_308 = arith.constant 0 : i32
    %eq3A_309 = vector.broadcast %eq3A_308 : i32 to vector<16xi32>
    %eq3A_310 = arith.cmpi eq, %iota3A_307, %eq3A_309 : vector<16xi32>
    %broadcast_in_dim3A_311 = arith.constant 0.000000e+00 : f32
    %broadcast_in_dim3A_312 = vector.broadcast %broadcast_in_dim3A_311 : f32 to vector<16xf32>
    %select_n3A_313 = arith.select %eq3A_310, %get3A_306, %broadcast_in_dim3A_312 : vector<16xi1>, vector<16xf32>
    %reduce_sum3A_314 = arith.constant true
    %reduce_sum3A_315 = vector.broadcast %reduce_sum3A_314 : i1 to vector<16xi1>
    %reduce_sum3A_316 = tpu.scan <sum>, %select_n3A_313 masked %reduce_sum3A_315 : vector<16xf32>, vector<16xi1> -> vector<16xf32>
    %reduce_sum3A_317 = vector.extract %reduce_sum3A_316[15] : f32 from vector<16xf32>
    %get3A_318 = arith.constant 0 : index
    %get3A_319 = tpu.vector_load %arg9[%get3A_318] {strides = array<i32>} : memref<1280xf32, #tpu.memory_space<vmem>>, vector<16xf32>,
    %get3A_320 = arith.constant 320 : index
    %get3A_321 = tpu.vector_load %arg9[%get3A_320] {strides = array<i32>} : memref<1280xf32, #tpu.memory_space<vmem>>, vector<16xf32>,
    %get3A_322 = arith.constant 640 : index
    %get3A_323 = tpu.vector_load %arg9[%get3A_322] {strides = array<i32>} : memref<1280xf32, #tpu.memory_space<vmem>>, vector<16xf32>,
    %get3A_324 = arith.constant 960 : index
    %get3A_325 = tpu.vector_load %arg9[%get3A_324] {strides = array<i32>} : memref<1280xf32, #tpu.memory_space<vmem>>, vector<16xf32>,
    %sub3A_326 = arith.subf %get3A_323, %get3A_319 : vector<16xf32>
    %add3A_327 = arith.constant 1.000000e+00 : f32
    %add3A_328 = vector.broadcast %add3A_327 : f32 to vector<16xf32>
    %add3A_329 = arith.addf %sub3A_326, %add3A_328 : vector<16xf32>
    %sub3A_330 = arith.subf %get3A_325, %get3A_321 : vector<16xf32>
    %add3A_331 = arith.constant 1.000000e+00 : f32
    %add3A_332 = vector.broadcast %add3A_331 : f32 to vector<16xf32>
    %add3A_333 = arith.addf %sub3A_330, %add3A_332 : vector<16xf32>
    %mul3A_334 = arith.constant 5.000000e-01 : f32
    %mul3A_335 = vector.broadcast %mul3A_334 : f32 to vector<16xf32>
    %mul3A_336 = arith.mulf %mul3A_335, %add3A_329 : vector<16xf32>
    %add3A_337 = arith.addf %get3A_319, %mul3A_336 : vector<16xf32>
    %mul3A_338 = arith.constant 5.000000e-01 : f32
    %mul3A_339 = vector.broadcast %mul3A_338 : f32 to vector<16xf32>
    %mul3A_340 = arith.mulf %mul3A_339, %add3A_333 : vector<16xf32>
    %add3A_341 = arith.addf %get3A_321, %mul3A_340 : vector<16xf32>
    %get3A_342 = arith.constant 0 : index
    %get3A_343 = tpu.vector_load %arg16[%get3A_342] {strides = array<i32>} : memref<320xi32, #tpu.memory_space<vmem>>, vector<16xi32>,
    %gather3A_344 = tpu.vector_load_idx %arg12[%get3A_343] : memref<256xf32, #tpu.memory_space<vmem>>[vector<16xi32>], vector<16xf32>,
    %broadcast_in_dim3A_345 = arith.constant 64 : i32
    %broadcast_in_dim3A_346 = vector.broadcast %broadcast_in_dim3A_345 : i32 to vector<16xi32>
    %add3A_347 = arith.addi %get3A_343, %broadcast_in_dim3A_346 : vector<16xi32>
    %gather3A_348 = tpu.vector_load_idx %arg12[%add3A_347] : memref<256xf32, #tpu.memory_space<vmem>>[vector<16xi32>], vector<16xf32>,
    %broadcast_in_dim3A_349 = arith.constant 128 : i32
    %broadcast_in_dim3A_350 = vector.broadcast %broadcast_in_dim3A_349 : i32 to vector<16xi32>
    %add3A_351 = arith.addi %get3A_343, %broadcast_in_dim3A_350 : vector<16xi32>
    %gather3A_352 = tpu.vector_load_idx %arg12[%add3A_351] : memref<256xf32, #tpu.memory_space<vmem>>[vector<16xi32>], vector<16xf32>,
    %broadcast_in_dim3A_353 = arith.constant 192 : i32
    %broadcast_in_dim3A_354 = vector.broadcast %broadcast_in_dim3A_353 : i32 to vector<16xi32>
    %add3A_355 = arith.addi %get3A_343, %broadcast_in_dim3A_354 : vector<16xi32>
    %gather3A_356 = tpu.vector_load_idx %arg12[%add3A_355] : memref<256xf32, #tpu.memory_space<vmem>>[vector<16xi32>], vector<16xf32>,
    %sub3A_357 = arith.subf %add3A_337, %gather3A_344 : vector<16xf32>
    %abs3A = math.absf %sub3A_357 : vector<16xf32>
    %lt3A_358 = arith.constant 1.000000e+00 : f32
    %lt3A_359 = vector.broadcast %lt3A_358 : f32 to vector<16xf32>
    %lt3A_360 = arith.cmpf olt, %abs3A, %lt3A_359 : vector<16xf32>
    %mul3A_361 = arith.constant 5.000000e-01 : f32
    %mul3A_362 = vector.broadcast %mul3A_361 : f32 to vector<16xf32>
    %mul3A_363 = arith.mulf %mul3A_362, %abs3A : vector<16xf32>
    %mul3A_364 = arith.mulf %mul3A_363, %abs3A : vector<16xf32>
    %sub3A_365 = arith.constant 5.000000e-01 : f32
    %sub3A_366 = vector.broadcast %sub3A_365 : f32 to vector<16xf32>
    %sub3A_367 = arith.subf %abs3A, %sub3A_366 : vector<16xf32>
    %select_n3A_368 = arith.select %lt3A_360, %mul3A_364, %sub3A_367 : vector<16xi1>, vector<16xf32>
    %sub3A_369 = arith.subf %add3A_341, %gather3A_348 : vector<16xf32>
    %abs3A_370 = math.absf %sub3A_369 : vector<16xf32>
    %lt3A_371 = arith.constant 1.000000e+00 : f32
    %lt3A_372 = vector.broadcast %lt3A_371 : f32 to vector<16xf32>
    %lt3A_373 = arith.cmpf olt, %abs3A_370, %lt3A_372 : vector<16xf32>
    %mul3A_374 = arith.constant 5.000000e-01 : f32
    %mul3A_375 = vector.broadcast %mul3A_374 : f32 to vector<16xf32>
    %mul3A_376 = arith.mulf %mul3A_375, %abs3A_370 : vector<16xf32>
    %mul3A_377 = arith.mulf %mul3A_376, %abs3A_370 : vector<16xf32>
    %sub3A_378 = arith.constant 5.000000e-01 : f32
    %sub3A_379 = vector.broadcast %sub3A_378 : f32 to vector<16xf32>
    %sub3A_380 = arith.subf %abs3A_370, %sub3A_379 : vector<16xf32>
    %select_n3A_381 = arith.select %lt3A_373, %mul3A_377, %sub3A_380 : vector<16xi1>, vector<16xf32>
    %add3A_382 = arith.addf %select_n3A_368, %select_n3A_381 : vector<16xf32>
    %sub3A_383 = arith.subf %add3A_329, %gather3A_352 : vector<16xf32>
    %abs3A_384 = math.absf %sub3A_383 : vector<16xf32>
    %lt3A_385 = arith.constant 1.000000e+00 : f32
    %lt3A_386 = vector.broadcast %lt3A_385 : f32 to vector<16xf32>
    %lt3A_387 = arith.cmpf olt, %abs3A_384, %lt3A_386 : vector<16xf32>
    %mul3A_388 = arith.constant 5.000000e-01 : f32
    %mul3A_389 = vector.broadcast %mul3A_388 : f32 to vector<16xf32>
    %mul3A_390 = arith.mulf %mul3A_389, %abs3A_384 : vector<16xf32>
    %mul3A_391 = arith.mulf %mul3A_390, %abs3A_384 : vector<16xf32>
    %sub3A_392 = arith.constant 5.000000e-01 : f32
    %sub3A_393 = vector.broadcast %sub3A_392 : f32 to vector<16xf32>
    %sub3A_394 = arith.subf %abs3A_384, %sub3A_393 : vector<16xf32>
    %select_n3A_395 = arith.select %lt3A_387, %mul3A_391, %sub3A_394 : vector<16xi1>, vector<16xf32>
    %add3A_396 = arith.addf %add3A_382, %select_n3A_395 : vector<16xf32>
    %sub3A_397 = arith.subf %add3A_333, %gather3A_356 : vector<16xf32>
    %abs3A_398 = math.absf %sub3A_397 : vector<16xf32>
    %lt3A_399 = arith.constant 1.000000e+00 : f32
    %lt3A_400 = vector.broadcast %lt3A_399 : f32 to vector<16xf32>
    %lt3A_401 = arith.cmpf olt, %abs3A_398, %lt3A_400 : vector<16xf32>
    %mul3A_402 = arith.constant 5.000000e-01 : f32
    %mul3A_403 = vector.broadcast %mul3A_402 : f32 to vector<16xf32>
    %mul3A_404 = arith.mulf %mul3A_403, %abs3A_398 : vector<16xf32>
    %mul3A_405 = arith.mulf %mul3A_404, %abs3A_398 : vector<16xf32>
    %sub3A_406 = arith.constant 5.000000e-01 : f32
    %sub3A_407 = vector.broadcast %sub3A_406 : f32 to vector<16xf32>
    %sub3A_408 = arith.subf %abs3A_398, %sub3A_407 : vector<16xf32>
    %select_n3A_409 = arith.select %lt3A_401, %mul3A_405, %sub3A_408 : vector<16xi1>, vector<16xf32>
    %add3A_410 = arith.addf %add3A_396, %select_n3A_409 : vector<16xf32>
    %iota3A_411 = tpu.iota {dimensions = array<i32: 0>} : vector<16xi32>
    %eq3A_412 = arith.constant 0 : i32
    %eq3A_413 = vector.broadcast %eq3A_412 : i32 to vector<16xi32>
    %eq3A_414 = arith.cmpi eq, %iota3A_411, %eq3A_413 : vector<16xi32>
    %broadcast_in_dim3A_415 = arith.constant 0.000000e+00 : f32
    %broadcast_in_dim3A_416 = vector.broadcast %broadcast_in_dim3A_415 : f32 to vector<16xf32>
    %select_n3A_417 = arith.select %eq3A_414, %add3A_410, %broadcast_in_dim3A_416 : vector<16xi1>, vector<16xf32>
    %reduce_sum3A_418 = arith.constant true
    %reduce_sum3A_419 = vector.broadcast %reduce_sum3A_418 : i1 to vector<16xi1>
    %reduce_sum3A_420 = tpu.scan <sum>, %select_n3A_417 masked %reduce_sum3A_419 : vector<16xf32>, vector<16xi1> -> vector<16xf32>
    %reduce_sum3A_421 = vector.extract %reduce_sum3A_420[15] : f32 from vector<16xf32>
    %get3A_422 = arith.constant 0 : index
    %get3A_423 = tpu.vector_load %arg10[%get3A_422] {strides = array<i32>} : memref<320xf32, #tpu.memory_space<vmem>>, vector<16xf32>,
    %abs3A_424 = math.absf %get3A_423 : vector<16xf32>
    %neg3A = arith.constant 0.000000e+00 : f32
    %neg3A_425 = vector.broadcast %neg3A : f32 to vector<16xf32>
    %neg3A_426 = arith.subf %neg3A_425, %abs3A_424 : vector<16xf32>
    %exp3A = math.exp %neg3A_426 : vector<16xf32>
    %add3A_427 = arith.constant 2.000000e+00 : f32
    %add3A_428 = vector.broadcast %add3A_427 : f32 to vector<16xf32>
    %add3A_429 = arith.addf %add3A_428, %exp3A : vector<16xf32>
    %div3A = arith.divf %exp3A, %add3A_429 : vector<16xf32>
    %mul3A_430 = arith.mulf %div3A, %div3A : vector<16xf32>
    %mul3A_431 = arith.constant 0.111111112 : f32
    %mul3A_432 = vector.broadcast %mul3A_431 : f32 to vector<16xf32>
    %mul3A_433 = arith.mulf %mul3A_430, %mul3A_432 : vector<16xf32>
    %add3A_434 = arith.constant 0.142857149 : f32
    %add3A_435 = vector.broadcast %add3A_434 : f32 to vector<16xf32>
    %add3A_436 = arith.addf %add3A_435, %mul3A_433 : vector<16xf32>
    %mul3A_437 = arith.mulf %mul3A_430, %add3A_436 : vector<16xf32>
    %add3A_438 = arith.constant 2.000000e-01 : f32
    %add3A_439 = vector.broadcast %add3A_438 : f32 to vector<16xf32>
    %add3A_440 = arith.addf %add3A_439, %mul3A_437 : vector<16xf32>
    %mul3A_441 = arith.mulf %mul3A_430, %add3A_440 : vector<16xf32>
    %add3A_442 = arith.constant 0.333333343 : f32
    %add3A_443 = vector.broadcast %add3A_442 : f32 to vector<16xf32>
    %add3A_444 = arith.addf %add3A_443, %mul3A_441 : vector<16xf32>
    %mul3A_445 = arith.mulf %mul3A_430, %add3A_444 : vector<16xf32>
    %add3A_446 = arith.constant 1.000000e+00 : f32
    %add3A_447 = vector.broadcast %add3A_446 : f32 to vector<16xf32>
    %add3A_448 = arith.addf %add3A_447, %mul3A_445 : vector<16xf32>
    %mul3A_449 = arith.constant 2.000000e+00 : f32
    %mul3A_450 = vector.broadcast %mul3A_449 : f32 to vector<16xf32>
    %mul3A_451 = arith.mulf %mul3A_450, %div3A : vector<16xf32>
    %mul3A_452 = arith.mulf %mul3A_451, %add3A_448 : vector<16xf32>
    %max3A = arith.constant 0.000000e+00 : f32
    %max3A_453 = vector.broadcast %max3A : f32 to vector<16xf32>
    %max3A_454 = arith.maximumf %get3A_423, %max3A_453 : vector<16xf32>
    %sub3A_455 = arith.subf %max3A_454, %get3A_423 : vector<16xf32>
    %add3A_456 = arith.addf %sub3A_455, %mul3A_452 : vector<16xf32>
    %add3A_457 = arith.addf %max3A_454, %mul3A_452 : vector<16xf32>
    %iota3A_458 = tpu.iota {dimensions = array<i32: 0>} : vector<16xi32>
    %eq3A_459 = arith.constant 0 : i32
    %eq3A_460 = vector.broadcast %eq3A_459 : i32 to vector<16xi32>
    %eq3A_461 = arith.cmpi eq, %iota3A_458, %eq3A_460 : vector<16xi32>
    %broadcast_in_dim3A_462 = arith.constant 0.000000e+00 : f32
    %broadcast_in_dim3A_463 = vector.broadcast %broadcast_in_dim3A_462 : f32 to vector<16xf32>
    %select_n3A_464 = arith.select %eq3A_461, %add3A_456, %broadcast_in_dim3A_463 : vector<16xi1>, vector<16xf32>
    %reduce_sum3A_465 = arith.constant true
    %reduce_sum3A_466 = vector.broadcast %reduce_sum3A_465 : i1 to vector<16xi1>
    %reduce_sum3A_467 = tpu.scan <sum>, %select_n3A_464 masked %reduce_sum3A_466 : vector<16xf32>, vector<16xi1> -> vector<16xf32>
    %reduce_sum3A_468 = vector.extract %reduce_sum3A_467[15] : f32 from vector<16xf32>
    %iota3A_469 = tpu.iota {dimensions = array<i32: 0>} : vector<16xi32>
    %eq3A_470 = arith.constant 0 : i32
    %eq3A_471 = vector.broadcast %eq3A_470 : i32 to vector<16xi32>
    %eq3A_472 = arith.cmpi eq, %iota3A_469, %eq3A_471 : vector<16xi32>
    %broadcast_in_dim3A_473 = arith.constant 0.000000e+00 : f32
    %broadcast_in_dim3A_474 = vector.broadcast %broadcast_in_dim3A_473 : f32 to vector<16xf32>
    %select_n3A_475 = arith.select %eq3A_472, %add3A_457, %broadcast_in_dim3A_474 : vector<16xi1>, vector<16xf32>
    %reduce_sum3A_476 = arith.constant true
    %reduce_sum3A_477 = vector.broadcast %reduce_sum3A_476 : i1 to vector<16xi1>
    %reduce_sum3A_478 = tpu.scan <sum>, %select_n3A_475 masked %reduce_sum3A_477 : vector<16xf32>, vector<16xi1> -> vector<16xf32>
    %reduce_sum3A_479 = vector.extract %reduce_sum3A_478[15] : f32 from vector<16xf32>
    %mul3A_480 = arith.mulf %select_n3A_291, %sub3A_285 : f32
    %mul3A_481 = arith.mulf %mul3A_480, %reduce_sum3A_304 : f32
    %mul3A_482 = arith.mulf %mul3A_481, %reduce_sum3A_421 : f32
    %mul3A_483 = arith.mulf %select_n3A_291, %sub3A_285 : f32
    %mul3A_484 = arith.mulf %mul3A_483, %reduce_sum3A_304 : f32
    %mul3A_485 = arith.mulf %mul3A_484, %reduce_sum3A_468 : f32
    %mul3A_486 = arith.mulf %select_n3A_291, %sub3A_287 : f32
    %mul3A_487 = arith.mulf %mul3A_486, %reduce_sum3A_317 : f32
    %mul3A_488 = arith.mulf %mul3A_487, %reduce_sum3A_479 : f32
    %broadcast_in_dim3A_489 = arith.constant 0.000000e+00 : f32
    %broadcast_in_dim3A_490 = vector.broadcast %broadcast_in_dim3A_489 : f32 to vector<16xf32>
    %broadcast_in_dim3A_491 = arith.constant 0.000000e+00 : f32
    %broadcast_in_dim3A_492 = vector.broadcast %broadcast_in_dim3A_491 : f32 to vector<16xf32>
    %broadcast_in_dim3A_493 = arith.constant 0.000000e+00 : f32
    %broadcast_in_dim3A_494 = vector.broadcast %broadcast_in_dim3A_493 : f32 to vector<16xf32>
    %scan3A_495 = arith.constant 0.000000e+00 : f32
    %scan3A_496 = arith.constant 0.000000e+00 : f32
    %scan3A_497 = arith.constant 0 : i32
    %scan3A_498 = arith.constant 20 : i32
    %scan3A_499 = arith.addi %scan3A_497, %scan3A_498 : i32
    %scan3A_500 = arith.constant 1 : i32
    %scan3A_501:5 = scf.for %scan3A_603 = %scan3A_497 to %scan3A_499 step %scan3A_500 iter_args(%scan3A_604 = %scan3A_495, %scan3A_605 = %scan3A_496, %scan3A_606 = %broadcast_in_dim3A_490, %scan3A_607 = %broadcast_in_dim3A_492, %scan3A_608 = %broadcast_in_dim3A_494) -> (f32, f32, vector<16xf32>, vector<16xf32>, vector<16xf32>)  : i32 {
      %mul3A_609 = arith.constant 16 : i32
      %mul3A_610 = arith.muli %scan3A_603, %mul3A_609 : i32
      %get3A_611 = arith.index_cast %mul3A_610 : i32 to index
      %get3A_612 = tpu.vector_load %arg18[%get3A_611] {strides = array<i32>} : memref<320xf32, #tpu.memory_space<vmem>>, vector<16xf32>,
      %get3A_613 = arith.index_cast %mul3A_610 : i32 to index
      %get3A_614 = tpu.vector_load %arg19[%get3A_613] {strides = array<i32>} : memref<320xf32, #tpu.memory_space<vmem>>, vector<16xf32>,
      %broadcast_in_dim3A_615 = arith.constant true
      %broadcast_in_dim3A_616 = vector.broadcast %broadcast_in_dim3A_615 : i1 to vector<16xi1>
      %masked_cumsum3A = tpu.scan <sum>, %get3A_612 masked %broadcast_in_dim3A_616 : vector<16xf32>, vector<16xi1> -> vector<16xf32>
      %sub3A_617 = arith.subf %masked_cumsum3A, %get3A_612 : vector<16xf32>
      %broadcast_in_dim3A_618 = arith.constant true
      %broadcast_in_dim3A_619 = vector.broadcast %broadcast_in_dim3A_618 : i1 to vector<16xi1>
      %masked_cumsum3A_620 = tpu.scan <sum>, %get3A_614 masked %broadcast_in_dim3A_619 : vector<16xf32>, vector<16xi1> -> vector<16xf32>
      %sub3A_621 = arith.subf %masked_cumsum3A_620, %get3A_614 : vector<16xf32>
      %add3A_622 = arith.addf %reduce_sum3A_273, %scan3A_604 : f32
      %broadcast_in_dim3A_623 = vector.broadcast %add3A_622 : f32 to vector<16xf32>
      %add3A_624 = arith.addf %sub3A_617, %broadcast_in_dim3A_623 : vector<16xf32>
      %add3A_625 = arith.addf %reduce_sum3A_280, %scan3A_605 : f32
      %broadcast_in_dim3A_626 = vector.broadcast %add3A_625 : f32 to vector<16xf32>
      %add3A_627 = arith.addf %sub3A_621, %broadcast_in_dim3A_626 : vector<16xf32>
      %lt3A_628 = arith.constant 1.280000e+02 : f32
      %lt3A_629 = vector.broadcast %lt3A_628 : f32 to vector<16xf32>
      %lt3A_630 = arith.cmpf olt, %add3A_624, %lt3A_629 : vector<16xf32>
      %broadcast_in_dim3A_631 = arith.constant 0.000000e+00 : f32
      %broadcast_in_dim3A_632 = vector.broadcast %broadcast_in_dim3A_631 : f32 to vector<16xf32>
      %select_n3A_633 = arith.select %lt3A_630, %get3A_612, %broadcast_in_dim3A_632 : vector<16xi1>, vector<16xf32>
      %lt3A_634 = arith.constant 1.280000e+02 : f32
      %lt3A_635 = vector.broadcast %lt3A_634 : f32 to vector<16xf32>
      %lt3A_636 = arith.cmpf olt, %add3A_627, %lt3A_635 : vector<16xf32>
      %broadcast_in_dim3A_637 = arith.constant 0.000000e+00 : f32
      %broadcast_in_dim3A_638 = vector.broadcast %broadcast_in_dim3A_637 : f32 to vector<16xf32>
      %select_n3A_639 = arith.select %lt3A_636, %get3A_614, %broadcast_in_dim3A_638 : vector<16xi1>, vector<16xf32>
      %mul3A_640 = arith.constant 16 : i32
      %mul3A_641 = arith.muli %scan3A_603, %mul3A_640 : i32
      %mul3A_642 = arith.constant 16 : i32
      %mul3A_643 = arith.muli %scan3A_603, %mul3A_642 : i32
      %add3A_644 = arith.constant 0 : i32
      %add3A_645 = arith.addi %add3A_644, %mul3A_643 : i32
      %get3A_646 = arith.index_cast %add3A_645 : i32 to index
      %get3A_647 = tpu.vector_load %arg9[%get3A_646] {strides = array<i32>} : memref<1280xf32, #tpu.memory_space<vmem>>, vector<16xf32>,
      %mul3A_648 = arith.constant 16 : i32
      %mul3A_649 = arith.muli %scan3A_603, %mul3A_648 : i32
      %add3A_650 = arith.constant 320 : i32
      %add3A_651 = arith.addi %add3A_650, %mul3A_649 : i32
      %get3A_652 = arith.index_cast %add3A_651 : i32 to index
      %get3A_653 = tpu.vector_load %arg9[%get3A_652] {strides = array<i32>} : memref<1280xf32, #tpu.memory_space<vmem>>, vector<16xf32>,
      %mul3A_654 = arith.constant 16 : i32
      %mul3A_655 = arith.muli %scan3A_603, %mul3A_654 : i32
      %add3A_656 = arith.constant 640 : i32
      %add3A_657 = arith.addi %add3A_656, %mul3A_655 : i32
      %get3A_658 = arith.index_cast %add3A_657 : i32 to index
      %get3A_659 = tpu.vector_load %arg9[%get3A_658] {strides = array<i32>} : memref<1280xf32, #tpu.memory_space<vmem>>, vector<16xf32>,
      %mul3A_660 = arith.constant 16 : i32
      %mul3A_661 = arith.muli %scan3A_603, %mul3A_660 : i32
      %add3A_662 = arith.constant 960 : i32
      %add3A_663 = arith.addi %add3A_662, %mul3A_661 : i32
      %get3A_664 = arith.index_cast %add3A_663 : i32 to index
      %get3A_665 = tpu.vector_load %arg9[%get3A_664] {strides = array<i32>} : memref<1280xf32, #tpu.memory_space<vmem>>, vector<16xf32>,
      %sub3A_666 = arith.subf %get3A_659, %get3A_647 : vector<16xf32>
      %add3A_667 = arith.constant 1.000000e+00 : f32
      %add3A_668 = vector.broadcast %add3A_667 : f32 to vector<16xf32>
      %add3A_669 = arith.addf %sub3A_666, %add3A_668 : vector<16xf32>
      %sub3A_670 = arith.subf %get3A_665, %get3A_653 : vector<16xf32>
      %add3A_671 = arith.constant 1.000000e+00 : f32
      %add3A_672 = vector.broadcast %add3A_671 : f32 to vector<16xf32>
      %add3A_673 = arith.addf %sub3A_670, %add3A_672 : vector<16xf32>
      %mul3A_674 = arith.constant 5.000000e-01 : f32
      %mul3A_675 = vector.broadcast %mul3A_674 : f32 to vector<16xf32>
      %mul3A_676 = arith.mulf %mul3A_675, %add3A_669 : vector<16xf32>
      %add3A_677 = arith.addf %get3A_647, %mul3A_676 : vector<16xf32>
      %mul3A_678 = arith.constant 5.000000e-01 : f32
      %mul3A_679 = vector.broadcast %mul3A_678 : f32 to vector<16xf32>
      %mul3A_680 = arith.mulf %mul3A_679, %add3A_673 : vector<16xf32>
      %add3A_681 = arith.addf %get3A_653, %mul3A_680 : vector<16xf32>
      %get3A_682 = arith.index_cast %mul3A_641 : i32 to index
      %get3A_683 = tpu.vector_load %arg16[%get3A_682] {strides = array<i32>} : memref<320xi32, #tpu.memory_space<vmem>>, vector<16xi32>,
      %gather3A_684 = tpu.vector_load_idx %arg12[%get3A_683] : memref<256xf32, #tpu.memory_space<vmem>>[vector<16xi32>], vector<16xf32>,
      %broadcast_in_dim3A_685 = arith.constant 64 : i32
      %broadcast_in_dim3A_686 = vector.broadcast %broadcast_in_dim3A_685 : i32 to vector<16xi32>
      %add3A_687 = arith.addi %get3A_683, %broadcast_in_dim3A_686 : vector<16xi32>
      %gather3A_688 = tpu.vector_load_idx %arg12[%add3A_687] : memref<256xf32, #tpu.memory_space<vmem>>[vector<16xi32>], vector<16xf32>,
      %broadcast_in_dim3A_689 = arith.constant 128 : i32
      %broadcast_in_dim3A_690 = vector.broadcast %broadcast_in_dim3A_689 : i32 to vector<16xi32>
      %add3A_691 = arith.addi %get3A_683, %broadcast_in_dim3A_690 : vector<16xi32>
      %gather3A_692 = tpu.vector_load_idx %arg12[%add3A_691] : memref<256xf32, #tpu.memory_space<vmem>>[vector<16xi32>], vector<16xf32>,
      %broadcast_in_dim3A_693 = arith.constant 192 : i32
      %broadcast_in_dim3A_694 = vector.broadcast %broadcast_in_dim3A_693 : i32 to vector<16xi32>
      %add3A_695 = arith.addi %get3A_683, %broadcast_in_dim3A_694 : vector<16xi32>
      %gather3A_696 = tpu.vector_load_idx %arg12[%add3A_695] : memref<256xf32, #tpu.memory_space<vmem>>[vector<16xi32>], vector<16xf32>,
      %sub3A_697 = arith.subf %add3A_677, %gather3A_684 : vector<16xf32>
      %abs3A_698 = math.absf %sub3A_697 : vector<16xf32>
      %lt3A_699 = arith.constant 1.000000e+00 : f32
      %lt3A_700 = vector.broadcast %lt3A_699 : f32 to vector<16xf32>
      %lt3A_701 = arith.cmpf olt, %abs3A_698, %lt3A_700 : vector<16xf32>
      %mul3A_702 = arith.constant 5.000000e-01 : f32
      %mul3A_703 = vector.broadcast %mul3A_702 : f32 to vector<16xf32>
      %mul3A_704 = arith.mulf %mul3A_703, %abs3A_698 : vector<16xf32>
      %mul3A_705 = arith.mulf %mul3A_704, %abs3A_698 : vector<16xf32>
      %sub3A_706 = arith.constant 5.000000e-01 : f32
      %sub3A_707 = vector.broadcast %sub3A_706 : f32 to vector<16xf32>
      %sub3A_708 = arith.subf %abs3A_698, %sub3A_707 : vector<16xf32>
      %select_n3A_709 = arith.select %lt3A_701, %mul3A_705, %sub3A_708 : vector<16xi1>, vector<16xf32>
      %sub3A_710 = arith.subf %add3A_681, %gather3A_688 : vector<16xf32>
      %abs3A_711 = math.absf %sub3A_710 : vector<16xf32>
      %lt3A_712 = arith.constant 1.000000e+00 : f32
      %lt3A_713 = vector.broadcast %lt3A_712 : f32 to vector<16xf32>
      %lt3A_714 = arith.cmpf olt, %abs3A_711, %lt3A_713 : vector<16xf32>
      %mul3A_715 = arith.constant 5.000000e-01 : f32
      %mul3A_716 = vector.broadcast %mul3A_715 : f32 to vector<16xf32>
      %mul3A_717 = arith.mulf %mul3A_716, %abs3A_711 : vector<16xf32>
      %mul3A_718 = arith.mulf %mul3A_717, %abs3A_711 : vector<16xf32>
      %sub3A_719 = arith.constant 5.000000e-01 : f32
      %sub3A_720 = vector.broadcast %sub3A_719 : f32 to vector<16xf32>
      %sub3A_721 = arith.subf %abs3A_711, %sub3A_720 : vector<16xf32>
      %select_n3A_722 = arith.select %lt3A_714, %mul3A_718, %sub3A_721 : vector<16xi1>, vector<16xf32>
      %add3A_723 = arith.addf %select_n3A_709, %select_n3A_722 : vector<16xf32>
      %sub3A_724 = arith.subf %add3A_669, %gather3A_692 : vector<16xf32>
      %abs3A_725 = math.absf %sub3A_724 : vector<16xf32>
      %lt3A_726 = arith.constant 1.000000e+00 : f32
      %lt3A_727 = vector.broadcast %lt3A_726 : f32 to vector<16xf32>
      %lt3A_728 = arith.cmpf olt, %abs3A_725, %lt3A_727 : vector<16xf32>
      %mul3A_729 = arith.constant 5.000000e-01 : f32
      %mul3A_730 = vector.broadcast %mul3A_729 : f32 to vector<16xf32>
      %mul3A_731 = arith.mulf %mul3A_730, %abs3A_725 : vector<16xf32>
      %mul3A_732 = arith.mulf %mul3A_731, %abs3A_725 : vector<16xf32>
      %sub3A_733 = arith.constant 5.000000e-01 : f32
      %sub3A_734 = vector.broadcast %sub3A_733 : f32 to vector<16xf32>
      %sub3A_735 = arith.subf %abs3A_725, %sub3A_734 : vector<16xf32>
      %select_n3A_736 = arith.select %lt3A_728, %mul3A_732, %sub3A_735 : vector<16xi1>, vector<16xf32>
      %add3A_737 = arith.addf %add3A_723, %select_n3A_736 : vector<16xf32>
      %sub3A_738 = arith.subf %add3A_673, %gather3A_696 : vector<16xf32>
      %abs3A_739 = math.absf %sub3A_738 : vector<16xf32>
      %lt3A_740 = arith.constant 1.000000e+00 : f32
      %lt3A_741 = vector.broadcast %lt3A_740 : f32 to vector<16xf32>
      %lt3A_742 = arith.cmpf olt, %abs3A_739, %lt3A_741 : vector<16xf32>
      %mul3A_743 = arith.constant 5.000000e-01 : f32
      %mul3A_744 = vector.broadcast %mul3A_743 : f32 to vector<16xf32>
      %mul3A_745 = arith.mulf %mul3A_744, %abs3A_739 : vector<16xf32>
      %mul3A_746 = arith.mulf %mul3A_745, %abs3A_739 : vector<16xf32>
      %sub3A_747 = arith.constant 5.000000e-01 : f32
      %sub3A_748 = vector.broadcast %sub3A_747 : f32 to vector<16xf32>
      %sub3A_749 = arith.subf %abs3A_739, %sub3A_748 : vector<16xf32>
      %select_n3A_750 = arith.select %lt3A_742, %mul3A_746, %sub3A_749 : vector<16xi1>, vector<16xf32>
      %add3A_751 = arith.addf %add3A_737, %select_n3A_750 : vector<16xf32>
      %mul3A_752 = arith.constant 16 : i32
      %mul3A_753 = arith.muli %scan3A_603, %mul3A_752 : i32
      %get3A_754 = arith.index_cast %mul3A_753 : i32 to index
      %get3A_755 = tpu.vector_load %arg10[%get3A_754] {strides = array<i32>} : memref<320xf32, #tpu.memory_space<vmem>>, vector<16xf32>,
      %abs3A_756 = math.absf %get3A_755 : vector<16xf32>
      %neg3A_757 = arith.constant 0.000000e+00 : f32
      %neg3A_758 = vector.broadcast %neg3A_757 : f32 to vector<16xf32>
      %neg3A_759 = arith.subf %neg3A_758, %abs3A_756 : vector<16xf32>
      %exp3A_760 = math.exp %neg3A_759 : vector<16xf32>
      %add3A_761 = arith.constant 2.000000e+00 : f32
      %add3A_762 = vector.broadcast %add3A_761 : f32 to vector<16xf32>
      %add3A_763 = arith.addf %add3A_762, %exp3A_760 : vector<16xf32>
      %div3A_764 = arith.divf %exp3A_760, %add3A_763 : vector<16xf32>
      %mul3A_765 = arith.mulf %div3A_764, %div3A_764 : vector<16xf32>
      %mul3A_766 = arith.constant 0.111111112 : f32
      %mul3A_767 = vector.broadcast %mul3A_766 : f32 to vector<16xf32>
      %mul3A_768 = arith.mulf %mul3A_765, %mul3A_767 : vector<16xf32>
      %add3A_769 = arith.constant 0.142857149 : f32
      %add3A_770 = vector.broadcast %add3A_769 : f32 to vector<16xf32>
      %add3A_771 = arith.addf %add3A_770, %mul3A_768 : vector<16xf32>
      %mul3A_772 = arith.mulf %mul3A_765, %add3A_771 : vector<16xf32>
      %add3A_773 = arith.constant 2.000000e-01 : f32
      %add3A_774 = vector.broadcast %add3A_773 : f32 to vector<16xf32>
      %add3A_775 = arith.addf %add3A_774, %mul3A_772 : vector<16xf32>
      %mul3A_776 = arith.mulf %mul3A_765, %add3A_775 : vector<16xf32>
      %add3A_777 = arith.constant 0.333333343 : f32
      %add3A_778 = vector.broadcast %add3A_777 : f32 to vector<16xf32>
      %add3A_779 = arith.addf %add3A_778, %mul3A_776 : vector<16xf32>
      %mul3A_780 = arith.mulf %mul3A_765, %add3A_779 : vector<16xf32>
      %add3A_781 = arith.constant 1.000000e+00 : f32
      %add3A_782 = vector.broadcast %add3A_781 : f32 to vector<16xf32>
      %add3A_783 = arith.addf %add3A_782, %mul3A_780 : vector<16xf32>
      %mul3A_784 = arith.constant 2.000000e+00 : f32
      %mul3A_785 = vector.broadcast %mul3A_784 : f32 to vector<16xf32>
      %mul3A_786 = arith.mulf %mul3A_785, %div3A_764 : vector<16xf32>
      %mul3A_787 = arith.mulf %mul3A_786, %add3A_783 : vector<16xf32>
      %max3A_788 = arith.constant 0.000000e+00 : f32
      %max3A_789 = vector.broadcast %max3A_788 : f32 to vector<16xf32>
      %max3A_790 = arith.maximumf %get3A_755, %max3A_789 : vector<16xf32>
      %sub3A_791 = arith.subf %max3A_790, %get3A_755 : vector<16xf32>
      %add3A_792 = arith.addf %sub3A_791, %mul3A_787 : vector<16xf32>
      %add3A_793 = arith.addf %max3A_790, %mul3A_787 : vector<16xf32>
      %reduce_sum3A_794 = arith.constant true
      %reduce_sum3A_795 = vector.broadcast %reduce_sum3A_794 : i1 to vector<16xi1>
      %reduce_sum3A_796 = tpu.scan <sum>, %get3A_612 masked %reduce_sum3A_795 : vector<16xf32>, vector<16xi1> -> vector<16xf32>
      %reduce_sum3A_797 = vector.extract %reduce_sum3A_796[15] : f32 from vector<16xf32>
      %add3A_798 = arith.addf %scan3A_604, %reduce_sum3A_797 : f32
      %reduce_sum3A_799 = arith.constant true
      %reduce_sum3A_800 = vector.broadcast %reduce_sum3A_799 : i1 to vector<16xi1>
      %reduce_sum3A_801 = tpu.scan <sum>, %get3A_614 masked %reduce_sum3A_800 : vector<16xf32>, vector<16xi1> -> vector<16xf32>
      %reduce_sum3A_802 = vector.extract %reduce_sum3A_801[15] : f32 from vector<16xf32>
      %add3A_803 = arith.addf %scan3A_605, %reduce_sum3A_802 : f32
      %mul3A_804 = arith.mulf %select_n3A_633, %add3A_751 : vector<16xf32>
      %add3A_805 = arith.addf %scan3A_606, %mul3A_804 : vector<16xf32>
      %mul3A_806 = arith.mulf %select_n3A_633, %add3A_792 : vector<16xf32>
      %add3A_807 = arith.addf %scan3A_607, %mul3A_806 : vector<16xf32>
      %mul3A_808 = arith.mulf %select_n3A_639, %add3A_793 : vector<16xf32>
      %add3A_809 = arith.addf %scan3A_608, %mul3A_808 : vector<16xf32>
      scf.yield %add3A_798, %add3A_803, %add3A_805, %add3A_807, %add3A_809 : f32, f32, vector<16xf32>, vector<16xf32>, vector<16xf32>
    }
    %scan3A_502 = arith.constant 20 : i32
    %reduce_sum3A_503 = arith.constant true
    %reduce_sum3A_504 = vector.broadcast %reduce_sum3A_503 : i1 to vector<16xi1>
    %reduce_sum3A_505 = tpu.scan <sum>, %scan3A_501#2 masked %reduce_sum3A_504 : vector<16xf32>, vector<16xi1> -> vector<16xf32>
    %reduce_sum3A_506 = vector.extract %reduce_sum3A_505[15] : f32 from vector<16xf32>
    %add3A_507 = arith.addf %reduce_sum3A_506, %mul3A_482 : f32
    %reduce_sum3A_508 = arith.constant true
    %reduce_sum3A_509 = vector.broadcast %reduce_sum3A_508 : i1 to vector<16xi1>
    %reduce_sum3A_510 = tpu.scan <sum>, %scan3A_501#3 masked %reduce_sum3A_509 : vector<16xf32>, vector<16xi1> -> vector<16xf32>
    %reduce_sum3A_511 = vector.extract %reduce_sum3A_510[15] : f32 from vector<16xf32>
    %add3A_512 = arith.addf %reduce_sum3A_511, %mul3A_485 : f32
    %reduce_sum3A_513 = arith.constant true
    %reduce_sum3A_514 = vector.broadcast %reduce_sum3A_513 : i1 to vector<16xi1>
    %reduce_sum3A_515 = tpu.scan <sum>, %scan3A_501#4 masked %reduce_sum3A_514 : vector<16xf32>, vector<16xi1> -> vector<16xf32>
    %reduce_sum3A_516 = vector.extract %reduce_sum3A_515[15] : f32 from vector<16xf32>
    %add3A_517 = arith.addf %reduce_sum3A_516, %mul3A_488 : f32
    %eq3A_518 = arith.constant 0 : i32
    %eq3A_519 = vector.broadcast %eq3A_518 : i32 to vector<16xi32>
    %eq3A_520 = arith.cmpi eq, %iota3A, %eq3A_519 : vector<16xi32>
    %broadcast_in_dim3A_521 = vector.broadcast %add3A_507 : f32 to vector<16xf32>
    %broadcast_in_dim3A_522 = arith.constant 0.000000e+00 : f32
    %broadcast_in_dim3A_523 = vector.broadcast %broadcast_in_dim3A_522 : f32 to vector<16xf32>
    %select_n3A_524 = arith.select %eq3A_520, %broadcast_in_dim3A_521, %broadcast_in_dim3A_523 : vector<16xi1>, vector<16xf32>
    %eq3A_525 = arith.constant 1 : i32
    %eq3A_526 = vector.broadcast %eq3A_525 : i32 to vector<16xi32>
    %eq3A_527 = arith.cmpi eq, %iota3A, %eq3A_526 : vector<16xi32>
    %broadcast_in_dim3A_528 = vector.broadcast %add3A_512 : f32 to vector<16xf32>
    %broadcast_in_dim3A_529 = arith.constant 0.000000e+00 : f32
    %broadcast_in_dim3A_530 = vector.broadcast %broadcast_in_dim3A_529 : f32 to vector<16xf32>
    %select_n3A_531 = arith.select %eq3A_527, %broadcast_in_dim3A_528, %broadcast_in_dim3A_530 : vector<16xi1>, vector<16xf32>
    %add3A_532 = arith.addf %select_n3A_524, %select_n3A_531 : vector<16xf32>
    %eq3A_533 = arith.constant 2 : i32
    %eq3A_534 = vector.broadcast %eq3A_533 : i32 to vector<16xi32>
    %eq3A_535 = arith.cmpi eq, %iota3A, %eq3A_534 : vector<16xi32>
    %broadcast_in_dim3A_536 = vector.broadcast %add3A_517 : f32 to vector<16xf32>
    %broadcast_in_dim3A_537 = arith.constant 0.000000e+00 : f32
    %broadcast_in_dim3A_538 = vector.broadcast %broadcast_in_dim3A_537 : f32 to vector<16xf32>
    %select_n3A_539 = arith.select %eq3A_535, %broadcast_in_dim3A_536, %broadcast_in_dim3A_538 : vector<16xi1>, vector<16xf32>
    %add3A_540 = arith.addf %add3A_532, %select_n3A_539 : vector<16xf32>
    %swap3A_541 = arith.constant 0 : index
    %swap3A_542 = tpu.vector_load %arg22[%swap3A_541] {strides = array<i32>} : memref<16xf32, #tpu.memory_space<vmem>>, vector<16xf32>,
    tpu.vector_store %arg22[%swap3A_541], %add3A_540 {strides = array<i32>} : memref<16xf32, #tpu.memory_space<vmem>>, vector<16xf32>,
    %mul3A_543 = arith.constant 16 : i32
    %mul3A_544 = arith.muli %arg1, %mul3A_543 : i32
    "tpu.region"() ({
      %run_scoped3A = tpu.sem_alloc : memref<!tpu.dma_semaphore, #tpu.memory_space<semaphore_mem>>
      %dma_start3A = tpu.memref_slice %arg26[%mul3A_544] : memref<256xf32, #tpu.memory_space<vmem_shared>> -> memref<16xf32, #tpu.memory_space<vmem_shared>>
      %dma_start3A_603 = tpu.memref_slice %arg26[%mul3A_544] : memref<256xf32, #tpu.memory_space<vmem_shared>> -> memref<16xf32, #tpu.memory_space<vmem_shared>>
      tpu.enqueue_dma source(%arg22 : memref<16xf32, #tpu.memory_space<vmem>>) target(%dma_start3A_603 : memref<16xf32, #tpu.memory_space<vmem_shared>>) target_semaphore(%run_scoped3A : memref<!tpu.dma_semaphore, #tpu.memory_space<semaphore_mem>>)
      %dma_wait3A = tpu.memref_slice %arg26[%mul3A_544] : memref<256xf32, #tpu.memory_space<vmem_shared>> -> memref<16xf32, #tpu.memory_space<vmem_shared>>
      %dma_wait3A_604 = tpu.memref_slice %arg26[%mul3A_544] : memref<256xf32, #tpu.memory_space<vmem_shared>> -> memref<16xf32, #tpu.memory_space<vmem_shared>>
      tpu.wait_dma2 semaphore(%run_scoped3A : memref<!tpu.dma_semaphore, #tpu.memory_space<semaphore_mem>>) src(%arg22 : memref<16xf32, #tpu.memory_space<vmem>>) dst(%dma_wait3A_604 : memref<16xf32, #tpu.memory_space<vmem_shared>>)
      tpu.yield
    }) : () -> ()
    %barrier3A_545 = arith.constant 0 : index
    tpu.barrier barrier_id(%barrier3A_545)
    "tpu.region"() ({
      %run_scoped3A = tpu.sem_alloc : memref<!tpu.dma_semaphore, #tpu.memory_space<semaphore_mem>>
      tpu.enqueue_dma source(%arg26 : memref<256xf32, #tpu.memory_space<vmem_shared>>) target(%arg21 : memref<256xf32, #tpu.memory_space<vmem>>) target_semaphore(%run_scoped3A : memref<!tpu.dma_semaphore, #tpu.memory_space<semaphore_mem>>)
      tpu.wait_dma2 semaphore(%run_scoped3A : memref<!tpu.dma_semaphore, #tpu.memory_space<semaphore_mem>>) src(%arg26 : memref<256xf32, #tpu.memory_space<vmem_shared>>) dst(%arg21 : memref<256xf32, #tpu.memory_space<vmem>>)
      tpu.yield
    }) : () -> ()
    %mul3A_546 = arith.constant 16 : i32
    %mul3A_547 = vector.broadcast %mul3A_546 : i32 to vector<16xi32>
    %mul3A_548 = arith.muli %iota3A, %mul3A_547 : vector<16xi32>
    %gather3A_549 = tpu.vector_load_idx %arg21[%mul3A_548] : memref<256xf32, #tpu.memory_space<vmem>>[vector<16xi32>], vector<16xf32>,
    %reduce_sum3A_550 = arith.constant true
    %reduce_sum3A_551 = vector.broadcast %reduce_sum3A_550 : i1 to vector<16xi1>
    %reduce_sum3A_552 = tpu.scan <sum>, %gather3A_549 masked %reduce_sum3A_551 : vector<16xf32>, vector<16xi1> -> vector<16xf32>
    %reduce_sum3A_553 = vector.extract %reduce_sum3A_552[15] : f32 from vector<16xf32>
    %mul3A_554 = arith.constant 16 : i32
    %mul3A_555 = vector.broadcast %mul3A_554 : i32 to vector<16xi32>
    %mul3A_556 = arith.muli %iota3A, %mul3A_555 : vector<16xi32>
    %broadcast_in_dim3A_557 = arith.constant 1 : i32
    %broadcast_in_dim3A_558 = vector.broadcast %broadcast_in_dim3A_557 : i32 to vector<16xi32>
    %add3A_559 = arith.addi %mul3A_556, %broadcast_in_dim3A_558 : vector<16xi32>
    %gather3A_560 = tpu.vector_load_idx %arg21[%add3A_559] : memref<256xf32, #tpu.memory_space<vmem>>[vector<16xi32>], vector<16xf32>,
    %reduce_sum3A_561 = arith.constant true
    %reduce_sum3A_562 = vector.broadcast %reduce_sum3A_561 : i1 to vector<16xi1>
    %reduce_sum3A_563 = tpu.scan <sum>, %gather3A_560 masked %reduce_sum3A_562 : vector<16xf32>, vector<16xi1> -> vector<16xf32>
    %reduce_sum3A_564 = vector.extract %reduce_sum3A_563[15] : f32 from vector<16xf32>
    %mul3A_565 = arith.constant 16 : i32
    %mul3A_566 = vector.broadcast %mul3A_565 : i32 to vector<16xi32>
    %mul3A_567 = arith.muli %iota3A, %mul3A_566 : vector<16xi32>
    %broadcast_in_dim3A_568 = arith.constant 2 : i32
    %broadcast_in_dim3A_569 = vector.broadcast %broadcast_in_dim3A_568 : i32 to vector<16xi32>
    %add3A_570 = arith.addi %mul3A_567, %broadcast_in_dim3A_569 : vector<16xi32>
    %gather3A_571 = tpu.vector_load_idx %arg21[%add3A_570] : memref<256xf32, #tpu.memory_space<vmem>>[vector<16xi32>], vector<16xf32>,
    %reduce_sum3A_572 = arith.constant true
    %reduce_sum3A_573 = vector.broadcast %reduce_sum3A_572 : i1 to vector<16xi1>
    %reduce_sum3A_574 = tpu.scan <sum>, %gather3A_571 masked %reduce_sum3A_573 : vector<16xf32>, vector<16xi1> -> vector<16xf32>
    %reduce_sum3A_575 = vector.extract %reduce_sum3A_574[15] : f32 from vector<16xf32>
    %mul3A_576 = arith.mulf %sub3A_285, %reduce_sum3A_304 : f32
    %add3A_577 = arith.addf %min3A_281, %mul3A_576 : f32
    %broadcast_in_dim3A_578 = vector.broadcast %add3A_577 : f32 to vector<16xf32>
    %mul3A_579 = arith.mulf %sub3A_287, %reduce_sum3A_317 : f32
    %add3A_580 = arith.addf %min3A_283, %mul3A_579 : f32
    %broadcast_in_dim3A_581 = vector.broadcast %add3A_580 : f32 to vector<16xf32>
    %broadcast_in_dim3A_582 = arith.constant 1.000000e+00 : f32
    %broadcast_in_dim3A_583 = vector.broadcast %broadcast_in_dim3A_582 : f32 to vector<16xf32>
    %broadcast_in_dim3A_584 = vector.broadcast %reduce_sum3A_553 : f32 to vector<16xf32>
    %mul3A_585 = arith.constant 4.000000e+00 : f32
    %mul3A_586 = vector.broadcast %mul3A_585 : f32 to vector<16xf32>
    %mul3A_587 = arith.mulf %broadcast_in_dim3A_578, %mul3A_586 : vector<16xf32>
    %max3A_588 = arith.maximumf %mul3A_587, %broadcast_in_dim3A_583 : vector<16xf32>
    %div3A_589 = arith.divf %broadcast_in_dim3A_584, %max3A_588 : vector<16xf32>
    %broadcast_in_dim3A_590 = vector.broadcast %reduce_sum3A_564 : f32 to vector<16xf32>
    %max3A_591 = arith.maximumf %broadcast_in_dim3A_578, %broadcast_in_dim3A_583 : vector<16xf32>
    %div3A_592 = arith.divf %broadcast_in_dim3A_590, %max3A_591 : vector<16xf32>
    %broadcast_in_dim3A_593 = vector.broadcast %reduce_sum3A_575 : f32 to vector<16xf32>
    %max3A_594 = arith.maximumf %broadcast_in_dim3A_581, %broadcast_in_dim3A_583 : vector<16xf32>
    %div3A_595 = arith.divf %broadcast_in_dim3A_593, %max3A_594 : vector<16xf32>
    %add3A_596 = arith.addf %div3A_589, %div3A_592 : vector<16xf32>
    %add3A_597 = arith.addf %add3A_596, %div3A_595 : vector<16xf32>
    %swap3A_598 = arith.constant 0 : index
    %swap3A_599 = tpu.vector_load %arg23[%swap3A_598] {strides = array<i32>} : memref<16xf32, #tpu.memory_space<vmem>>, vector<16xf32>,
    tpu.vector_store %arg23[%swap3A_598], %add3A_597 {strides = array<i32>} : memref<16xf32, #tpu.memory_space<vmem>>, vector<16xf32>,
    %eq3A_600 = arith.constant 0 : i32
    %eq3A_601 = arith.cmpi eq, %arg1, %eq3A_600 : i32
    %convert_element_type3A = arith.extui %eq3A_601 : i1 to i32
    %cond3A = arith.constant 0 : i32
    %cond3A_602 = arith.cmpi ne, %convert_element_type3A, %cond3A : i32
    scf.if %cond3A_602 {
      "tpu.region"() ({
        %run_scoped3A = tpu.sem_alloc : memref<!tpu.dma_semaphore, #tpu.memory_space<semaphore_mem>>
        tpu.enqueue_dma source(%arg23 : memref<16xf32, #tpu.memory_space<vmem>>) target(%arg8 : memref<16xf32, #tpu.memory_space<hbm>>) target_semaphore(%run_scoped3A : memref<!tpu.dma_semaphore, #tpu.memory_space<semaphore_mem>>)
        tpu.wait_dma2 semaphore(%run_scoped3A : memref<!tpu.dma_semaphore, #tpu.memory_space<semaphore_mem>>) src(%arg23 : memref<16xf32, #tpu.memory_space<vmem>>) dst(%arg8 : memref<16xf32, #tpu.memory_space<hbm>>)
        tpu.yield
      }) : () -> ()
    } else {
    }
    return
  }
}

</mosaic_0001>

<sc_bundles>
// kernel: kernel.3.cloned.1.call-start
scs
__scs_entry_jumppad:
0x0: {  	(pc) =	sbr.rel $0x88, $3  }
0x1: {  	(tag) =	ssettag $0x0;
	lr =	simm.s32 $0x1  }
0x2: {  	[smem:$0x3F9E] =	sst lr;
	_ =	strace $0xD0000000  }
0x3: {  	_ = 	snop  }
0x4: {  	_ = 	snop  }
0x5: {  	_ = 	snop  }
0x6: {  	_ = 	snop  }
0x7: {  	_ = 	snop  }
__scs_overlays_trampoline_lowered:
0x8: {  	[smem:$0x3FAD] =	sst s0  }
0x9: {  	[smem:$0x3FAE] =	sst s1  }
0xa: {  	[smem:$0x3FAF] =	sst s2  }
0xb: {  	[smem:$0x3FB0] =	sst s3  }
0xc: {  	[smem:$0x3FB1] =	sst s4  }
0xd: {  	[smem:$0x3FB2] =	sst s5  }
0xe: {  	[smem:$0x3FB3] =	sst s6  }
0xf: {  	[smem:$0x3FB4] =	sst s7  }
0x10: {  	[smem:$0x3FB5] =	sst s8  }
0x11: {  	[smem:$0x3FB6] =	sst s9;
	s0 =	simm.s32 @!p0 $0x0  }
0x12: {  	s1 =	sld [smem:$0x3F9C];
	s0 =	simm.s32 @p0 $0x1  }
0x13: {  	[smem:$0x3FB7] =	sst s0;
	s0 =	simm.s32 @!p1 $0x0  }
0x14: {  	s2 =	sld [smem:$0x3F9B];
	s0 =	simm.s32 @p1 $0x1  }
0x15: {  	[smem:$0x3FB8] =	sst s0;
	s0 =	simm.s32 @!p2 $0x0  }
0x16: {  	s3 =	sld [smem:$0x3FDB];
	s0 =	simm.s32 @p2 $0x1  }
0x17: {  	s4 =	simm.s32 $0x1BF5;
	[smem:$0x3FBA] =	sst s0  }
0x18: {  	s0 =	sld [smem:$0x3F9D];
	_ =	swait.ge [sflag:s4], $0x0  }
0x19: {  	s7 =	sld [smem:$0x3F9E]  }
0x1a: {  	s8 =	sadd.s32 $0xFFFFE003, lr  }
0x1b: {  	s9 =	sadd.s32 $0xFFFFFEF7, lr;
	s5 =	simm.s32 $0xFFFFFFFF;
	p2 =	slt.u32 s8, $0xFFFFF086  }
0x1c: {  	p1 =	slt.u32 s9, $0xF7A;
	s5 =	simm.s32 @!p2 $0x0  }
0x1d: {  	s5 =	simm.s32 @p1 $0x1;
	p0 =	seq.s32 s7, s2  }
0x1e: {  	s7 =	smul.u32 @!p0 $0xF7A, s2;
	p2 =	seq.s32 @!p0 s5, $0x0  }
0x1f: {  	s9 =	smul.u32 $0xF7A, s1;
	s8 =	simm.s32 @!p0 $0x1BF5;
	p2 =	por !p2, p0  }
0x20: {  	[sflag:s8] =	ssyncset.s32 @!p0 $0xFFFFF086;
	s6 =	sadd.s32 @!p0 s3, s7;
	s7 =	simm.s32 @!p0 $0x108  }
0x21: {  	s3 =	sadd.s32 s3, s9;
	s6 =	sadd.s32 @!p0 $0x88, s6;
	s7 =	simm.s32 @p2 $0x1082  }
0x22: {  	[simem:s7], [sflag:s8] =	dma.local @!p0 [hbm:s6], $0xF7A  }
0x23: {  	s9 =	sor.u32 $0xD0000000, s2;
	s6 =	simm.s32 $0x108;
	_ =	swait.ge @!p0 [sflag:s8], $0x0  }
0x24: {  	s3 =	sadd.s32 $0x88, s3;
	s6 =	simm.s32 @!p1 $0x1082;
	[sflag:s4] =	ssyncset.s32 $0xFFFFF086  }
0x25: {  	[simem:s6], [sflag:s4] =	dma.local [hbm:s3], $0xF7A  }
0x26: {  	[smem:$0x3F9E] =	sst s1;
	(tag) =	ssettag s2;
	_ =	strace s9  }
0x27: {  	s1 =	sld [smem:$0x3FAE]  }
0x28: {  	s2 =	sld [smem:$0x3FAF]  }
0x29: {  	s4 =	sld [smem:$0x3FB1]  }
0x2a: {  	p0 =	seq.s32 s5, $0x0;
	s5 =	sld [smem:$0x3FB2]  }
0x2b: {  	s6 =	sld [smem:$0x3FB3]  }
0x2c: {  	s7 =	sld [smem:$0x3FB4]  }
0x2d: {  	s3 =	simm.s32 $0x108;
	s8 =	sld [smem:$0x3FB5]  }
0x2e: {  	s3 =	simm.s32 @!p0 $0x1082;
	s9 =	sld [smem:$0x3FB6]  }
0x2f: {  	lr =	sadd.s32 s0, s3;
	s0 =	sld [smem:$0x3FAD]  }
0x30: {  	s3 =	sld [smem:$0x3FB0]  }
0x31: {  	[smem:$0x3FB9] =	sst s10  }
0x32: {  	s10 =	sld [smem:$0x3FB7];
	_ =	sdelay $0x3  }
0x33: {  	p0 =	seq.s32 s10, $0x1;
	s10 =	sld [smem:$0x3FB9];
	_ =	sdelay $0x3  }
0x34: {  	[smem:$0x3FB9] =	sst s10  }
0x35: {  	s10 =	sld [smem:$0x3FB8];
	_ =	sdelay $0x3  }
0x36: {  	p1 =	seq.s32 s10, $0x1;
	s10 =	sld [smem:$0x3FB9];
	_ =	sdelay $0x3  }
0x37: {  	[smem:$0x3FB9] =	sst s10  }
0x38: {  	s10 =	sld [smem:$0x3FBA]  }
0x39: {  	_ = 	snop;
	(pc) =	sbr.ind lr, $3  }
0x3a: {  	_ = 	snop  }
0x3b: {  	_ = 	snop  }
0x3c: {  	p2 =	seq.s32 s10, $0x1;
	s10 =	sld [smem:$0x3FB9]  }
0x3d: {  	_ =	shalt  }
0x3e: {  	_ =	shalt  }
0x3f: {  	_ =	shalt  }
0x40: {  	_ =	shalt  }
0x41: {  	_ =	shalt  }
0x42: {  	_ =	shalt  }
0x43: {  	_ =	shalt  }
0x44: {  	_ =	shalt  }
0x45: {  	_ =	shalt  }
0x46: {  	_ =	shalt  }
0x47: {  	_ =	shalt  }
0x48: {  	_ =	shalt  }
0x49: {  	_ =	shalt  }
0x4a: {  	_ =	shalt  }
0x4b: {  	_ =	shalt  }
0x4c: {  	_ =	shalt  }
0x4d: {  	_ =	shalt  }
0x4e: {  	_ =	shalt  }
0x4f: {  	_ =	shalt  }
0x50: {  	_ =	shalt  }
0x51: {  	_ =	shalt  }
0x52: {  	_ =	shalt  }
0x53: {  	_ =	shalt  }
0x54: {  	_ =	shalt  }
0x55: {  	_ =	shalt  }
0x56: {  	_ =	shalt  }
0x57: {  	_ =	shalt  }
0x58: {  	_ =	shalt  }
0x59: {  	_ =	shalt  }
0x5a: {  	_ =	shalt  }
0x5b: {  	_ =	shalt  }
0x5c: {  	_ =	shalt  }
0x5d: {  	_ =	shalt  }
0x5e: {  	_ =	shalt  }
0x5f: {  	_ =	shalt  }
0x60: {  	_ =	shalt  }
0x61: {  	_ =	shalt  }
0x62: {  	_ =	shalt  }
0x63: {  	_ =	shalt  }
0x64: {  	_ =	shalt  }
0x65: {  	_ =	shalt  }
0x66: {  	_ =	shalt  }
0x67: {  	_ =	shalt  }
0x68: {  	_ =	shalt  }
0x69: {  	_ =	shalt  }
0x6a: {  	_ =	shalt  }
0x6b: {  	_ =	shalt  }
0x6c: {  	_ =	shalt  }
0x6d: {  	_ =	shalt  }
0x6e: {  	_ =	shalt  }
0x6f: {  	_ =	shalt  }
0x70: {  	_ =	shalt  }
0x71: {  	_ =	shalt  }
0x72: {  	_ =	shalt  }
0x73: {  	_ =	shalt  }
0x74: {  	_ =	shalt  }
0x75: {  	_ =	shalt  }
0x76: {  	_ =	shalt  }
0x77: {  	_ =	shalt  }
0x78: {  	_ =	shalt  }
0x79: {  	_ =	shalt  }
0x7a: {  	_ =	shalt  }
0x7b: {  	_ =	shalt  }
0x7c: {  	_ =	shalt  }
0x7d: {  	_ =	shalt  }
0x7e: {  	_ =	shalt  }
0x7f: {  	_ =	shalt  }
0x80: {  	_ =	shalt  }
0x81: {  	_ =	shalt  }
0x82: {  	_ =	shalt  }
0x83: {  	_ =	shalt  }
0x84: {  	_ =	shalt  }
0x85: {  	_ =	shalt  }
0x86: {  	_ =	shalt  }
0x87: {  	_ =	shalt  }
.Lfunc_end0:
.L_simem_size_0:
called_computation_lowered:
.L_overlay_start_0:
0x88: {  	s0 =	sld [smem:$0x3FD9]  }
0x89: {  	s1 =	sld [smem:$0x3FFE];
	_ =	sdelay $0x3  }
0x8a: {  	s0 =	sadd.s32 s1, s0  }
0x8b: {  	[smem:$0x3FC5] =	sst s0  }
0x8c: {  	_ = 	snop  }
0x8d: {  	s0 =	sld [smem:$0x3FD0];
	(tm) =	ssettm $0x1  }
0x8e: {  	s16 =	sld [smem:$0x3FFB];
	_ =	sdelay $0x3  }
0x8f: {  	_ =	strace s16  }
0x90: {  	s1 =	sld [smem:$0x3FFC];
	_ =	sdelay $0x3  }
0x91: {  	_ =	strace s1  }
0x92: {  	s1 =	sld [smem:$0x3FFD];
	_ =	sdelay $0x3  }
0x93: {  	_ =	strace s1  }
0x94: {  	_ =	strace $0x8FFFFFFF  }
0x95: {  	s17 =	sld [smem:$0x3FDB];
	_ =	sdelay $0x1  }
0x96: {  	s2 =	simm.s32 $_scs_section_size  }
0x97: {  	s3 =	simm.s32 $_size__tile_overlayer_lowered;
	s4 =	simm.s32 $_tile_overlayer_lowered  }
0x98: {  	s20 =	simm.s32 $0x1BFF;
	s19 =	sshll.u32 s4, $0x1;
	s1 =	sadd.s32 s2, s17  }
0x99: {  	s5 =	simm.s32 $0x0;
	s18 =	sshll.u32 s3, $0x1;
	s3 =	sadd.s32 s19, s1  }
0x9a: {  	[timem:s5], [sflag:s20] =	dma.local [hbm:s3], s18  }
0x9b: {  	_ =	swait.ge [sflag:s20], s18  }
0x9c: {  	s2 =	ssub.s32 $0x0, s18;
	[sflag:s20] =	ssyncset.done $0x0  }
0x9d: {  	[sflag:s20] =	ssyncadd.s32 s2;
	_ =	sdelay $0x1  }
0x9e: {  	s21 =	simm.s32 $0x1B8B  }
0x9f: {  	_ =	swait.ge [sflag:s21], $0x1  }
0xa0: {  	[sflag:s21] =	ssyncset.done $0x0  }
0xa1: {  	s23 =	simm.s32 $0x1B8E;
	s22 =	sld [smem:$0x3FFE];
	[sflag:s21] =	ssyncadd.s32 $0xFFFFFFFF  }
0xa2: {  	s24 =	simm.s32 $execute0_lowered;
	[smem:$0x3FD2] =	sst s23  }
0xa3: {  	s3 =	sshll.u32 s24, $0x1;
	_ =	strace $0x80000046;
	[dreg:$0x1] =	wrdreg $0xFFFFFFFF  }
0xa4: {  	s25 =	simm.s32 $_size_execute0_lowered;
	s1 =	sadd.s32 s1, s3;
	[dreg:$0x0] =	wrdreg $0x0  }
0xa5: {  	s3 =	sshll.u32 s25, $0x1;
	[dreg:$0x2] =	wrdreg s1  }
0xa6: {  	[dreg:$0x3] =	wrdreg s3  }
0xa7: {  	[dreg:$0x4] =	wrdreg $0xC0  }
0xa8: {  	_ =	task [dreg:s5], $0x5FFFF  }
0xa9: {  	[dreg:$0x1] =	wrdreg $0xFFFFFFFF  }
0xaa: {  	[dreg:$0x0] =	wrdreg $0x60  }
0xab: {  	[dreg:$0x2] =	wrdreg s22  }
0xac: {  	[dreg:$0x3] =	wrdreg s0  }
0xad: {  	[dreg:$0x4] =	wrdreg $0x65800  }
0xae: {  	[dreg:$0x5] =	wrdreg $0x65C00  }
0xaf: {  	[dreg:$0x6] =	wrdreg $0x65D00  }
0xb0: {  	[dreg:$0x7] =	wrdreg $0x9  }
0xb1: {  	_ =	task.clear_ibuf [dreg:s5], $0x8FFFF;
	_ =	strace $0x90000046  }
0xb2: {  	s26 =	simm.s32 $0x9;
	_ =	strace $0x80000048  }
0xb3: {  	_ =	swait.ge [sflag:s26], $0x1  }
0xb4: {  	[sflag:s26] =	ssyncadd.s32 $0xFFFFFFFF  }
0xb5: {  	_ =	strace $0x90000048  }
0xb6: {  	_ =	sfence  }
0xb7: {  	s28 =	sld [smem:$0x0];
	_ =	sdelay $0x1  }
0xb8: {  	s29 =	srdreg.scid  }
0xb9: {  	s30 =	sshll.u32 s29, $0xD;
	s31 =	sshrl.u32 s29, $0x2  }
0xba: {  	s2 =	sand.u32 $0x4000, s30;
	s1 =	sand.u32 $0x1, s29;
	s0 =	sadd.s32 s31, s28  }
0xbb: {  	s1 =	sor.u32 s2, s1;
	s0 =	sshll.u32 s0, $0x11  }
0xbc: {  	s0 =	sor.u32 s0, s1  }
0xbd: {  	s0 =	sadd.s32 $0x8F2B, s0  }
0xbe: {  	[sflag:s0] =	ssyncadd.remote.s32 $0x1  }
0xbf: {  	_ =	sfence.sel $0xFFFF  }
0xc0: {  	[dreg:$0x0] =	wrdreg $0xFFFFFFFF;
	(pc) =	sbr.abs _section_cstart, $3  }
0xc1: {  	[dreg:$0x1] =	wrdreg $0xFFFFFFFF  }
0xc2: {  	_ =	task.clear_ibuf [dreg:s5], $0x2FFFF;
	_ =	strace $0x9FFFFFFF  }
0xc3: {  	(tm) =	ssettm $0x7FFFFFFF  }
tec
execute0_lowered:
.L_overlay_start_1:
0x0: {  	(tag) =	ssettag $0x1  }
0x1: {  	s8 =	rddreg [dreg:$0x0]  }
0x2: {  	s1 =	rddreg [dreg:$0x1]  }
0x3: {  	s6 =	rddreg [dreg:$0x2];
	s2 =	stileid.u32  }
0x4: {  	s4 =	rddreg [dreg:$0x3];
	s5 =	smul.u32 $0x140, s2  }
0x5: {  	s3 =	rddreg [dreg:$0x4]  }
0x6: {  	s0 =	rddreg [dreg:$0x5];
	s7 =	simm.s32 $0x0;
	s9 =	sshrl.u32 s5, $0x3  }
0x7: {  	[smem:$0x7FF] =	sst s7;
	s9 =	sadd.s32 s9, s8  }
0x8: {  	s22 =	simm.s32 $0x1;
	_ =	strace $0x80000047;
	s10 =	sadd.s32 $0x1600, s9  }
0x9: {  	[tilespmem:s7], [sflag:$0x1] =	stream.linear.gather [hbm4b:s10+s7], $0x140, $0x38;
	[tilespmem:$0x65E0] =	vst v63  }
0xa: {  	_ =	swait.ge [sflag:s22], $0x140  }
0xb: {  	[sflag:s22] =	ssyncset.done $0x0  }
0xc: {  	s12 =	simm.s32 $0x140;
	s11 =	sadd.s32 $0x1200, s9;
	[sflag:s22] =	ssyncadd.s32 $0xFFFFFEC0  }
0xd: {  	[tilespmem:s12], [sflag:$0x1] =	stream.linear.gather [hbm4b:s11+s7], $0x140, $0x38;
	[tilespmem:$0x65E0] =	vst v63  }
0xe: {  	_ =	swait.ge [sflag:s22], $0x140  }
0xf: {  	[sflag:s22] =	ssyncset.done $0x0  }
0x10: {  	s24 =	simm.s32 $0x280;
	s23 =	sadd.s32 $0xE00, s9;
	[sflag:s22] =	ssyncadd.s32 $0xFFFFFEC0  }
0x11: {  	[tilespmem:s24], [sflag:$0x1] =	stream.linear.gather [hbm4b:s23+s7], $0x140, $0x38;
	[tilespmem:$0x65E0] =	vst v63  }
0x12: {  	_ =	swait.ge [sflag:s22], $0x140  }
0x13: {  	[sflag:s22] =	ssyncset.done $0x0  }
0x14: {  	s26 =	simm.s32 $0x3C0;
	s25 =	sadd.s32 $0xA00, s9;
	[sflag:s22] =	ssyncadd.s32 $0xFFFFFEC0  }
0x15: {  	[tilespmem:s26], [sflag:$0x1] =	stream.linear.gather [hbm4b:s25+s7], $0x140, $0x38;
	[tilespmem:$0x65E0] =	vst v63  }
0x16: {  	_ =	swait.ge [sflag:s22], $0x140  }
0x17: {  	[sflag:s22] =	ssyncset.done $0x0  }
0x18: {  	s28 =	simm.s32 $0x500;
	s9 =	sadd.s32 $0x1C00, s9;
	[sflag:s22] =	ssyncadd.s32 $0xFFFFFEC0  }
0x19: {  	[tilespmem:s28], [sflag:$0x1] =	stream.linear.gather [hbm4b:s9+s7], $0x140, $0x38;
	[tilespmem:$0x65E0] =	vst v63  }
0x1a: {  	_ =	swait.ge [sflag:s22], $0x140  }
0x1b: {  	[sflag:s22] =	ssyncset.done $0x0  }
0x1c: {  	s29 =	simm.s32 $0x680;
	s8 =	sadd.s32 $0x1A00, s8;
	[sflag:s22] =	ssyncadd.s32 $0xFFFFFEC0  }
0x1d: {  	[tilespmem:s29], [sflag:$0x1] =	stream.linear.gather [hbm4b:s8+s7], $0x100, $0x38;
	[tilespmem:$0x65E0] =	vst v63  }
0x1e: {  	_ =	swait.ge [sflag:s22], $0x100  }
0x1f: {  	[sflag:s22] =	ssyncset.done $0x0  }
0x20: {  	[sflag:s22] =	ssyncadd.s32 $0xFFFFFF00  }
0x21: {  	v0 =	vld [tilespmem:$0x680]  }
0x22: {  	v1 =	vld [tilespmem:$0x6C0]  }
0x23: {  	v2 =	vld [tilespmem:$0x700]  }
0x24: {  	v3 =	vld [tilespmem:$0x740]  }
0x25: {  	v4 =	vld [tilespmem:$0x690]  }
0x26: {  	v5 =	vld [tilespmem:$0x6D0]  }
0x27: {  	v6 =	vld [tilespmem:$0x710]  }
0x28: {  	v7 =	vld [tilespmem:$0x750]  }
0x29: {  	v8 =	vld [tilespmem:$0x6A0];
	v2 =	vsub.f32 v2, v0  }
0x2a: {  	v12 =	vld [tilespmem:$0x720];
	v3 =	vsub.f32 v3, v1  }
0x2b: {  	v2 =	vadd.f32 $1.000000000e+00, v2  }
0x2c: {  	v10 =	vld [tilespmem:$0x6E0];
	v3 =	vadd.f32 $1.000000000e+00, v3  }
0x2d: {  	v56 =	vld [tilespmem:$0x6B0];
	v9 =	vmul.f32 $5.000000000e-01, v2  }
0x2e: {  	v14 =	vld [tilespmem:$0x730];
	v6 =	vsub.f32 v6, v4;
	v7 =	vsub.f32 v7, v5;
	v11 =	vmul.f32 $5.000000000e-01, v3  }
0x2f: {  	v55 =	vld [tilespmem:$0x760];
	v12 =	vsub.f32 v12, v8;
	[tilespmem:$0x800] =	vst v2;
	v0 =	vadd.f32 v9, v0  }
0x30: {  	v6 =	vadd.f32 $1.000000000e+00, v6;
	[tilespmem:$0x840] =	vst v3;
	v1 =	vadd.f32 v11, v1  }
0x31: {  	[tilespmem:$0x780] =	vst v0;
	v0 =	vadd.f32 $1.000000000e+00, v7  }
0x32: {  	v59 =	vadd.f32 $1.000000000e+00, v12;
	[tilespmem:$0x7C0] =	vst v1;
	v1 =	vmul.f32 $5.000000000e-01, v6  }
0x33: {  	v57 =	vld [tilespmem:$0x6F0];
	v61 =	vsub.f32 v14, v56;
	v2 =	vmul.f32 v3, v2;
	[tilespmem:$0x810] =	vst v6;
	v13 =	vmul.f32 $5.000000000e-01, v0  }
0x34: {  	v58 =	vld [tilespmem:$0x770];
	v3 =	vsub.f32 v55, v10;
	[tilespmem:$0x820] =	vst v59;
	v1 =	vadd.f32 v1, v4  }
0x35: {  	[tilespmem:$0x880] =	vst v2;
	v2 =	vadd.f32 v13, v5  }
0x36: {  	v62 =	vadd.f32 $1.000000000e+00, v61;
	[tilespmem:$0x790] =	vst v1;
	v1 =	vadd.f32 $1.000000000e+00, v3  }
0x37: {  	[tilespmem:$0x7D0] =	vst v2;
	v2 =	vmul.f32 $5.000000000e-01, v59  }
0x38: {  	[tilespmem:$0x830] =	vst v62;
	v3 =	vmul.f32 v0, v6;
	v60 =	vmul.f32 $5.000000000e-01, v1  }
0x39: {  	[tilespmem:$0x850] =	vst v0;
	v0 =	vadd.f32 v2, v8;
	v2 =	vsub.f32 v58, v57  }
0x3a: {  	[tilespmem:$0x890] =	vst v3;
	v3 =	vadd.f32 v60, v10  }
0x3b: {  	[tilespmem:$0x7A0] =	vst v0;
	v0 =	vadd.f32 $1.000000000e+00, v2  }
0x3c: {  	[tilespmem:$0x7E0] =	vst v3;
	v2 =	vmul.f32 $5.000000000e-01, v62;
	v3 =	vmul.f32 v1, v59  }
0x3d: {  	[tilespmem:$0x860] =	vst v1;
	v63 =	vmul.f32 $5.000000000e-01, v0  }
0x3e: {  	v1 =	vadd.f32 v2, v56;
	[tilespmem:$0x8A0] =	vst v3  }
0x3f: {  	[tilespmem:$0x870] =	vst v0;
	v2 =	vadd.f32 v63, v57  }
0x40: {  	[tilespmem:$0x7B0] =	vst v1;
	v1 =	vmul.f32 v0, v62  }
0x41: {  	[tilespmem:$0x7F0] =	vst v2  }
0x42: {  	s30 =	sand.u32 $0x1F0, s7;
	[tilespmem:$0x8B0] =	vst v1  }
0x43: {  	v0 =	vld [tilespmem:s30+$0x280]  }
0x44: {  	v1 =	vld [tilespmem:s7+$0x0]  }
0x45: {  	v2 =	vld [tilespmem:s7+$0x140]  }
0x46: {  	v3 =	vld [tilespmem:s7+$0x3C0];
	_ =	sdelay $0x4  }
0x47: {  	v0 =	vsub.f32 v0, v1;
	v1 =	vsub.f32 v3, v2;
	_ =	sdelay $0x1  }
0x48: {  	v0 =	vadd.f32 $1.000000000e+00, v0;
	v1 =	vadd.f32 $1.000000000e+00, v1;
	_ =	sdelay $0x1  }
0x49: {  	v0 =	vmul.f32 v1, v0  }
0x4a: {  	s8 =	simm.s32 $0x10;
	s7 =	simm.s32 $0x900  }
0x4b: {  	s31 =	sand.u32 $0x1F0, s8;
	[tilespmem:s7+$0x0] =	vst v0  }
0x4c: {  	v0 =	vld [tilespmem:s31+$0x280]  }
0x4d: {  	v1 =	vld [tilespmem:s8+$0x0]  }
0x4e: {  	s9 =	simm.s32 $0x20;
	v2 =	vld [tilespmem:s8+$0x140]  }
.LBB2_1:
0x4f: {  	p0 =	sne.s32 s9, $0x130;
	v3 =	vld [tilespmem:s8+$0x3C0];
	_ =	sdelay $0x4  }
0x50: {  	v0 =	vsub.f32 v0, v1;
	v1 =	vsub.f32 v3, v2;
	_ =	sdelay $0x1  }
0x51: {  	v0 =	vadd.f32 $1.000000000e+00, v0;
	v1 =	vadd.f32 $1.000000000e+00, v1;
	_ =	sdelay $0x1  }
0x52: {  	v0 =	vmul.f32 v1, v0  }
.Ltmp0:
0x53: {  	s7 =	sadd.s32 $0x10, s7;
	(pc) =	sbr.rel @p0 .LBB2_1-.Ltmp0, $4  }
0x54: {  	s10 =	sand.u32 $0x1F0, s9;
	[tilespmem:s7+$0x0] =	vst v0  }
0x55: {  	s8 =	sadd.s32 $0x10, s8;
	v0 =	vld [tilespmem:s10+$0x280]  }
0x56: {  	v1 =	vld [tilespmem:s8+$0x0]  }
0x57: {  	s9 =	sadd.s32 $0x10, s9;
	v2 =	vld [tilespmem:s8+$0x140]  }
0x58: {  	v3 =	vld [tilespmem:s8+$0x3C0];
	_ =	sdelay $0x4  }
0x59: {  	v0 =	vsub.f32 v0, v1;
	v63 =	vsub.f32 v3, v2;
	_ =	sdelay $0x1  }
0x5a: {  	v0 =	vadd.f32 $1.000000000e+00, v0;
	v1 =	vadd.f32 $1.000000000e+00, v63;
	_ =	sdelay $0x1  }
0x5b: {  	v0 =	vmul.f32 v1, v0  }
0x5c: {  	s9 =	sadd.s32 $0x10, s7;
	s7 =	simm.s32 $0x0;
	s8 =	simm.s32 $0xE70  }
0x5d: {  	s10 =	simm.s32 $0x880;
	s11 =	simm.s32 $0x0;
	[tilespmem:s9+$0x0] =	vst v0;
	s9 =	simm.s32 $0x680  }
.LBB2_3:
0x5e: {  	s12 =	sshll.u32 s11, $0x4  }
0x5f: {  	v0 =	vimm.f32 $0.0e+00;
	s13 =	smov.u32 s8;
	s14 =	smov.u32 s7;
	s15 =	simm.s32 $0x0  }
.LBB2_4:
0x60: {  	s16 =	sshll.u32 s15, $0x2  }
0x61: {  	[tilespmem:$0x1FEA0] =	vst v0;
	s19 =	simm.s32 $0x920;
	s17 =	sadd.s32 s12, s16  }
0x62: {  	v21 =	vld [tilespmem:s19+$0x0];
	v16 =	vmov s17;
	s18 =	sor.u32 $0x1, s17;
	s25 =	sor.u32 $0x2, s17;
	s17 =	sor.u32 $0x3, s17  }
0x63: {  	v22 =	vld [tilespmem:s19+$0xFFFFFFE0];
	v19 =	vmov s17;
	s17 =	simm.s32 $0x3F0  }
0x64: {  	v24 =	vld [tilespmem:s17+$0xFFFFFC30]  }
0x65: {  	v25 =	vld [tilespmem:s17+$0xFFFFFD70]  }
0x66: {  	v26 =	vld [tilespmem:s17+$0xFFFFFFF0]  }
0x67: {  	v3 =	vor.u32 $0x40, v16;
	v17 =	vmov s18;
	s18 =	simm.s32 $0x0;
	v32 =	vld [tilespmem:s17+$0xFFFFFD50]  }
0x68: {  	s21 =	simm.s32 $0x20;
	v4 =	vor.u32 $0xC0, v16;
	v35 =	vld [tilespmem:s17+$0xFFFFFFD0];
	s20 =	sand.u32 $0x180, s18  }
0x69: {  	s23 =	sand.u32 $0x60, s21;
	v48 =	vld [tilespmem:s17+$0xFFFFFC10];
	s20 =	sadd.s32 $0x280, s20  }
0x6a: {  	s21 =	sor.u32 s23, s20;
	v0 =	vld.idx.msk [tilespmem:v16+s9+$0x0], $0xffff  }
0x6b: {  	v55 =	vld [tilespmem:s21+$0x0]  }
0x6c: {  	v27 =	vor.u32 $0x80, v16;
	v1 =	vld.idx.msk [tilespmem:v3+s9+$0x0], $0xffff  }
0x6d: {  	v7 =	vor.u32 $0x40, v17;
	v2 =	vld.idx.msk [tilespmem:v4+s9+$0x0], $0xffff  }
0x6e: {  	v8 =	vor.u32 $0xC0, v17;
	v3 =	vld.idx.msk [tilespmem:v16+s10+$0x0], $0xffff  }
0x6f: {  	v4 =	vld.idx.msk [tilespmem:v17+s9+$0x0], $0xffff  }
0x70: {  	v18 =	vmov s25;
	v13 =	vld.idx.msk [tilespmem:v19+s10+$0x0], $0xffff  }
0x71: {  	v11 =	vor.u32 $0x40, v18;
	v16 =	vld.idx.msk [tilespmem:v27+s9+$0x0], $0xffff  }
0x72: {  	v5 =	vld.idx.msk [tilespmem:v7+s9+$0x0], $0xffff  }
0x73: {  	v20 =	vor.u32 $0x40, v19;
	v6 =	vld.idx.msk [tilespmem:v8+s9+$0x0], $0xffff  }
0x74: {  	v12 =	vor.u32 $0xC0, v18;
	v7 =	vld.idx.msk [tilespmem:v17+s10+$0x0], $0xffff  }
0x75: {  	v23 =	vor.u32 $0xC0, v19;
	v8 =	vld.idx.msk [tilespmem:v18+s9+$0x0], $0xffff  }
0x76: {  	v9 =	vld.idx.msk [tilespmem:v11+s9+$0x0], $0xffff  }
0x77: {  	v30 =	vor.u32 $0x80, v18;
	v11 =	vld.idx.msk [tilespmem:v18+s10+$0x0], $0xffff  }
0x78: {  	v14 =	vld.idx.msk [tilespmem:v20+s9+$0x0], $0xffff;
	v20 =	vor.u32 $0x80, v17;
	v37 =	vmax.f32 v24, v0;
	v28 =	vadd.f32 v21, v3  }
0x79: {  	v10 =	vld.idx.msk [tilespmem:v12+s9+$0x0], $0xffff;
	v31 =	vadd.f32 v21, v13;
	v33 =	vadd.f32 v22, v3;
	v38 =	vmin.f32 v26, v2  }
0x7a: {  	v15 =	vld.idx.msk [tilespmem:v23+s9+$0x0], $0xffff;
	v39 =	vmax.f32 v25, v1;
	v40 =	vmax.f32 v24, v4;
	v27 =	vmin.f32 v35, v2  }
0x7b: {  	v46 =	vmax.f32 v32, v1;
	v57 =	vmax.f32 v48, v4;
	v23 =	vadd.f32 v21, v7  }
0x7c: {  	v60 =	vmin.f32 v55, v16;
	v29 =	vadd.f32 v21, v11;
	v34 =	vadd.f32 v22, v7  }
0x7d: {  	v36 =	vadd.f32 v22, v11;
	v41 =	vmin.f32 v26, v6;
	v42 =	vmax.f32 v25, v5  }
0x7e: {  	v43 =	vmax.f32 v24, v8;
	v44 =	vmin.f32 v26, v10;
	v45 =	vmax.f32 v25, v9  }
0x7f: {  	v18 =	vld.idx.msk [tilespmem:v30+s9+$0x0], $0xffff;
	v26 =	vmin.f32 v26, v15;
	v25 =	vmax.f32 v25, v14;
	v47 =	vmin.f32 v35, v6  }
0x80: {  	v49 =	vmax.f32 v32, v5;
	v50 =	vmin.f32 v35, v10;
	v38 =	vsub.f32 v38, v39  }
0x81: {  	v12 =	vld.idx.msk [tilespmem:v19+s9+$0x0], $0xffff;
	v30 =	vmax.f32 v32, v9;
	v27 =	vsub.f32 v27, v46;
	v37 =	vsub.f32 v60, v37  }
0x82: {  	v35 =	vmin.f32 v35, v15;
	v22 =	vadd.f32 v22, v13;
	v53 =	vsub.f32 v41, v42  }
0x83: {  	v32 =	vmax.f32 v32, v14;
	v54 =	vsub.f32 v44, v45;
	v25 =	vsub.f32 v26, v25  }
0x84: {  	v51 =	vmin.f32 v55, v18;
	v26 =	vsub.f32 v47, v49;
	v30 =	vsub.f32 v50, v30  }
0x85: {  	v21 =	vor.u32 $0x80, v19;
	v32 =	vsub.f32 v35, v32;
	v43 =	vsub.f32 v51, v43  }
0x86: {  	v24 =	vmax.f32 v24, v12;
	v17 =	vld.idx.msk [tilespmem:v20+s9+$0x0], $0xffff;
	v56 =	vadd.f32 $1.000000000e+00, v38;
	v27 =	vadd.f32 $1.000000000e+00, v27  }
0x87: {  	s22 =	sand.u32 $0x40, s18;
	v58 =	vmax.f32 v48, v8;
	v37 =	vadd.f32 $1.000000000e+00, v37;
	v39 =	vadd.f32 $1.000000000e+00, v53  }
0x88: {  	s20 =	sor.u32 s22, s20;
	v59 =	vmax.f32 v48, v12;
	v41 =	vadd.f32 $1.000000000e+00, v54;
	v25 =	vadd.f32 $1.000000000e+00, v25  }
0x89: {  	v44 =	vld [tilespmem:s20+$0x0];
	v45 =	vmax.f32 v48, v0;
	v26 =	vadd.f32 $1.000000000e+00, v26;
	v30 =	vadd.f32 $1.000000000e+00, v30  }
0x8a: {  	v32 =	vadd.f32 $1.000000000e+00, v32;
	v43 =	vadd.f32 $1.000000000e+00, v43;
	v35 =	vmax.f32 v56, $0.0e+00;
	v19 =	vld.idx.msk [tilespmem:v21+s9+$0x0], $0xffff  }
0x8b: {  	v27 =	vmax.f32 v27, $0.0e+00;
	v37 =	vmax.f32 v37, $0.0e+00;
	v61 =	vmin.f32 v55, v17  }
0x8c: {  	v39 =	vmax.f32 v39, $0.0e+00;
	v41 =	vmax.f32 v41, $0.0e+00;
	v25 =	vmax.f32 v25, $0.0e+00  }
0x8d: {  	v26 =	vmax.f32 v26, $0.0e+00;
	v35 =	vmul.f32 v35, v37;
	v40 =	vsub.f32 v61, v40  }
0x8e: {  	v53 =	vmax.f32 v43, $0.0e+00;
	v30 =	vmax.f32 v30, $0.0e+00;
	v62 =	vmin.f32 v44, v16  }
0x8f: {  	v52 =	vmin.f32 v44, v17;
	v40 =	vadd.f32 $1.000000000e+00, v40;
	v42 =	vmin.f32 v55, v19  }
0x90: {  	v63 =	vmin.f32 v44, v18;
	v54 =	vmul.f32 v41, v53;
	v24 =	vsub.f32 v42, v24  }
0x91: {  	v50 =	vsub.f32 v62, v45;
	v38 =	vsub.f32 v52, v57;
	v40 =	vmax.f32 v40, $0.0e+00  }
0x92: {  	v51 =	vsub.f32 v63, v58;
	v39 =	vmul.f32 v39, v40;
	v24 =	vadd.f32 $1.000000000e+00, v24  }
0x93: {  	v28 =	vsub.f32 v28, v35;
	v29 =	vsub.f32 v29, v54;
	v44 =	vmin.f32 v44, v19  }
0x94: {  	v44 =	vsub.f32 v44, v59;
	v23 =	vsub.f32 v23, v39;
	v24 =	vmax.f32 v24, $0.0e+00  }
0x95: {  	v52 =	vadd.f32 $1.000000000e+00, v50;
	(erf) = vrcp.f32 v28;
	v25 =	vmul.f32 v25, v24  }
0x96: {  	v28 =	vadd.f32 $1.000000000e+00, v51;
	(erf) = vrcp.f32 v23;
	v23 =	vadd.f32 $1.000000000e+00, v44  }
0x97: {  	v37 =	vmax.f32 v52, $0.0e+00;
	v24 =	vadd.f32 $1.000000000e+00, v38;
	v31 =	vsub.f32 v31, v25  }
0x98: {  	v27 =	vmul.f32 v27, v37;
	(erf) = vrcp.f32 v29;
	v29 =	vmax.f32 v32, $0.0e+00  }
0x99: {  	v23 =	vmax.f32 v23, $0.0e+00;
	v24 =	vmax.f32 v24, $0.0e+00;
	(erf) = vrcp.f32 v31  }
0x9a: {  	v28 =	vmax.f32 v28, $0.0e+00;
	v23 =	vmul.f32 v29, v23;
	v31 =	vmul.f32 v26, v24  }
0x9b: {  	v55 =	vmul.f32 v30, v28;
	v24 =	vsub.f32 v33, v27  }
0x9c: {  	v22 =	vsub.f32 v22, v23;
	v26 =	vsub.f32 v34, v31  }
0x9d: {  	v28 =	vsub.f32 v36, v55;
	(erf) = vrcp.f32 v24  }
0x9e: {  	s26 =	sadd.s32 $0x0, s14;
	(erf) = vrcp.f32 v26  }
0x9f: {  	s28 =	sand.u32 $0xFF80, s26;
	v24 =	vpop (erf);
	(erf) = vrcp.f32 v28  }
0xa0: {  	s21 =	sadd.s32 $0x280, s26;
	s20 =	sadd.s32 $0xA80, s28;
	v29 =	vmul.f32 v24, v35;
	(erf) = vrcp.f32 v22;
	v22 =	vpop (erf)  }
0xa1: {  	s21 =	sand.u32 $0x7FFFFF80, s21;
	s24 =	sor.u32 s23, s20;
	v24 =	vmul.f32 v22, v39;
	v22 =	vpop (erf)  }
0xa2: {  	s21 =	sadd.s32 $0xA80, s21;
	[tilespmem:s24+$0x0] =	vst v29;
	v26 =	vmul.f32 v22, v54;
	v22 =	vpop (erf)  }
0xa3: {  	s23 =	sor.u32 s23, s21;
	[tilespmem:s13+$0xFFFFFD70] =	vst v24;
	v28 =	vmul.f32 v22, v25  }
0xa4: {  	[tilespmem:s23+$0x0] =	vst v26  }
0xa5: {  	[tilespmem:s13+$0xFFFFFFF0] =	vst v28  }
0xa6: {  	v22 =	vpop (erf);
	v25 =	vld [tilespmem:s19+$0x10]  }
0xa7: {  	v33 =	vmul.f32 v22, v27;
	v27 =	vld [tilespmem:s17+$0xFFFFFC40]  }
0xa8: {  	v22 =	vpop (erf);
	v56 =	vld [tilespmem:s17+$0xFFFFFEC0]  }
0xa9: {  	s29 =	sor.u32 s22, s20;
	v37 =	vld [tilespmem:s17+$0xFFFFFD80];
	v30 =	vmul.f32 v22, v31;
	v22 =	vpop (erf)  }
0xaa: {  	[tilespmem:s29+$0x0] =	vst v33;
	v31 =	vmul.f32 v22, v55;
	v22 =	vpop (erf)  }
0xab: {  	s22 =	sor.u32 s22, s21;
	[tilespmem:s13+$0xFFFFFD50] =	vst v30;
	v32 =	vmul.f32 v22, v23  }
0xac: {  	[tilespmem:s22+$0x0] =	vst v31;
	v23 =	vadd.f32 v25, v3;
	v35 =	vadd.f32 v25, v7  }
0xad: {  	v22 =	vld [tilespmem:s17+$0x0];
	[tilespmem:s13+$0xFFFFFFD0] =	vst v32;
	v36 =	vadd.f32 v25, v11;
	v34 =	vadd.f32 v25, v13;
	v39 =	vmin.f32 v56, v16  }
0xae: {  	v40 =	vmax.f32 v27, v0;
	v57 =	vmax.f32 v37, v1;
	v45 =	vmin.f32 v56, v17;
	v41 =	vld [tilespmem:s17+$0xFFFFFC20]  }
0xaf: {  	v58 =	vmax.f32 v27, v4;
	v60 =	vmax.f32 v37, v5;
	v61 =	vmin.f32 v56, v18;
	v25 =	vld [tilespmem:s17+$0xFFFFFEA0]  }
0xb0: {  	v62 =	vmax.f32 v27, v8;
	v53 =	vmax.f32 v37, v9;
	v38 =	vmin.f32 v56, v19;
	v42 =	vld [tilespmem:s17+$0xFFFFFFE0]  }
0xb1: {  	v27 =	vmax.f32 v27, v12;
	v37 =	vmax.f32 v37, v14;
	v46 =	vld [tilespmem:s17+$0xFFFFFD60];
	v44 =	vsub.f32 v45, v58  }
0xb2: {  	v55 =	vsub.f32 v39, v40;
	v27 =	vsub.f32 v38, v27;
	v43 =	vmin.f32 v22, v2  }
0xb3: {  	[tilespmem:$0x1FEB0] =	vst v16;
	v59 =	vmin.f32 v22, v6;
	v63 =	vmin.f32 v22, v10;
	v44 =	vadd.f32 $1.000000000e+00, v44  }
0xb4: {  	[tilespmem:$0x1FEC0] =	vst v0;
	v22 =	vmin.f32 v22, v15;
	v27 =	vadd.f32 $1.000000000e+00, v27;
	v43 =	vsub.f32 v43, v57  }
0xb5: {  	[tilespmem:$0x1FED0] =	vst v2;
	v22 =	vsub.f32 v22, v37;
	v44 =	vmax.f32 v44, $0.0e+00;
	v54 =	vmin.f32 v25, v16  }
0xb6: {  	[tilespmem:$0x1FEE0] =	vst v1;
	v56 =	vmax.f32 v41, v0;
	v57 =	vmin.f32 v42, v2;
	v58 =	vmax.f32 v46, v1  }
0xb7: {  	[tilespmem:$0x1FEF0] =	vst v17;
	v16 =	vsub.f32 v59, v60;
	v59 =	vmin.f32 v25, v17;
	v60 =	vsub.f32 v61, v62  }
0xb8: {  	v61 =	vld [tilespmem:s19+$0xFFFFFFF0];
	v62 =	vsub.f32 v63, v53;
	[tilespmem:$0x1FF00] =	vst v4;
	v63 =	vmax.f32 v41, v4;
	v0 =	vmin.f32 v42, v6  }
0xb9: {  	[tilespmem:$0x1FF20] =	vst v5;
	v1 =	vmax.f32 v46, v5;
	v4 =	vmin.f32 v25, v18;
	v5 =	vmax.f32 v41, v8  }
0xba: {  	[tilespmem:$0x1FF10] =	vst v6;
	v6 =	vmin.f32 v42, v10;
	v43 =	vadd.f32 $1.000000000e+00, v43;
	v22 =	vadd.f32 $1.000000000e+00, v22  }
0xbb: {  	[tilespmem:$0x1FF50] =	vst v10;
	v10 =	vmax.f32 v46, v9;
	v2 =	vsub.f32 v54, v56;
	v45 =	vsub.f32 v57, v58  }
0xbc: {  	[tilespmem:$0x1FF40] =	vst v8;
	v25 =	vmin.f32 v25, v19;
	v48 =	vsub.f32 v59, v63;
	v8 =	vsub.f32 v0, v1  }
0xbd: {  	[tilespmem:$0x1FFA0] =	vst v12;
	v12 =	vmax.f32 v41, v12;
	v56 =	vsub.f32 v4, v5;
	v52 =	vsub.f32 v6, v10  }
0xbe: {  	[tilespmem:$0x1FFE0] =	vst v14;
	v14 =	vmax.f32 v46, v14;
	v25 =	vsub.f32 v25, v12;
	v16 =	vadd.f32 $1.000000000e+00, v16  }
0xbf: {  	[tilespmem:$0x1FF30] =	vst v18;
	v63 =	vimm.f32 $0.0e+00;
	v17 =	vadd.f32 $1.000000000e+00, v60;
	v18 =	vadd.f32 $1.000000000e+00, v62  }
0xc0: {  	[tilespmem:$0x1FF90] =	vst v19;
	v43 =	vmax.f32 v43, $0.0e+00;
	v19 =	vadd.f32 $1.000000000e+00, v2;
	v60 =	vadd.f32 $1.000000000e+00, v45  }
0xc1: {  	v50 =	vmax.f32 v22, $0.0e+00;
	v48 =	vadd.f32 $1.000000000e+00, v48;
	v54 =	vadd.f32 $1.000000000e+00, v8  }
0xc2: {  	v22 =	vimm.f32 $0.0e+00;
	v62 =	vadd.f32 $1.000000000e+00, v52;
	v25 =	vadd.f32 $1.000000000e+00, v25  }
0xc3: {  	v45 =	vmax.f32 v27, $0.0e+00;
	v27 =	vimm.f32 $0.0e+00;
	v57 =	vmax.f32 v16, $0.0e+00  }
0xc4: {  	v58 =	vmax.f32 v17, $0.0e+00;
	v40 =	vadd.f32 v61, v3;
	v39 =	vadd.f32 v61, v7  }
0xc5: {  	[tilespmem:$0x1FFC0] =	vst v13;
	v59 =	vmax.f32 v18, $0.0e+00;
	v38 =	vadd.f32 v61, v11;
	v37 =	vadd.f32 v61, v13  }
0xc6: {  	[tilespmem:$0x1FFD0] =	vst v15;
	v13 =	vmin.f32 v42, v15;
	v15 =	vadd.f32 $1.000000000e+00, v55;
	v61 =	vadd.f32 $1.000000000e+00, v56  }
0xc7: {  	s31 =	simm.s32 $0x30;
	[tilespmem:$0x1FF60] =	vst v9;
	v52 =	vmax.f32 v19, $0.0e+00;
	v53 =	vmax.f32 v60, $0.0e+00;
	v46 =	vmax.f32 v48, $0.0e+00  }
0xc8: {  	s30 =	simm.s32 $0x10;
	s22 =	sand.u32 $0x70, s31;
	[tilespmem:$0x1FF70] =	vst v3;
	v49 =	vmax.f32 v54, $0.0e+00;
	v41 =	vsub.f32 v13, v14;
	v42 =	vmax.f32 v15, $0.0e+00  }
0xc9: {  	s24 =	sor.u32 s22, s20;
	[tilespmem:$0x1FF80] =	vst v7;
	s19 =	sand.u32 $0x50, s30;
	v51 =	vmax.f32 v62, $0.0e+00;
	v47 =	vmax.f32 v25, $0.0e+00;
	v42 =	vmul.f32 v43, v42  }
0xca: {  	s22 =	sor.u32 s22, s21;
	[tilespmem:$0x1FFB0] =	vst v11;
	s25 =	sor.u32 s19, s20;
	s23 =	sor.u32 s19, s21;
	v48 =	vmax.f32 v61, $0.0e+00;
	v41 =	vadd.f32 $1.000000000e+00, v41;
	v43 =	vmul.f32 v57, v44  }
0xcb: {  	s20 =	simm.s32 $0x0;
	s21 =	simm.s32 $0x960;
	s19 =	smov.u32 s13;
	[tilespmem:$0x1FFF0] =	vst v63;
	v44 =	vmul.f32 v59, v58;
	v54 =	vsub.f32 v23, v42;
	v23 =	vimm.f32 $0.0e+00  }
.LBB2_5:
0xcc: {  	v55 =	vld [tilespmem:s21+$0x0]  }
0xcd: {  	v7 =	vld [tilespmem:s21+$0xFFFFFFE0]  }
0xce: {  	v10 =	vld [tilespmem:$0x1FF70]  }
0xcf: {  	v14 =	vld [tilespmem:$0x1FF80]  }
0xd0: {  	v18 =	vld [tilespmem:$0x1FFB0]  }
0xd1: {  	v20 =	vld [tilespmem:$0x1FFC0]  }
0xd2: {  	v9 =	vld [tilespmem:$0x1FED0]  }
0xd3: {  	v8 =	vld [tilespmem:$0x1FEE0]  }
0xd4: {  	v11 =	vld [tilespmem:$0x1FF00]  }
0xd5: {  	v52 =	vmul.f32 v53, v52;
	v13 =	vld [tilespmem:$0x1FF10]  }
0xd6: {  	v45 =	vmul.f32 v50, v45;
	v46 =	vmul.f32 v49, v46;
	v12 =	vld [tilespmem:$0x1FF20]  }
0xd7: {  	v48 =	vmul.f32 v51, v48;
	v15 =	vld [tilespmem:$0x1FF40];
	v27 =	vmax.f32 v27, v33;
	v35 =	vsub.f32 v35, v43  }
0xd8: {  	v17 =	vld [tilespmem:$0x1FF50];
	v41 =	vmax.f32 v41, $0.0e+00;
	v36 =	vsub.f32 v36, v44;
	(erf) = vrcp.f32 v54  }
0xd9: {  	s17 =	sadd.s32 $0x40, s17;
	v16 =	vld [tilespmem:$0x1FF60];
	v40 =	vsub.f32 v40, v52;
	v47 =	vmul.f32 v41, v47;
	(erf) = vrcp.f32 v35  }
0xda: {  	v49 =	vld [tilespmem:s17+$0xFFFFFC30];
	v34 =	vsub.f32 v34, v45;
	v19 =	vsub.f32 v39, v46;
	(erf) = vrcp.f32 v36  }
0xdb: {  	v51 =	vld [tilespmem:s17+$0xFFFFFD70];
	v56 =	vsub.f32 v38, v48;
	v57 =	vsub.f32 v37, v47;
	(erf) = vrcp.f32 v40  }
0xdc: {  	v53 =	vld [tilespmem:s17+$0xFFFFFFF0];
	v23 =	vmax.f32 v23, v31;
	v22 =	vmax.f32 v22, v32;
	(erf) = vrcp.f32 v34  }
0xdd: {  	v25 =	vld [tilespmem:$0x1FFD0];
	v39 =	vadd.f32 v55, v10;
	v40 =	vadd.f32 v55, v14;
	(erf) = vrcp.f32 v19  }
0xde: {  	v54 =	vld [tilespmem:s17+$0xFFFFFD50];
	v41 =	vadd.f32 v55, v18;
	v37 =	vadd.f32 v55, v20;
	(erf) = vrcp.f32 v56  }
0xdf: {  	v21 =	vld [tilespmem:$0x1FFE0];
	v38 =	vadd.f32 v7, v10;
	v35 =	vadd.f32 v7, v14;
	(erf) = vrcp.f32 v57  }
0xe0: {  	v55 =	vld [tilespmem:s17+$0xFFFFFFD0];
	v36 =	vadd.f32 v7, v18;
	v34 =	vadd.f32 v7, v20;
	v59 =	vmax.f32 v49, v11  }
0xe1: {  	v7 =	vld [tilespmem:$0x1FEC0];
	v60 =	vmin.f32 v53, v13;
	v0 =	vmin.f32 v53, v17;
	v1 =	vmax.f32 v51, v16;
	v58 =	vpop (erf)  }
0xe2: {  	v61 =	vmax.f32 v51, v12;
	v63 =	vmax.f32 v49, v15;
	v0 =	vsub.f32 v0, v1;
	v62 =	vpop (erf)  }
0xe3: {  	v5 =	vmax.f32 v54, v8;
	v56 =	vmin.f32 v53, v9;
	v53 =	vmin.f32 v53, v25;
	v2 =	vpop (erf)  }
0xe4: {  	v57 =	vmax.f32 v51, v8;
	v51 =	vmax.f32 v51, v21;
	v0 =	vadd.f32 $1.000000000e+00, v0;
	v3 =	vpop (erf)  }
0xe5: {  	v4 =	vmin.f32 v55, v9;
	v43 =	vmul.f32 v62, v43;
	v62 =	vld [tilespmem:$0x1FFF0];
	v3 =	vmul.f32 v3, v52;
	v52 =	vpop (erf)  }
0xe6: {  	v6 =	vmin.f32 v55, v13;
	v50 =	vmax.f32 v49, v7;
	v33 =	vmul.f32 v58, v42;
	v58 =	vpop (erf)  }
0xe7: {  	v2 =	vmul.f32 v2, v44;
	[tilespmem:s25+$0x0] =	vst v3;
	v3 =	vmax.f32 v27, v3;
	v27 =	vpop (erf);
	v42 =	vmul.f32 v58, v46  }
0xe8: {  	[tilespmem:s24+$0x0] =	vst v33;
	v3 =	vmax.f32 v3, v29;
	v29 =	vmul.f32 v52, v45;
	v52 =	vpop (erf);
	v58 =	vmul.f32 v27, v48  }
0xe9: {  	s18 =	sadd.s32 $0x40, s18;
	v46 =	vsub.f32 v53, v51;
	v45 =	vmin.f32 v55, v25;
	v44 =	vmul.f32 v52, v47;
	[tilespmem:s19+$0xFFFFFD60] =	vst v42  }
0xea: {  	s24 =	sand.u32 $0x180, s18;
	v27 =	vmax.f32 v3, v33;
	v3 =	vmax.f32 v62, v30;
	v47 =	vmax.f32 v54, v21;
	[tilespmem:s23+$0x0] =	vst v58  }
0xeb: {  	s26 =	sand.u32 $0x40, s18;
	v19 =	vld [tilespmem:$0x1FFA0];
	s29 =	sadd.s32 $0x280, s24;
	s25 =	sadd.s32 $0x10, s18;
	v3 =	vmax.f32 v3, v42;
	v23 =	vmax.f32 v23, v58;
	v42 =	vmax.f32 v54, v12;
	[tilespmem:s19+$0xFFFFFFE0] =	vst v44  }
0xec: {  	s23 =	sand.u32 $0x50, s25;
	s25 =	sor.u32 s26, s29;
	v3 =	vmax.f32 v3, v24;
	v23 =	vmax.f32 v23, v26;
	v26 =	vsub.f32 v56, v57;
	v24 =	vld [tilespmem:s17+$0xFFFFFC10]  }
0xed: {  	s28 =	sadd.s32 $0x20, s18;
	[tilespmem:s19+$0xFFFFFD80] =	vst v43;
	v22 =	vmax.f32 v22, v44;
	v44 =	vsub.f32 v4, v5;
	v4 =	vsub.f32 v45, v47;
	v30 =	vld [tilespmem:s25+$0x0]  }
0xee: {  	[tilespmem:s22+$0x0] =	vst v2;
	s22 =	sand.u32 $0x60, s28;
	v5 =	vadd.f32 $1.000000000e+00, v46;
	v3 =	vmax.f32 v3, v43;
	v43 =	vmin.f32 v55, v17;
	v55 =	vld [tilespmem:$0x1FEB0]  }
0xef: {  	s28 =	sor.u32 s22, s29;
	[tilespmem:s19+$0x0] =	vst v29;
	v22 =	vmax.f32 v22, v28;
	v2 =	vmax.f32 v23, v2;
	v28 =	vmax.f32 v54, v16;
	v23 =	vld [tilespmem:$0x1FF90]  }
0xf0: {  	[tilespmem:$0x1FFF0] =	vst v3;
	v33 =	vmax.f32 v22, v29;
	v29 =	vsub.f32 v60, v61;
	v3 =	vsub.f32 v43, v28;
	v28 =	vld [tilespmem:s28+$0x0]  }
0xf1: {  	v0 =	vmax.f32 v0, $0.0e+00;
	[tilespmem:$0x1FE90] =	vst v2;
	v2 =	vsub.f32 v6, v42;
	v48 =	vadd.f32 $1.000000000e+00, v26;
	v60 =	vld [tilespmem:$0x1FEF0]  }
0xf2: {  	v49 =	vmax.f32 v49, v19;
	v1 =	vadd.f32 $1.000000000e+00, v44;
	v4 =	vadd.f32 $1.000000000e+00, v4;
	v22 =	vld [tilespmem:$0x1FF30]  }
0xf3: {  	v5 =	vmax.f32 v5, $0.0e+00;
	v29 =	vadd.f32 $1.000000000e+00, v29;
	v2 =	vadd.f32 $1.000000000e+00, v2  }
0xf4: {  	v3 =	vadd.f32 $1.000000000e+00, v3;
	v6 =	vmax.f32 v48, $0.0e+00;
	v1 =	vmax.f32 v1, $0.0e+00  }
0xf5: {  	v31 =	vmax.f32 v24, v7;
	v26 =	vmax.f32 v24, v11;
	v51 =	vmax.f32 v24, v15  }
0xf6: {  	v24 =	vmax.f32 v24, v19;
	v57 =	vmin.f32 v30, v55;
	v54 =	vmin.f32 v28, v55  }
0xf7: {  	v56 =	vmin.f32 v28, v60;
	v58 =	vmin.f32 v28, v22;
	v28 =	vmin.f32 v28, v23  }
0xf8: {  	[tilespmem:$0x1FE80] =	vst v33;
	v61 =	vmin.f32 v30, v60;
	v31 =	vsub.f32 v57, v31;
	v33 =	vsub.f32 v54, v50  }
0xf9: {  	v62 =	vmin.f32 v30, v22;
	v42 =	vsub.f32 v56, v59;
	v44 =	vsub.f32 v58, v63  }
0xfa: {  	v30 =	vmin.f32 v30, v23;
	v28 =	vsub.f32 v28, v49;
	v26 =	vsub.f32 v61, v26  }
0xfb: {  	v29 =	vmax.f32 v29, $0.0e+00;
	v32 =	vsub.f32 v62, v51;
	v24 =	vsub.f32 v30, v24  }
0xfc: {  	v2 =	vmax.f32 v2, $0.0e+00;
	v31 =	vadd.f32 $1.000000000e+00, v31;
	v30 =	vadd.f32 $1.000000000e+00, v33  }
0xfd: {  	v3 =	vmax.f32 v3, $0.0e+00;
	v46 =	vadd.f32 $1.000000000e+00, v42;
	v47 =	vadd.f32 $1.000000000e+00, v44  }
0xfe: {  	v28 =	vadd.f32 $1.000000000e+00, v28;
	v26 =	vadd.f32 $1.000000000e+00, v26;
	v30 =	vmax.f32 v30, $0.0e+00  }
0xff: {  	v32 =	vadd.f32 $1.000000000e+00, v32;
	v33 =	vmax.f32 v46, $0.0e+00;
	v6 =	vmul.f32 v6, v30  }
0x100: {  	v24 =	vadd.f32 $1.000000000e+00, v24;
	v30 =	vmax.f32 v47, $0.0e+00;
	v33 =	vmul.f32 v29, v33  }
0x101: {  	v28 =	vmax.f32 v28, $0.0e+00;
	v0 =	vmul.f32 v0, v30;
	v48 =	vsub.f32 v39, v6  }
0x102: {  	v31 =	vmax.f32 v31, $0.0e+00;
	v5 =	vmul.f32 v5, v28;
	v30 =	vsub.f32 v40, v33  }
0x103: {  	v26 =	vmax.f32 v26, $0.0e+00;
	v28 =	vsub.f32 v41, v0;
	(erf) = vrcp.f32 v48  }
0x104: {  	v2 =	vmul.f32 v2, v26;
	v26 =	vsub.f32 v37, v5;
	(erf) = vrcp.f32 v30  }
0x105: {  	v1 =	vmul.f32 v1, v31;
	v29 =	vmax.f32 v32, $0.0e+00;
	(erf) = vrcp.f32 v28  }
0x106: {  	v3 =	vmul.f32 v3, v29;
	(erf) = vrcp.f32 v26  }
0x107: {  	v4 =	vmax.f32 v4, $0.0e+00;
	v24 =	vmax.f32 v24, $0.0e+00  }
0x108: {  	v4 =	vmul.f32 v4, v24;
	v24 =	vsub.f32 v36, v3;
	v30 =	vsub.f32 v38, v1  }
0x109: {  	v28 =	vsub.f32 v35, v2  }
0x10a: {  	(erf) = vrcp.f32 v30  }
0x10b: {  	s31 =	sadd.s32 s18, s14;
	(erf) = vrcp.f32 v28  }
0x10c: {  	s29 =	sand.u32 $0xFF80, s31;
	v26 =	vsub.f32 v34, v4;
	(erf) = vrcp.f32 v24;
	v24 =	vpop (erf)  }
0x10d: {  	s30 =	sadd.s32 $0x30, s18;
	s24 =	sadd.s32 $0x280, s31;
	s29 =	sadd.s32 $0xA80, s29;
	v29 =	vmul.f32 v24, v6;
	v49 =	vpop (erf)  }
0x10e: {  	s24 =	sand.u32 $0x7FFFFF80, s24;
	s28 =	sand.u32 $0x70, s30;
	s30 =	sor.u32 s22, s29;
	(erf) = vrcp.f32 v26;
	v24 =	vmul.f32 v49, v33;
	v50 =	vpop (erf)  }
0x10f: {  	s31 =	sadd.s32 $0xA80, s24;
	s19 =	sadd.s32 $0x40, s19;
	[tilespmem:s30+$0x0] =	vst v29;
	v26 =	vmul.f32 v50, v0;
	v51 =	vpop (erf)  }
0x110: {  	s30 =	sor.u32 s22, s31;
	[tilespmem:s19+$0xFFFFFD70] =	vst v24;
	v28 =	vmul.f32 v51, v5  }
0x111: {  	[tilespmem:s30+$0x0] =	vst v26  }
0x112: {  	[tilespmem:s19+$0xFFFFFFF0] =	vst v28  }
0x113: {  	v57 =	vld [tilespmem:s21+$0x10]  }
0x114: {  	v52 =	vpop (erf);
	v59 =	vld [tilespmem:s17+$0xFFFFFC40]  }
0x115: {  	v33 =	vmul.f32 v52, v1;
	v53 =	vpop (erf);
	v62 =	vld [tilespmem:s17+$0xFFFFFEC0]  }
0x116: {  	s30 =	sor.u32 s26, s29;
	v30 =	vmul.f32 v53, v2;
	v54 =	vpop (erf);
	v63 =	vld [tilespmem:s17+$0x0]  }
0x117: {  	[tilespmem:s30+$0x0] =	vst v33;
	v31 =	vmul.f32 v54, v3;
	v56 =	vpop (erf)  }
0x118: {  	s26 =	sor.u32 s26, s31;
	v61 =	vld [tilespmem:s17+$0xFFFFFD80];
	[tilespmem:s19+$0xFFFFFD50] =	vst v30;
	v32 =	vmul.f32 v56, v4  }
0x119: {  	[tilespmem:s26+$0x0] =	vst v31;
	v6 =	vadd.f32 v57, v10;
	v35 =	vadd.f32 v57, v14  }
0x11a: {  	[tilespmem:s19+$0xFFFFFFD0] =	vst v32;
	v36 =	vadd.f32 v57, v18;
	v34 =	vadd.f32 v57, v20  }
0x11b: {  	v58 =	vld [tilespmem:s21+$0xFFFFFFF0];
	v1 =	vmin.f32 v62, v55;
	v43 =	vmax.f32 v59, v7;
	v44 =	vmin.f32 v63, v9  }
0x11c: {  	v0 =	vld [tilespmem:s17+$0xFFFFFC20];
	v47 =	vmin.f32 v62, v60;
	v4 =	vmin.f32 v62, v23;
	v2 =	vmax.f32 v59, v19  }
0x11d: {  	v41 =	vld [tilespmem:s17+$0xFFFFFEA0];
	v5 =	vmin.f32 v63, v25;
	v3 =	vmax.f32 v61, v21;
	v1 =	vsub.f32 v1, v43  }
0x11e: {  	v42 =	vld [tilespmem:s17+$0xFFFFFFE0];
	v48 =	vmax.f32 v59, v11;
	v2 =	vsub.f32 v4, v2;
	v3 =	vsub.f32 v5, v3  }
0x11f: {  	v46 =	vld [tilespmem:s17+$0xFFFFFD60];
	v49 =	vmin.f32 v63, v13;
	v50 =	vmax.f32 v61, v12;
	v1 =	vadd.f32 $1.000000000e+00, v1  }
0x120: {  	v51 =	vmin.f32 v62, v22;
	v2 =	vadd.f32 $1.000000000e+00, v2;
	v3 =	vadd.f32 $1.000000000e+00, v3  }
0x121: {  	v52 =	vmax.f32 v59, v15;
	v40 =	vadd.f32 v58, v10;
	v39 =	vadd.f32 v58, v14  }
0x122: {  	v53 =	vmin.f32 v63, v17;
	v38 =	vadd.f32 v58, v18;
	v37 =	vadd.f32 v58, v20  }
0x123: {  	v14 =	vmax.f32 v61, v8;
	v18 =	vmax.f32 v61, v16;
	v55 =	vmin.f32 v41, v55  }
0x124: {  	v56 =	vmax.f32 v0, v7;
	v57 =	vmin.f32 v42, v9;
	v10 =	vmax.f32 v46, v8  }
0x125: {  	v59 =	vmin.f32 v41, v60;
	v11 =	vmax.f32 v0, v11;
	v61 =	vmin.f32 v42, v13  }
0x126: {  	v12 =	vmax.f32 v46, v12;
	v63 =	vmin.f32 v41, v22;
	v13 =	vmax.f32 v0, v15  }
0x127: {  	v15 =	vsub.f32 v47, v48;
	v47 =	vsub.f32 v49, v50;
	v16 =	vmax.f32 v46, v16  }
0x128: {  	v43 =	vsub.f32 v44, v14;
	v14 =	vmin.f32 v42, v17;
	v17 =	vsub.f32 v51, v52  }
0x129: {  	v41 =	vmin.f32 v41, v23;
	v18 =	vsub.f32 v53, v18;
	v9 =	vsub.f32 v55, v56  }
0x12a: {  	v0 =	vmax.f32 v0, v19;
	v10 =	vsub.f32 v57, v10;
	v11 =	vsub.f32 v59, v11  }
0x12b: {  	v46 =	vmax.f32 v46, v21;
	v12 =	vsub.f32 v61, v12;
	v7 =	vsub.f32 v63, v13  }
0x12c: {  	v42 =	vmin.f32 v42, v25;
	v0 =	vsub.f32 v41, v0;
	v44 =	vsub.f32 v14, v16  }
0x12d: {  	v13 =	vsub.f32 v42, v46;
	v15 =	vadd.f32 $1.000000000e+00, v15  }
0x12e: {  	v16 =	vadd.f32 $1.000000000e+00, v47;
	v14 =	vadd.f32 $1.000000000e+00, v43  }
0x12f: {  	v17 =	vadd.f32 $1.000000000e+00, v17;
	v18 =	vadd.f32 $1.000000000e+00, v18  }
0x130: {  	v1 =	vmax.f32 v1, $0.0e+00;
	v4 =	vadd.f32 $1.000000000e+00, v9;
	v5 =	vadd.f32 $1.000000000e+00, v10  }
0x131: {  	v45 =	vmax.f32 v2, $0.0e+00;
	v19 =	vadd.f32 $1.000000000e+00, v11;
	v60 =	vadd.f32 $1.000000000e+00, v12  }
0x132: {  	s20 =	sadd.s32 $0x2, s20;
	v50 =	vmax.f32 v3, $0.0e+00;
	v7 =	vadd.f32 $1.000000000e+00, v7;
	v0 =	vadd.f32 $1.000000000e+00, v0  }
0x133: {  	p0 =	slt.u32 s20, $0x8;
	v44 =	vadd.f32 $1.000000000e+00, v44;
	v41 =	vadd.f32 $1.000000000e+00, v13;
	v43 =	vmax.f32 v15, $0.0e+00  }
.Ltmp1:
0x134: {  	v61 =	vmax.f32 v16, $0.0e+00;
	v42 =	vmax.f32 v14, $0.0e+00;
	v62 =	vmax.f32 v17, $0.0e+00;
	(pc) =	sbr.rel @p0 .LBB2_5-.Ltmp1, $4  }
0x135: {  	v63 =	vmax.f32 v18, $0.0e+00;
	v52 =	vmax.f32 v4, $0.0e+00;
	v53 =	vmax.f32 v5, $0.0e+00  }
0x136: {  	v46 =	vmax.f32 v19, $0.0e+00;
	v49 =	vmax.f32 v60, $0.0e+00;
	v42 =	vmul.f32 v42, v1  }
0x137: {  	s25 =	sor.u32 s23, s29;
	s23 =	sor.u32 s23, s31;
	v22 =	vld [tilespmem:$0x1FE80];
	v48 =	vmax.f32 v7, $0.0e+00;
	v43 =	vmul.f32 v61, v43;
	v47 =	vmax.f32 v0, $0.0e+00  }
0x138: {  	s24 =	sor.u32 s28, s29;
	s22 =	sor.u32 s28, s31;
	s21 =	sadd.s32 $0x40, s21;
	v23 =	vld [tilespmem:$0x1FE90];
	v51 =	vmax.f32 v44, $0.0e+00;
	v44 =	vmul.f32 v63, v62;
	v54 =	vsub.f32 v6, v42  }
0x139: {  	v0 =	vmul.f32 v53, v52;
	v1 =	vmax.f32 v41, $0.0e+00;
	v2 =	vsub.f32 v35, v43  }
0x13a: {  	v4 =	vmul.f32 v50, v45;
	v3 =	vsub.f32 v36, v44;
	(erf) = vrcp.f32 v54  }
0x13b: {  	v6 =	vmul.f32 v49, v46;
	v5 =	vsub.f32 v40, v0;
	(erf) = vrcp.f32 v2  }
0x13c: {  	v2 =	vmul.f32 v51, v48;
	v7 =	vsub.f32 v34, v4;
	(erf) = vrcp.f32 v3  }
0x13d: {  	v1 =	vmul.f32 v1, v47;
	v3 =	vsub.f32 v39, v6;
	(erf) = vrcp.f32 v5  }
0x13e: {  	v49 =	vsub.f32 v38, v2;
	(erf) = vrcp.f32 v7  }
0x13f: {  	v50 =	vsub.f32 v37, v1;
	(erf) = vrcp.f32 v3  }
0x140: {  	(erf) = vrcp.f32 v49  }
0x141: {  	(erf) = vrcp.f32 v50;
	_ =	sdelay $0x1  }
0x142: {  	v3 =	vpop (erf)  }
0x143: {  	v12 =	vld [tilespmem:$0x1FFF0];
	v51 =	vpop (erf)  }
0x144: {  	v52 =	vpop (erf)  }
0x145: {  	v8 =	vpop (erf)  }
0x146: {  	v9 =	vmax.f32 v27, v33;
	v57 =	vmax.f32 v22, v32;
	v3 =	vmul.f32 v3, v42;
	v53 =	vpop (erf)  }
0x147: {  	v56 =	vmax.f32 v23, v31;
	v5 =	vmul.f32 v51, v43;
	v0 =	vmul.f32 v8, v0;
	v10 =	vpop (erf)  }
0x148: {  	v12 =	vmax.f32 v12, v30;
	v7 =	vmul.f32 v52, v44;
	v11 =	vpop (erf);
	v6 =	vmul.f32 v10, v6  }
0x149: {  	v4 =	vmul.f32 v53, v4;
	v9 =	vmax.f32 v9, v0;
	v54 =	vpop (erf);
	v2 =	vmul.f32 v11, v2  }
0x14a: {  	v9 =	vmax.f32 v9, v29;
	v1 =	vmul.f32 v54, v1;
	v55 =	vmax.f32 v12, v6  }
0x14b: {  	[tilespmem:s24+$0x0] =	vst v3;
	v9 =	vmax.f32 v9, v3;
	v10 =	vmax.f32 v55, v24;
	v11 =	vmax.f32 v56, v2  }
0x14c: {  	(xrf0) =	vmax.scan.msk.f32 $0xffff, v9;
	v10 =	vmax.f32 v10, v5;
	v58 =	vmax.f32 v57, v1;
	v59 =	vmax.f32 v11, v26  }
0x14d: {  	[tilespmem:s19+$0xFFFFFD80] =	vst v5;
	(xrf0) =	vmax.scan.msk.f32 $0xffff, v10;
	v8 =	vmax.f32 v58, v28;
	v9 =	vmax.f32 v59, v7  }
0x14e: {  	[tilespmem:s25+$0x0] =	vst v0;
	v8 =	vmax.f32 v8, v4;
	(xrf0) =	vmax.scan.msk.f32 $0xffff, v9  }
0x14f: {  	[tilespmem:s19+$0xFFFFFD60] =	vst v6;
	(xrf0) =	vmax.scan.msk.f32 $0xffff, v8  }
0x150: {  	v6 =	vld [tilespmem:$0x1FEA0];
	_ =	sdelay $0x1  }
0x151: {  	s17 =	sor.u32 $0x1, s16;
	v61 =	vlaneseq.u32;
	s15 =	sadd.s32 $0x1, s15;
	v3 =	vmov s16;
	v60, _, _ =	vpop (xrf0)  }
0x152: {  	s30 =	sor.u32 $0x2, s16;
	p0 =	sne.s32 s15, $0x4;
	vm0 =	veq.s32 v3, v61;
	v3 =	vmov s17;
	v8 =	vbroadcast v60, $0xF;
	v0, _, _ =	vpop (xrf0)  }
.Ltmp2:
0x153: {  	[tilespmem:s23+$0x0] =	vst v2;
	v2 =	vmov s30;
	vm13 =	veq.s32 v3, v61;
	v0 =	vbroadcast v0, $0xF;
	v62, _, _ =	vpop (xrf0);
	(pc) =	sbr.rel @p0 .LBB2_4-.Ltmp2, $4  }
0x154: {  	s31 =	sor.u32 $0x3, s16;
	vm14 =	veq.s32 v2, v61;
	v6 =	vsel vm0, v8, v6;
	v3 =	vbroadcast v62, $0xF;
	v63, _, _ =	vpop (xrf0)  }
0x155: {  	[tilespmem:s19+$0xFFFFFFE0] =	vst v1;
	v1 =	vmov s31;
	v0 =	vsel vm13, v0, v6;
	v2 =	vbroadcast v63, $0xF  }
0x156: {  	[tilespmem:s22+$0x0] =	vst v7;
	vm15 =	veq.s32 v1, v61;
	v0 =	vsel vm14, v3, v0  }
0x157: {  	s14 =	sadd.s32 $0x500, s14;
	s13 =	sadd.s32 $0x500, s13;
	[tilespmem:s19+$0x0] =	vst v4;
	v0 =	vsel vm15, v2, v0  }
0x158: {  	s11 =	sadd.s32 $0x1, s11  }
0x159: {  	p0 =	sne.s32 s11, $0x4  }
.Ltmp3:
0x15a: {  	_ = 	snop;
	(pc) =	sbr.rel @p0 .LBB2_3-.Ltmp3, $3  }
0x15b: {  	_ =	sdelay $0x1  }
0x15c: {  	s12 =	sand.u32 $0x3FFFFFF0, s12  }
0x15d: {  	s7 =	sadd.s32 $0x1400, s7;
	s8 =	sadd.s32 $0x1400, s8;
	[tilespmem:s12+$0x5C00] =	vst v0  }
0x15e: {  	s7 =	sshll.u32 s2, $0x6  }
0x15f: {  	s31 =	simm.s32 $0x1;
	s8 =	sadd.s32 s7, s6;
	s7 =	simm.s32 $0x5C00  }
0x160: {  	[spmem:s8] =	stream.linear.scatter [tilespmem:s7], [sflag:$0x1], $0x40, $0x38;
	[tilespmem:$0x65E0] =	vst v63  }
0x161: {  	_ =	swait.ge [sflag:s31], $0x40  }
0x162: {  	[sflag:s31] =	ssyncset.done $0x0  }
0x163: {  	[sflag:s31] =	ssyncadd.s32 $0xFFFFFFC0  }
0x164: {  	s9 =	simm.s32 $0x5F80;
	[bflag:$0x0] =	sbarrier.arrive $0xFFFF  }
0x165: {  	[tilespmem:s9], [sflag:$0x1] =	stream.linear.gather [spmem:s6], $0x400, $0x38;
	[tilespmem:$0x65E0] =	vst v63  }
0x166: {  	_ =	swait.ge [sflag:s31], $0x400  }
0x167: {  	[sflag:s31] =	ssyncset.done $0x0  }
0x168: {  	[sflag:s31] =	ssyncadd.s32 $0xFFFFFC00  }
0x169: {  	v0 =	vld [tilespmem:$0x5F80]  }
0x16a: {  	v1 =	vld [tilespmem:$0x5FC0]  }
0x16b: {  	v2 =	vld [tilespmem:$0x6000]  }
0x16c: {  	v3 =	vld [tilespmem:$0x6040]  }
0x16d: {  	v4 =	vld [tilespmem:$0x6080]  }
0x16e: {  	v5 =	vld [tilespmem:$0x60C0]  }
0x16f: {  	v6 =	vld [tilespmem:$0x6100]  }
0x170: {  	v7 =	vld [tilespmem:$0x6140]  }
0x171: {  	v8 =	vld [tilespmem:$0x6180]  }
0x172: {  	v9 =	vld [tilespmem:$0x61C0]  }
0x173: {  	v10 =	vld [tilespmem:$0x6200]  }
0x174: {  	v11 =	vld [tilespmem:$0x6240]  }
0x175: {  	v12 =	vld [tilespmem:$0x6280]  }
0x176: {  	v13 =	vld [tilespmem:$0x62C0]  }
0x177: {  	v14 =	vld [tilespmem:$0x6300]  }
0x178: {  	v15 =	vld [tilespmem:$0x6340]  }
0x179: {  	v16 =	vld [tilespmem:$0x5F90]  }
0x17a: {  	v17 =	vld [tilespmem:$0x5FD0]  }
0x17b: {  	v18 =	vld [tilespmem:$0x6010]  }
0x17c: {  	v19 =	vld [tilespmem:$0x6050]  }
0x17d: {  	v20 =	vld [tilespmem:$0x6090]  }
0x17e: {  	v21 =	vld [tilespmem:$0x60D0]  }
0x17f: {  	v22 =	vld [tilespmem:$0x6110]  }
0x180: {  	v23 =	vld [tilespmem:$0x6150]  }
0x181: {  	v24 =	vld [tilespmem:$0x6190]  }
0x182: {  	v25 =	vld [tilespmem:$0x61D0]  }
0x183: {  	v26 =	vld [tilespmem:$0x6210]  }
0x184: {  	v27 =	vld [tilespmem:$0x6250]  }
0x185: {  	v28 =	vld [tilespmem:$0x6290]  }
0x186: {  	v29 =	vld [tilespmem:$0x62D0]  }
0x187: {  	v30 =	vld [tilespmem:$0x6310]  }
0x188: {  	v31 =	vld [tilespmem:$0x6350]  }
0x189: {  	v32 =	vld [tilespmem:$0x5FA0]  }
0x18a: {  	v33 =	vld [tilespmem:$0x5FE0]  }
0x18b: {  	v34 =	vld [tilespmem:$0x6020]  }
0x18c: {  	v35 =	vld [tilespmem:$0x6060]  }
0x18d: {  	v36 =	vld [tilespmem:$0x60A0]  }
0x18e: {  	v37 =	vld [tilespmem:$0x60E0]  }
0x18f: {  	v38 =	vld [tilespmem:$0x6120]  }
0x190: {  	v44 =	vld [tilespmem:$0x62A0]  }
0x191: {  	v45 =	vld [tilespmem:$0x62E0];
	v0 =	vmax.f32 v0, v1  }
0x192: {  	v46 =	vld [tilespmem:$0x6320];
	v0 =	vmax.f32 v0, v2  }
0x193: {  	v47 =	vld [tilespmem:$0x6360];
	v0 =	vmax.f32 v0, v3  }
0x194: {  	v48 =	vld [tilespmem:$0x5FB0];
	v0 =	vmax.f32 v0, v4  }
0x195: {  	v49 =	vld [tilespmem:$0x5FF0];
	v0 =	vmax.f32 v0, v5  }
0x196: {  	v51 =	vld [tilespmem:$0x6030];
	v0 =	vmax.f32 v0, v6  }
0x197: {  	v52 =	vld [tilespmem:$0x6070];
	v0 =	vmax.f32 v0, v7  }
0x198: {  	v54 =	vld [tilespmem:$0x60B0];
	v0 =	vmax.f32 v0, v8  }
0x199: {  	v55 =	vld [tilespmem:$0x60F0];
	v0 =	vmax.f32 v0, v9  }
0x19a: {  	v56 =	vld [tilespmem:$0x6130];
	v0 =	vmax.f32 v0, v10  }
0x19b: {  	v57 =	vld [tilespmem:$0x6170];
	v50 =	vmax.f32 v16, v17;
	v0 =	vmax.f32 v0, v11  }
0x19c: {  	v58 =	vld [tilespmem:$0x61B0];
	v53 =	vmax.f32 v32, v33;
	v10 =	vmax.f32 v48, v49;
	v0 =	vmax.f32 v0, v12  }
0x19d: {  	v59 =	vld [tilespmem:$0x61F0];
	v10 =	vmax.f32 v10, v51;
	v12 =	vmax.f32 v50, v18;
	v0 =	vmax.f32 v0, v13  }
0x19e: {  	v1 =	vld [tilespmem:$0x6160];
	v10 =	vmax.f32 v10, v52;
	v0 =	vmax.f32 v0, v14;
	v14 =	vmax.f32 v53, v34  }
0x19f: {  	v2 =	vld [tilespmem:$0x61A0];
	v12 =	vmax.f32 v12, v19;
	v10 =	vmax.f32 v10, v54;
	v14 =	vmax.f32 v14, v35  }
0x1a0: {  	v3 =	vld [tilespmem:$0x61E0];
	v12 =	vmax.f32 v12, v20;
	v10 =	vmax.f32 v10, v55;
	v14 =	vmax.f32 v14, v36  }
0x1a1: {  	v4 =	vld [tilespmem:$0x6220];
	v0 =	vmax.f32 v0, v15;
	v12 =	vmax.f32 v12, v21;
	v14 =	vmax.f32 v14, v37  }
0x1a2: {  	v5 =	vld [tilespmem:$0x6260];
	v12 =	vmax.f32 v12, v22;
	vm0 =	veq.f32 v0, $0.0e+00;
	v14 =	vmax.f32 v14, v38  }
0x1a3: {  	v60 =	vld [tilespmem:$0x6230];
	v12 =	vmax.f32 v12, v23;
	v0 =	vsel vm0, $0x3727C5AC, v0;
	v1 =	vmax.f32 v14, v1  }
0x1a4: {  	v61 =	vld [tilespmem:$0x6270];
	v12 =	vmax.f32 v12, v24;
	v1 =	vmax.f32 v1, v2;
	v2 =	vmax.f32 v10, v56  }
0x1a5: {  	v12 =	vmax.f32 v12, v25;
	v1 =	vmax.f32 v1, v3;
	v2 =	vmax.f32 v2, v57;
	v3 =	vld [tilespmem:$0x62B0]  }
0x1a6: {  	v12 =	vmax.f32 v12, v26;
	v1 =	vmax.f32 v1, v4;
	v2 =	vmax.f32 v2, v58;
	v4 =	vld [tilespmem:$0x62F0]  }
0x1a7: {  	v62 =	vmax.f32 v12, v27;
	v1 =	vmax.f32 v1, v5;
	v2 =	vmax.f32 v2, v59;
	v5 =	vld [tilespmem:$0x6330]  }
0x1a8: {  	v63 =	vld [tilespmem:$0x6370];
	[tilespmem:$0x5C00] =	vst v0;
	v0 =	vlaneseq.u32;
	v11 =	vmax.f32 v62, v28;
	v2 =	vmax.f32 v2, v60  }
0x1a9: {  	v11 =	vmax.f32 v11, v29;
	v1 =	vmax.f32 v1, v44;
	v2 =	vmax.f32 v2, v61  }
0x1aa: {  	v11 =	vmax.f32 v11, v30;
	v1 =	vmax.f32 v1, v45;
	v2 =	vmax.f32 v2, v3  }
0x1ab: {  	v11 =	vmax.f32 v11, v31;
	v1 =	vmax.f32 v1, v46;
	v2 =	vmax.f32 v2, v4  }
0x1ac: {  	vm13 =	veq.f32 v11, $0.0e+00;
	v1 =	vmax.f32 v1, v47;
	v2 =	vmax.f32 v2, v5  }
0x1ad: {  	v3 =	vsel vm13, $0x3727C5AC, v11;
	vm14 =	veq.f32 v1, $0.0e+00;
	v2 =	vmax.f32 v2, v63  }
0x1ae: {  	[tilespmem:$0x5C10] =	vst v3;
	v3 =	vmul.u32 $0xFFFFFFFF, v0;
	v1 =	vsel vm14, $0x3727C5AC, v1;
	vm15 =	veq.f32 v2, $0.0e+00  }
0x1af: {  	v0 =	vimm.f32 $0.0e+00;
	[tilespmem:$0x5C20] =	vst v1;
	v1 =	vsel vm15, $0x3727C5AC, v2  }
0x1b0: {  	s6 =	simm.s32 $0x0;
	v2 =	vimm.f32 $0.0e+00;
	[tilespmem:$0x5C30] =	vst v1;
	v1 =	vadd.s32 $0x1388, v3;
	v3 =	vimm.f32 $0.0e+00  }
.LBB2_9:
0x1b1: {  	s9 =	sshll.u32 s6, $0x5  }
0x1b2: {  	s8 =	sand.u32 $0x180, s9  }
0x1b3: {  	s11 =	sand.u32 $0x60, s9;
	s10 =	sadd.s32 $0xA80, s8  }
0x1b4: {  	v8 =	vimm.s32 $0x0;
	v7 =	vimm.f32 $-1.000000000e+00;
	v9 =	vimm.f32 $-1.000000000e+00;
	s12 =	sadd.s32 $0xA80, s9;
	s8 =	sor.u32 s11, s10;
	s11 =	sor.u32 $0xA80, s11  }
0x1b5: {  	p0 =	por $0x1, $0x1;
	v5 =	vmov s12;
	v4 =	vmov s8;
	v6 =	vmov s11;
	s8 =	simm.s32 $0x0  }
.LBB2_10:
0x1b6: {  	s12 =	sshll.u32 s8, $0x3;
	s11 =	smul.u32 $0x2800, s8;
	s20 =	sshllo.u32 s8, $0x3  }
0x1b7: {  	s13 =	sor.u32 $0x1, s12;
	s29 =	smul.u32 $0x500, s20  }
0x1b8: {  	s15 =	sor.u32 $0x2, s12;
	s14 =	smul.u32 $0x500, s13  }
0x1b9: {  	s11 =	sshra.s32 s11, $0x2;
	s23 =	smul.u32 $0x140, s15  }
0x1ba: {  	v11 =	vmov s12;
	s16 =	sor.u32 $0x3, s12;
	v10 =	vld.idx.msk [tilespmem:v4+s11+$0x0 ss:$0x1], $0xffff;
	s30 =	sshra.s32 s29, $0x2  }
0x1bb: {  	v25 =	vmov s20;
	s24 =	smul.u32 $0x500, s16;
	s14 =	sshra.s32 s14, $0x2;
	s11 =	sadd.s32 s9, s23;
	v24 =	vld.idx.msk [tilespmem:v5+s30+$0x0 ss:$0x1], $0xffff  }
0x1bc: {  	v13 =	vmov s13;
	v12 =	vld.idx.msk [tilespmem:v5+s14+$0x0 ss:$0x1], $0xffff;
	s11 =	sand.u32 $0x3F80, s11  }
0x1bd: {  	s17 =	sor.u32 $0x4, s12;
	s14 =	sshra.s32 s24, $0x2;
	v14 =	vld.idx.msk [tilespmem:v6+s11+$0x0 ss:$0x1], $0xffff  }
0x1be: {  	s18 =	sor.u32 $0x5, s12;
	s25 =	smul.u32 $0x140, s17;
	v16 =	vld.idx.msk [tilespmem:v5+s14+$0x0 ss:$0x1], $0xffff  }
0x1bf: {  	v15 =	vmov s15;
	s26 =	smul.u32 $0x500, s18;
	v11 =	vld.idx.msk [tilespmem:v11+s7+$0x0], $0xffff  }
0x1c0: {  	s19 =	sor.u32 $0x6, s12;
	v39 =	vld.idx.msk [tilespmem:v25+s7+$0x0], $0xffff  }
0x1c1: {  	s28 =	smul.u32 $0x140, s19;
	v19 =	vmov s17;
	s11 =	sadd.s32 s9, s25;
	s14 =	sshra.s32 s26, $0x2;
	v13 =	vld.idx.msk [tilespmem:v13+s7+$0x0], $0xffff;
	vm0 =	vgt.f32 v10, v9  }
0x1c2: {  	s11 =	sand.u32 $0x3F80, s11;
	v20 =	vld.idx.msk [tilespmem:v5+s14+$0x0 ss:$0x1], $0xffff;
	v9 =	vsel vm0, v10, v9  }
0x1c3: {  	v18 =	vld.idx.msk [tilespmem:v6+s11+$0x0 ss:$0x1], $0xffff;
	s11 =	sadd.s32 s9, s28;
	vm1 =	vgt.f32 v12, v9  }
0x1c4: {  	v17 =	vmov s16;
	v21 =	vmov s18;
	v15 =	vld.idx.msk [tilespmem:v15+s7+$0x0], $0xffff;
	s11 =	sand.u32 $0x7F80, s11;
	v9 =	vsel vm1, v12, v9  }
0x1c5: {  	v23 =	vmov s19;
	v8 =	vsel vm0, s12, v8;
	v22 =	vld.idx.msk [tilespmem:v6+s11+$0x0 ss:$0x1], $0xffff;
	s11 =	sor.u32 $0x1, s8;
	vm2 =	vgt.f32 v14, v9  }
0x1c6: {  	v19 =	vld.idx.msk [tilespmem:v19+s7+$0x0], $0xffff;
	s21 =	sshll.u32 s11, $0x3;
	v8 =	vsel vm1, s13, v8;
	v10 =	vsub.f32 v10, v11;
	v9 =	vsel vm2, v14, v9  }
0x1c7: {  	v27 =	vmov s21;
	v12 =	vsub.f32 v12, v13;
	vm3 =	vgt.f32 v16, v9  }
0x1c8: {  	s22 =	sor.u32 $0x1, s21;
	v13 =	vsub.f32 v24, v39;
	v8 =	vsel vm2, s15, v8;
	v9 =	vsel vm3, v16, v9  }
0x1c9: {  	v17 =	vld.idx.msk [tilespmem:v17+s7+$0x0], $0xffff;
	s31 =	smul.u32 $0x2800, s11;
	s14 =	sor.u32 $0x2, s21;
	v11 =	vmov s22;
	v7 =	vmax.f32 v7, v10;
	vm5 =	vgt.f32 v18, v9  }
0x1ca: {  	v23 =	vld.idx.msk [tilespmem:v23+s7+$0x0], $0xffff;
	s25 =	sor.u32 $0x4, s21;
	s15 =	smul.u32 $0x500, s22;
	v10 =	vmov s14;
	v14 =	vsub.f32 v14, v15;
	v9 =	vsel vm5, v18, v9  }
0x1cb: {  	v21 =	vld.idx.msk [tilespmem:v21+s7+$0x0], $0xffff;
	s28 =	sor.u32 $0x5, s21;
	s13 =	sshra.s32 s31, $0x2;
	s26 =	smul.u32 $0x140, s25;
	v44 =	vmov s25;
	v46 =	vsub.f32 v18, v19;
	vm6 =	vgt.f32 v20, v9  }
0x1cc: {  	s31 =	sor.u32 $0x6, s21;
	v47 =	vmov s28;
	v26 =	vld.idx.msk [tilespmem:v4+s13+$0x0 ss:$0x1], $0xffff;
	v8 =	vsel vm3, s16, v8;
	s16 =	smul.u32 $0x140, s14;
	s13 =	sshra.s32 s15, $0x2;
	v9 =	vsel vm6, v20, v9  }
0x1cd: {  	v7 =	vmax.f32 v7, v12;
	v49 =	vmov s31;
	s15 =	sor.u32 $0x3, s21;
	v28 =	vld.idx.msk [tilespmem:v5+s13+$0x0 ss:$0x1], $0xffff;
	s13 =	sadd.s32 s9, s26;
	vm7 =	vgt.f32 v22, v9  }
0x1ce: {  	v16 =	vsub.f32 v16, v17;
	v7 =	vmax.f32 v7, v14;
	s24 =	smul.u32 $0x500, s15;
	s12 =	sadd.s32 s9, s16;
	v41 =	vld.idx.msk [tilespmem:v27+s7+$0x0], $0xffff;
	s29 =	sand.u32 $0x7FFFFF80, s13;
	v9 =	vsel vm7, v22, v9  }
0x1cf: {  	s30 =	smul.u32 $0x500, s28;
	v51 =	vsub.f32 v22, v23;
	v42 =	vmov s15;
	s23 =	sand.u32 $0x7FFFFF80, s12;
	v43 =	vld.idx.msk [tilespmem:v6+s29+$0x0 ss:$0x1], $0xffff;
	vm8 =	vgt.f32 v24, v9  }
0x1d0: {  	v8 =	vsel vm5, s17, v8;
	v7 =	vmax.f32 v7, v16;
	s16 =	sshra.s32 s24, $0x2;
	v29 =	vld.idx.msk [tilespmem:v6+s23+$0x0 ss:$0x1], $0xffff;
	v9 =	vsel vm8, v24, v9  }
0x1d1: {  	v8 =	vsel vm6, s18, v8;
	v40 =	vld.idx.msk [tilespmem:v5+s16+$0x0 ss:$0x1], $0xffff;
	s18 =	sshra.s32 s30, $0x2;
	v20 =	vsub.f32 v20, v21;
	vm9 =	vgt.f32 v26, v9  }
0x1d2: {  	v7 =	vmax.f32 v7, v46;
	v45 =	vld.idx.msk [tilespmem:v5+s18+$0x0 ss:$0x1], $0xffff;
	s18 =	sshllo.u32 s11, $0x3;
	v8 =	vsel vm7, s19, v8;
	v9 =	vsel vm9, v26, v9  }
0x1d3: {  	v11 =	vld.idx.msk [tilespmem:v11+s7+$0x0], $0xffff;
	v7 =	vmax.f32 v7, v20;
	v52 =	vmov s18;
	vm10 =	vgt.f32 v28, v9  }
0x1d4: {  	v10 =	vld.idx.msk [tilespmem:v10+s7+$0x0], $0xffff;
	s11 =	sor.u32 $0x2, s8;
	v7 =	vmax.f32 v7, v51;
	v8 =	vsel vm8, s20, v8;
	v9 =	vsel vm10, v28, v9  }
0x1d5: {  	v14 =	vld.idx.msk [tilespmem:v44+s7+$0x0], $0xffff;
	s19 =	sshllo.u32 s11, $0x3;
	v12 =	vsub.f32 v26, v41;
	v8 =	vsel vm9, s21, v8;
	vm11 =	vgt.f32 v29, v9  }
0x1d6: {  	v15 =	vld.idx.msk [tilespmem:v42+s7+$0x0], $0xffff;
	v41 =	vmov s19;
	s20 =	smul.u32 $0x140, s31;
	v8 =	vsel vm10, s22, v8;
	v9 =	vsel vm11, v29, v9  }
0x1d7: {  	v18 =	vld.idx.msk [tilespmem:v47+s7+$0x0], $0xffff;
	v7 =	vmax.f32 v7, v13;
	v8 =	vsel vm11, s14, v8;
	vm12 =	vgt.f32 v40, v9  }
0x1d8: {  	v56 =	vld.idx.msk [tilespmem:v49+s7+$0x0], $0xffff;
	s23 =	smul.u32 $0x2800, s11;
	v11 =	vsub.f32 v28, v11;
	s17 =	sadd.s32 s9, s20;
	v9 =	vsel vm12, v40, v9;
	v8 =	vsel vm12, s15, v8;
	s15 =	sshll.u32 s11, $0x3  }
0x1d9: {  	v7 =	vmax.f32 v7, v12;
	s21 =	sand.u32 $0x7FFFFF80, s17;
	v22 =	vld.idx.msk [tilespmem:v52+s7+$0x0], $0xffff;
	s22 =	smul.u32 $0x500, s18;
	vm13 =	vgt.f32 v43, v9;
	s24 =	sor.u32 $0x1, s15  }
0x1da: {  	v10 =	vsub.f32 v29, v10;
	v7 =	vmax.f32 v7, v11;
	s17 =	sshra.s32 s23, $0x2;
	v48 =	vld.idx.msk [tilespmem:v6+s21+$0x0 ss:$0x1], $0xffff;
	s12 =	sor.u32 $0x2, s15;
	v8 =	vsel vm13, s25, v8;
	s25 =	smul.u32 $0x500, s24  }
0x1db: {  	v15 =	vsub.f32 v40, v15;
	v53 =	vld.idx.msk [tilespmem:v4+s17+$0x0 ss:$0x1], $0xffff;
	s14 =	sshra.s32 s22, $0x2;
	v54 =	vmov s15;
	v9 =	vsel vm13, v43, v9;
	s26 =	smul.u32 $0x140, s12  }
0x1dc: {  	v7 =	vmax.f32 v7, v10;
	v50 =	vld.idx.msk [tilespmem:v5+s14+$0x0 ss:$0x1], $0xffff;
	v57 =	vmov s24;
	vm14 =	vgt.f32 v45, v9  }
0x1dd: {  	v10 =	vsub.f32 v43, v14;
	v47 =	vld.idx.msk [tilespmem:v41+s7+$0x0], $0xffff;
	v59 =	vmov s12;
	v8 =	vsel vm14, s28, v8;
	s28 =	sshra.s32 s25, $0x2;
	s29 =	sadd.s32 s9, s26  }
0x1de: {  	v32 =	vsub.f32 v45, v18;
	v7 =	vmax.f32 v7, v15;
	s13 =	sor.u32 $0x4, s15;
	v9 =	vsel vm14, v45, v9;
	v55 =	vld.idx.msk [tilespmem:v5+s28+$0x0 ss:$0x1], $0xffff;
	s16 =	sand.u32 $0x7FFFFF80, s29  }
0x1df: {  	v7 =	vmax.f32 v7, v10;
	s20 =	smul.u32 $0x140, s13;
	vm15 =	vgt.f32 v48, v9;
	v58 =	vld.idx.msk [tilespmem:v6+s16+$0x0 ss:$0x1], $0xffff  }
0x1e0: {  	v7 =	vmax.f32 v7, v32;
	s30 =	sor.u32 $0x3, s15;
	v13 =	vsub.f32 v48, v56;
	s26 =	smul.u32 $0x500, s19;
	v9 =	vsel vm15, v48, v9;
	v11 =	vld.idx.msk [tilespmem:v54+s7+$0x0], $0xffff  }
0x1e1: {  	s8 =	sor.u32 $0x3, s8;
	v33 =	vmov s13;
	v8 =	vsel vm15, s31, v8;
	s31 =	smul.u32 $0x500, s30;
	s16 =	sadd.s32 s9, s20;
	vm4 =	vgt.f32 v50, v9;
	v16 =	vld.idx.msk [tilespmem:v57+s7+$0x0], $0xffff  }
0x1e2: {  	v62 =	vmov s30;
	v21 =	vsub.f32 v50, v22;
	s28 =	smul.u32 $0x2800, s8;
	s16 =	sand.u32 $0x7FFFFF80, s16;
	v12 =	vld.idx.msk [tilespmem:v59+s7+$0x0], $0xffff;
	v9 =	vsel vm4, v50, v9  }
0x1e3: {  	v7 =	vmax.f32 v7, v13;
	s29 =	sshra.s32 s26, $0x2;
	v8 =	vsel vm4, s18, v8;
	s21 =	sshra.s32 s31, $0x2;
	s18 =	sor.u32 $0x5, s15;
	v61 =	vld.idx.msk [tilespmem:v6+s16+$0x0 ss:$0x1], $0xffff;
	vm5 =	vgt.f32 v53, v9  }
0x1e4: {  	v7 =	vmax.f32 v7, v21;
	s16 =	sshll.u32 s8, $0x3;
	s8 =	sshllo.u32 s8, $0x3;
	v60 =	vld.idx.msk [tilespmem:v5+s21+$0x0 ss:$0x1], $0xffff;
	s22 =	smul.u32 $0x500, s18;
	v36 =	vmov s18;
	v9 =	vsel vm5, v53, v9  }
0x1e5: {  	v34 =	vld.idx.msk [tilespmem:v5+s29+$0x0 ss:$0x1], $0xffff;
	s14 =	sor.u32 $0x1, s16;
	s21 =	sor.u32 $0x3, s16;
	v59 =	vmov s8;
	v8 =	vsel vm5, s15, v8;
	s15 =	sor.u32 $0x6, s15;
	vm6 =	vgt.f32 v55, v9  }
0x1e6: {  	v17 =	vld.idx.msk [tilespmem:v33+s7+$0x0], $0xffff;
	v44 =	vmov s14;
	v49 =	vmov s21;
	s23 =	smul.u32 $0x140, s15;
	v9 =	vsel vm6, v55, v9  }
0x1e7: {  	v35 =	vld.idx.msk [tilespmem:v62+s7+$0x0], $0xffff;
	v11 =	vsub.f32 v53, v11;
	v8 =	vsel vm6, s24, v8;
	s24 =	sshra.s32 s22, $0x2;
	vm7 =	vgt.f32 v58, v9  }
0x1e8: {  	v39 =	vmov s15;
	v16 =	vsub.f32 v55, v16;
	v63 =	vld.idx.msk [tilespmem:v5+s24+$0x0 ss:$0x1], $0xffff;
	s25 =	sadd.s32 s9, s23;
	v9 =	vsel vm7, v58, v9  }
0x1e9: {  	s22 =	smul.u32 $0x500, s21;
	v12 =	vsub.f32 v58, v12;
	v7 =	vmax.f32 v7, v11;
	s11 =	sand.u32 $0x7FFFFF80, s25;
	v42 =	vld.idx.msk [tilespmem:v36+s7+$0x0], $0xffff;
	vm8 =	vgt.f32 v60, v9  }
0x1ea: {  	s26 =	sor.u32 $0x5, s16;
	v11 =	vmov s16;
	v8 =	vsel vm7, s12, v8;
	s12 =	sshra.s32 s28, $0x2;
	v10 =	vld.idx.msk [tilespmem:v6+s11+$0x0 ss:$0x1], $0xffff;
	v9 =	vsel vm8, v60, v9  }
0x1eb: {  	v55 =	vmov s26;
	v17 =	vsub.f32 v61, v17;
	s25 =	sshra.s32 s22, $0x2;
	v37 =	vld.idx.msk [tilespmem:v4+s12+$0x0 ss:$0x1], $0xffff;
	vm0 =	vgt.f32 v61, v9  }
0x1ec: {  	s23 =	sor.u32 $0x4, s16;
	v7 =	vmax.f32 v7, v16;
	v48 =	vsub.f32 v60, v35;
	v43 =	vld.idx.msk [tilespmem:v5+s25+$0x0 ss:$0x1], $0xffff;
	v9 =	vsel vm0, v61, v9  }
0x1ed: {  	v51 =	vmov s23;
	s11 =	sor.u32 $0x2, s16;
	v8 =	vsel vm8, s30, v8;
	s30 =	smul.u32 $0x500, s14;
	v22 =	vld.idx.msk [tilespmem:v39+s7+$0x0], $0xffff;
	vm9 =	vgt.f32 v63, v9  }
0x1ee: {  	v7 =	vmax.f32 v7, v12;
	v53 =	vld.idx.msk [tilespmem:v44+s7+$0x0], $0xffff;
	s31 =	smul.u32 $0x140, s11;
	v46 =	vmov s11;
	v9 =	vsel vm9, v63, v9  }
0x1ef: {  	v7 =	vmax.f32 v7, v48;
	v8 =	vsel vm0, s13, v8;
	s20 =	sshra.s32 s30, $0x2;
	v11 =	vld.idx.msk [tilespmem:v11+s7+$0x0], $0xffff;
	vm0 =	vgt.f32 v10, v9  }
0x1f0: {  	s24 =	smul.u32 $0x140, s23;
	v16 =	vsub.f32 v34, v47;
	v7 =	vmax.f32 v7, v17;
	s17 =	sadd.s32 s9, s31;
	v38 =	vld.idx.msk [tilespmem:v5+s20+$0x0 ss:$0x1], $0xffff;
	v9 =	vsel vm0, v10, v9  }
0x1f1: {  	v58 =	vld.idx.msk [tilespmem:v49+s7+$0x0], $0xffff;
	s17 =	sand.u32 $0x7FFFFB80, s17;
	v52 =	vsub.f32 v63, v42;
	v8 =	vsel vm9, s18, v8;
	vm10 =	vgt.f32 v34, v9  }
0x1f2: {  	s28 =	smul.u32 $0x500, s26;
	v40 =	vld.idx.msk [tilespmem:v6+s17+$0x0 ss:$0x1], $0xffff;
	s17 =	sadd.s32 s9, s24;
	v8 =	vsel vm0, s15, v8;
	v10 =	vsub.f32 v10, v22;
	v9 =	vsel vm10, v34, v9  }
0x1f3: {  	s17 =	sand.u32 $0x7FFFFF80, s17;
	v54 =	vld.idx.msk [tilespmem:v46+s7+$0x0], $0xffff;
	v7 =	vmax.f32 v7, v52;
	v8 =	vsel vm10, s19, v8;
	vm0 =	vgt.f32 v37, v9  }
0x1f4: {  	v45 =	vld.idx.msk [tilespmem:v6+s17+$0x0 ss:$0x1], $0xffff;
	s17 =	sshra.s32 s28, $0x2;
	v7 =	vmax.f32 v7, v10;
	v8 =	vsel vm0, s16, v8;
	s16 =	sor.u32 $0x6, s16;
	v9 =	vsel vm0, v37, v9  }
0x1f5: {  	v50 =	vld.idx.msk [tilespmem:v5+s17+$0x0 ss:$0x1], $0xffff;
	v10 =	vsub.f32 v37, v11;
	s29 =	smul.u32 $0x140, s16;
	vm0 =	vgt.f32 v38, v9;
	v56 =	vmov s16  }
0x1f6: {  	v11 =	vld.idx.msk [tilespmem:v51+s7+$0x0], $0xffff;
	v7 =	vmax.f32 v7, v16;
	v9 =	vsel vm0, v38, v9  }
0x1f7: {  	v7 =	vmax.f32 v7, v10;
	v10 =	vld.idx.msk [tilespmem:v55+s7+$0x0], $0xffff;
	v8 =	vsel vm0, s14, v8;
	s17 =	sadd.s32 s9, s29;
	vm0 =	vgt.f32 v40, v9  }
0x1f8: {  	s31 =	smul.u32 $0x500, s8;
	v63 =	vld.idx.msk [tilespmem:v59+s7+$0x0], $0xffff;
	v13 =	vsub.f32 v38, v53;
	s30 =	sand.u32 $0x7FFFFF80, s17;
	v9 =	vsel vm0, v40, v9  }
0x1f9: {  	v61 =	vsub.f32 v40, v54;
	v57 =	vld.idx.msk [tilespmem:v6+s30+$0x0 ss:$0x1], $0xffff;
	vm11 =	vgt.f32 v43, v9  }
0x1fa: {  	v62 =	vsub.f32 v43, v58;
	v7 =	vmax.f32 v7, v13;
	s14 =	sshra.s32 s31, $0x2;
	v9 =	vsel vm11, v43, v9;
	v12 =	vld.idx.msk [tilespmem:v56+s7+$0x0], $0xffff  }
0x1fb: {  	v7 =	vmax.f32 v7, v61;
	v60 =	vld.idx.msk [tilespmem:v5+s14+$0x0 ss:$0x1], $0xffff;
	v11 =	vsub.f32 v45, v11;
	vm12 =	vgt.f32 v45, v9  }
0x1fc: {  	v7 =	vmax.f32 v7, v62;
	v10 =	vsub.f32 v50, v10;
	v9 =	vsel vm12, v45, v9  }
0x1fd: {  	p1 =	por p0, p0;
	v8 =	vsel vm0, s11, v8;
	v7 =	vmax.f32 v7, v11;
	vm13 =	vgt.f32 v50, v9  }
.Ltmp4:
0x1fe: {  	v8 =	vsel vm11, s21, v8;
	v7 =	vmax.f32 v7, v10;
	v9 =	vsel vm13, v50, v9;
	(pc) =	sbr.rel @p1 .LBB2_10-.Ltmp4, $4  }
0x1ff: {  	v8 =	vsel vm12, s23, v8;
	v11 =	vsub.f32 v57, v12;
	vm14 =	vgt.f32 v57, v9  }
0x200: {  	v10 =	vsub.f32 v60, v63;
	v8 =	vsel vm13, s26, v8;
	v9 =	vsel vm14, v57, v9  }
0x201: {  	v8 =	vsel vm14, s16, v8;
	v7 =	vmax.f32 v7, v11;
	vm15 =	vgt.f32 v60, v9  }
0x202: {  	p0 =	por $0x0, $0x0;
	v7 =	vmax.f32 v7, v10;
	v8 =	vsel vm15, s8, v8;
	v9 =	vsel vm15, v60, v9;
	s8 =	simm.s32 $0x4  }
0x203: {  	vm0 =	veq.f32 v7, $0.0e+00;
	vm1 =	vgt.f32 v9, $6.999999880e-01;
	s8 =	sadd.s32 s5, s9  }
0x204: {  	vm0 =	vmor vm1, vm0;
	v4 =	vmov s8  }
0x205: {  	vm15 =	vlt.f32 v9, $3.000000120e-01;
	vm2 =	vmneg vm0;
	vm3 =	vlt.u32 v4, v1  }
0x206: {  	s8 =	sor.u32 $0x10, s9;
	vm1 =	vmand vm15, vm2;
	vm0 =	vmand vm3, vm0  }
0x207: {  	[tilespmem:s9+$0x5A80] =	vst v8;
	v10 =	vimm.s32 $0x0;
	s11 =	sand.u32 $0x70, s8;
	vm1 =	vmand vm3, vm1;
	v5 =	vsel vm0, $0x3F800000, v0  }
0x208: {  	s12 =	sadd.s32 $0xA90, s9;
	v9 =	vimm.f32 $-1.000000000e+00;
	v11 =	vimm.f32 $-1.000000000e+00;
	s10 =	sadd.s32 s11, s10;
	s11 =	sor.u32 $0xA80, s11;
	v4 =	vsel vm1, $0x3F800000, v0;
	[tilespmem:s9+$0x5C80] =	vst v5  }
0x209: {  	p0 =	por $0x1, $0x1;
	v7 =	vmov s12;
	v6 =	vmov s10;
	v8 =	vmov s11;
	[tilespmem:s9+$0x5E00] =	vst v4;
	s9 =	simm.s32 $0x0  }
.LBB2_12:
0x20a: {  	s11 =	sshll.u32 s9, $0x3;
	s10 =	smul.u32 $0x2800, s9;
	s19 =	sshllo.u32 s9, $0x3  }
0x20b: {  	s12 =	sor.u32 $0x1, s11;
	s29 =	smul.u32 $0x500, s19  }
0x20c: {  	s14 =	sor.u32 $0x2, s11;
	s13 =	smul.u32 $0x500, s12  }
0x20d: {  	s10 =	sshra.s32 s10, $0x2;
	s23 =	smul.u32 $0x140, s14  }
0x20e: {  	v13 =	vmov s11;
	s15 =	sor.u32 $0x3, s11;
	v12 =	vld.idx.msk [tilespmem:v6+s10+$0x0 ss:$0x1], $0xffff;
	s30 =	sshra.s32 s29, $0x2  }
0x20f: {  	v27 =	vmov s19;
	s24 =	smul.u32 $0x500, s15;
	s13 =	sshra.s32 s13, $0x2;
	s10 =	sadd.s32 s8, s23;
	v26 =	vld.idx.msk [tilespmem:v7+s30+$0x0 ss:$0x1], $0xffff  }
0x210: {  	v15 =	vmov s12;
	v14 =	vld.idx.msk [tilespmem:v7+s13+$0x0 ss:$0x1], $0xffff;
	s10 =	sand.u32 $0x3F80, s10  }
0x211: {  	s16 =	sor.u32 $0x4, s11;
	s13 =	sshra.s32 s24, $0x2;
	v16 =	vld.idx.msk [tilespmem:v8+s10+$0x0 ss:$0x1], $0xffff  }
0x212: {  	s17 =	sor.u32 $0x5, s11;
	s25 =	smul.u32 $0x140, s16;
	v18 =	vld.idx.msk [tilespmem:v7+s13+$0x0 ss:$0x1], $0xffff  }
0x213: {  	s18 =	sor.u32 $0x6, s11;
	s26 =	smul.u32 $0x500, s17;
	v13 =	vld.idx.msk [tilespmem:v13+s7+$0x0], $0xffff  }
0x214: {  	v17 =	vmov s14;
	s28 =	smul.u32 $0x140, s18;
	s10 =	sadd.s32 s8, s25;
	v60 =	vld.idx.msk [tilespmem:v27+s7+$0x0], $0xffff  }
0x215: {  	v19 =	vmov s15;
	s10 =	sand.u32 $0x3F80, s10;
	v15 =	vld.idx.msk [tilespmem:v15+s7+$0x0], $0xffff;
	vm0 =	vgt.f32 v12, v11  }
0x216: {  	v21 =	vmov s16;
	s13 =	sshra.s32 s26, $0x2;
	v20 =	vld.idx.msk [tilespmem:v8+s10+$0x0 ss:$0x1], $0xffff;
	s10 =	sadd.s32 s8, s28;
	v11 =	vsel vm0, v12, v11  }
0x217: {  	v23 =	vmov s17;
	v22 =	vld.idx.msk [tilespmem:v7+s13+$0x0 ss:$0x1], $0xffff;
	s10 =	sand.u32 $0x7F80, s10;
	vm1 =	vgt.f32 v14, v11  }
0x218: {  	v25 =	vmov s18;
	v24 =	vld.idx.msk [tilespmem:v8+s10+$0x0 ss:$0x1], $0xffff;
	s10 =	sor.u32 $0x1, s9;
	v11 =	vsel vm1, v14, v11  }
0x219: {  	v17 =	vld.idx.msk [tilespmem:v17+s7+$0x0], $0xffff;
	v10 =	vsel vm0, s11, v10;
	s20 =	sshll.u32 s10, $0x3;
	vm2 =	vgt.f32 v16, v11  }
0x21a: {  	v19 =	vld.idx.msk [tilespmem:v19+s7+$0x0], $0xffff;
	s31 =	smul.u32 $0x2800, s10;
	v10 =	vsel vm1, s12, v10;
	v12 =	vsub.f32 v12, v13;
	s21 =	sor.u32 $0x1, s20;
	v11 =	vsel vm2, v16, v11  }
0x21b: {  	v21 =	vld.idx.msk [tilespmem:v21+s7+$0x0], $0xffff;
	s23 =	sor.u32 $0x2, s20;
	v29 =	vmov s20;
	v14 =	vsub.f32 v14, v15;
	s22 =	smul.u32 $0x500, s21;
	vm3 =	vgt.f32 v18, v11  }
0x21c: {  	v23 =	vld.idx.msk [tilespmem:v23+s7+$0x0], $0xffff;
	s25 =	sor.u32 $0x3, s20;
	v15 =	vsub.f32 v26, v60;
	v10 =	vsel vm2, s14, v10;
	s24 =	smul.u32 $0x140, s23;
	v11 =	vsel vm3, v18, v11  }
0x21d: {  	v25 =	vld.idx.msk [tilespmem:v25+s7+$0x0], $0xffff;
	s14 =	sshra.s32 s31, $0x2;
	s28 =	smul.u32 $0x500, s25;
	v59 =	vmov s21;
	v9 =	vmax.f32 v9, v12;
	vm5 =	vgt.f32 v20, v11  }
0x21e: {  	v61 =	vmov s23;
	v16 =	vsub.f32 v16, v17;
	v28 =	vld.idx.msk [tilespmem:v6+s14+$0x0 ss:$0x1], $0xffff;
	s12 =	sshra.s32 s22, $0x2;
	v11 =	vsel vm5, v20, v11  }
0x21f: {  	s29 =	sor.u32 $0x4, s20;
	v32 =	vmov s25;
	v10 =	vsel vm3, s15, v10;
	s11 =	sadd.s32 s8, s24;
	s15 =	sshra.s32 s28, $0x2;
	v30 =	vld.idx.msk [tilespmem:v7+s12+$0x0 ss:$0x1], $0xffff;
	vm6 =	vgt.f32 v22, v11  }
0x220: {  	s31 =	sor.u32 $0x5, s20;
	v34 =	vmov s29;
	v36 =	vsub.f32 v20, v21;
	s26 =	sand.u32 $0x7FFFFF80, s11;
	v62 =	vld.idx.msk [tilespmem:v7+s15+$0x0 ss:$0x1], $0xffff;
	v11 =	vsel vm6, v22, v11  }
0x221: {  	v9 =	vmax.f32 v9, v14;
	v37 =	vmov s31;
	v31 =	vld.idx.msk [tilespmem:v8+s26+$0x0 ss:$0x1], $0xffff;
	vm7 =	vgt.f32 v24, v11  }
0x222: {  	s30 =	smul.u32 $0x140, s29;
	v18 =	vsub.f32 v18, v19;
	v10 =	vsel vm5, s16, v10;
	v63 =	vld.idx.msk [tilespmem:v29+s7+$0x0], $0xffff;
	v11 =	vsel vm7, v24, v11  }
0x223: {  	v9 =	vmax.f32 v9, v16;
	v13 =	vld.idx.msk [tilespmem:v59+s7+$0x0], $0xffff;
	v10 =	vsel vm6, s17, v10;
	vm8 =	vgt.f32 v26, v11  }
0x224: {  	v41 =	vsub.f32 v24, v25;
	s12 =	sadd.s32 s8, s30;
	v12 =	vld.idx.msk [tilespmem:v61+s7+$0x0], $0xffff;
	v10 =	vsel vm7, s18, v10;
	s18 =	smul.u32 $0x500, s31;
	v11 =	vsel vm8, v26, v11  }
0x225: {  	v9 =	vmax.f32 v9, v18;
	v17 =	vld.idx.msk [tilespmem:v32+s7+$0x0], $0xffff;
	s17 =	sand.u32 $0x7FFFFF80, s12;
	v22 =	vsub.f32 v22, v23;
	vm9 =	vgt.f32 v28, v11  }
0x226: {  	v9 =	vmax.f32 v9, v36;
	v33 =	vld.idx.msk [tilespmem:v8+s17+$0x0 ss:$0x1], $0xffff;
	v10 =	vsel vm8, s19, v10;
	s19 =	sor.u32 $0x6, s20;
	s17 =	sshra.s32 s18, $0x2;
	v11 =	vsel vm9, v28, v11  }
0x227: {  	v9 =	vmax.f32 v9, v22;
	v35 =	vld.idx.msk [tilespmem:v7+s17+$0x0 ss:$0x1], $0xffff;
	s17 =	sshllo.u32 s10, $0x3;
	v10 =	vsel vm9, s20, v10;
	s20 =	smul.u32 $0x140, s19;
	vm10 =	vgt.f32 v30, v11  }
0x228: {  	v9 =	vmax.f32 v9, v41;
	v14 =	vsub.f32 v28, v63;
	s10 =	sor.u32 $0x2, s9;
	s22 =	smul.u32 $0x500, s17;
	v11 =	vsel vm10, v30, v11  }
0x229: {  	v16 =	vld.idx.msk [tilespmem:v34+s7+$0x0], $0xffff;
	v39 =	vmov s19;
	s24 =	smul.u32 $0x2800, s10;
	v10 =	vsel vm10, s21, v10;
	vm11 =	vgt.f32 v31, v11  }
0x22a: {  	v20 =	vld.idx.msk [tilespmem:v37+s7+$0x0], $0xffff;
	v42 =	vmov s17;
	s16 =	sadd.s32 s8, s20;
	s13 =	sshra.s32 s22, $0x2;
	v11 =	vsel vm11, v31, v11;
	v10 =	vsel vm11, s23, v10;
	s23 =	sshll.u32 s10, $0x3  }
0x22b: {  	v9 =	vmax.f32 v9, v15;
	v13 =	vsub.f32 v30, v13;
	s21 =	sand.u32 $0x7FFFFF80, s16;
	v40 =	vld.idx.msk [tilespmem:v7+s13+$0x0 ss:$0x1], $0xffff;
	vm12 =	vgt.f32 v62, v11;
	s11 =	sor.u32 $0x2, s23  }
0x22c: {  	v12 =	vsub.f32 v31, v12;
	v17 =	vsub.f32 v62, v17;
	s16 =	sshra.s32 s24, $0x2;
	v38 =	vld.idx.msk [tilespmem:v8+s21+$0x0 ss:$0x1], $0xffff;
	v10 =	vsel vm12, s25, v10;
	s25 =	sor.u32 $0x1, s23;
	s28 =	smul.u32 $0x140, s11  }
0x22d: {  	v9 =	vmax.f32 v9, v14;
	v43 =	vld.idx.msk [tilespmem:v6+s16+$0x0 ss:$0x1], $0xffff;
	v44 =	vmov s23;
	v11 =	vsel vm12, v62, v11;
	s26 =	smul.u32 $0x500, s25  }
0x22e: {  	v9 =	vmax.f32 v9, v13;
	v46 =	vld.idx.msk [tilespmem:v39+s7+$0x0], $0xffff;
	s12 =	sor.u32 $0x4, s23;
	v49 =	vmov s11;
	vm13 =	vgt.f32 v33, v11  }
0x22f: {  	v24 =	vld.idx.msk [tilespmem:v42+s7+$0x0], $0xffff;
	v58 =	vmov s12;
	v11 =	vsel vm13, v33, v11;
	v10 =	vsel vm13, s29, v10;
	s30 =	sadd.s32 s8, s28;
	s29 =	sshra.s32 s26, $0x2  }
0x230: {  	v54 =	vsub.f32 v33, v16;
	v9 =	vmax.f32 v9, v12;
	vm14 =	vgt.f32 v35, v11;
	s15 =	sand.u32 $0x7FFFFF80, s30;
	v45 =	vld.idx.msk [tilespmem:v7+s29+$0x0 ss:$0x1], $0xffff  }
0x231: {  	v9 =	vmax.f32 v9, v17;
	s20 =	smul.u32 $0x140, s12;
	v47 =	vmov s25;
	v11 =	vsel vm14, v35, v11;
	v48 =	vld.idx.msk [tilespmem:v8+s15+$0x0 ss:$0x1], $0xffff  }
0x232: {  	v9 =	vmax.f32 v9, v54;
	v51 =	vld.idx.msk [tilespmem:v44+s7+$0x0], $0xffff;
	vm15 =	vgt.f32 v38, v11  }
0x233: {  	v57 =	vsub.f32 v35, v20;
	s14 =	sor.u32 $0x6, s23;
	v10 =	vsel vm14, s31, v10;
	s31 =	sor.u32 $0x3, s23;
	s15 =	sadd.s32 s8, s20;
	v14 =	vld.idx.msk [tilespmem:v49+s7+$0x0], $0xffff;
	v11 =	vsel vm15, v38, v11  }
0x234: {  	s18 =	sshllo.u32 s10, $0x3;
	v33 =	vmov s14;
	s15 =	sand.u32 $0x7FFFFF80, s15;
	v19 =	vld.idx.msk [tilespmem:v58+s7+$0x0], $0xffff;
	v10 =	vsel vm15, s19, v10;
	s19 =	smul.u32 $0x500, s31;
	vm4 =	vgt.f32 v40, v11  }
0x235: {  	v9 =	vmax.f32 v9, v57;
	s26 =	smul.u32 $0x500, s18;
	v35 =	vmov s18;
	v52 =	vld.idx.msk [tilespmem:v8+s15+$0x0 ss:$0x1], $0xffff;
	v11 =	vsel vm4, v40, v11  }
0x236: {  	s9 =	sor.u32 $0x3, s9;
	v15 =	vsub.f32 v38, v46;
	v23 =	vsub.f32 v40, v24;
	v18 =	vld.idx.msk [tilespmem:v47+s7+$0x0], $0xffff;
	s21 =	sshra.s32 s19, $0x2;
	vm5 =	vgt.f32 v43, v11  }
0x237: {  	s28 =	smul.u32 $0x2800, s9;
	v53 =	vmov s31;
	s29 =	sshra.s32 s26, $0x2;
	v10 =	vsel vm4, s17, v10;
	s17 =	sor.u32 $0x5, s23;
	v50 =	vld.idx.msk [tilespmem:v7+s21+$0x0 ss:$0x1], $0xffff;
	v11 =	vsel vm5, v43, v11  }
0x238: {  	v9 =	vmax.f32 v9, v15;
	v59 =	vld.idx.msk [tilespmem:v7+s29+$0x0 ss:$0x1], $0xffff;
	s22 =	smul.u32 $0x500, s17;
	vm6 =	vgt.f32 v45, v11  }
0x239: {  	s15 =	sshll.u32 s9, $0x3;
	v9 =	vmax.f32 v9, v23;
	s9 =	sshllo.u32 s9, $0x3;
	v24 =	vld.idx.msk [tilespmem:v33+s7+$0x0], $0xffff;
	v10 =	vsel vm5, s23, v10;
	s23 =	smul.u32 $0x140, s14;
	v11 =	vsel vm6, v45, v11  }
0x23a: {  	s13 =	sor.u32 $0x1, s15;
	v37 =	vmov s15;
	v54 =	vmov s9;
	v42 =	vld.idx.msk [tilespmem:v35+s7+$0x0], $0xffff;
	s24 =	sshra.s32 s22, $0x2;
	vm7 =	vgt.f32 v48, v11  }
0x23b: {  	s30 =	smul.u32 $0x500, s13;
	v61 =	vmov s17;
	v10 =	vsel vm6, s25, v10;
	v55 =	vld.idx.msk [tilespmem:v7+s24+$0x0 ss:$0x1], $0xffff;
	s25 =	sadd.s32 s8, s23;
	v11 =	vsel vm7, v48, v11  }
0x23c: {  	v39 =	vmov s13;
	v13 =	vsub.f32 v43, v51;
	v60 =	vld.idx.msk [tilespmem:v53+s7+$0x0], $0xffff;
	s10 =	sand.u32 $0x7FFFFF80, s25;
	vm8 =	vgt.f32 v50, v11  }
0x23d: {  	s21 =	sor.u32 $0x3, s15;
	s20 =	sshra.s32 s30, $0x2;
	v14 =	vsub.f32 v48, v14;
	v18 =	vsub.f32 v45, v18;
	v56 =	vld.idx.msk [tilespmem:v8+s10+$0x0 ss:$0x1], $0xffff;
	v11 =	vsel vm8, v50, v11  }
0x23e: {  	v44 =	vmov s21;
	v63 =	vld.idx.msk [tilespmem:v7+s20+$0x0 ss:$0x1], $0xffff;
	v9 =	vmax.f32 v9, v13;
	vm0 =	vgt.f32 v52, v11  }
0x23f: {  	s22 =	smul.u32 $0x500, s21;
	v19 =	vsub.f32 v52, v19;
	v13 =	vld.idx.msk [tilespmem:v37+s7+$0x0], $0xffff;
	v9 =	vmax.f32 v9, v18;
	s10 =	sor.u32 $0x2, s15;
	v11 =	vsel vm0, v52, v11  }
0x240: {  	v10 =	vsel vm7, s11, v10;
	s11 =	sshra.s32 s28, $0x2;
	v36 =	vld.idx.msk [tilespmem:v61+s7+$0x0], $0xffff;
	v41 =	vmov s10;
	vm9 =	vgt.f32 v55, v11  }
0x241: {  	s26 =	sor.u32 $0x5, s15;
	s25 =	sshra.s32 s22, $0x2;
	v62 =	vld.idx.msk [tilespmem:v6+s11+$0x0 ss:$0x1], $0xffff;
	v43 =	vsub.f32 v50, v60;
	v10 =	vsel vm8, s31, v10;
	s31 =	smul.u32 $0x140, s10;
	v11 =	vsel vm9, v55, v11  }
0x242: {  	s23 =	sor.u32 $0x4, s15;
	v38 =	vld.idx.msk [tilespmem:v7+s25+$0x0 ss:$0x1], $0xffff;
	v50 =	vmov s26;
	v10 =	vsel vm0, s12, v10;
	vm0 =	vgt.f32 v56, v11  }
0x243: {  	v46 =	vmov s23;
	v9 =	vmax.f32 v9, v14;
	v48 =	vld.idx.msk [tilespmem:v39+s7+$0x0], $0xffff;
	s16 =	sadd.s32 s8, s31;
	v11 =	vsel vm0, v56, v11  }
0x244: {  	s24 =	smul.u32 $0x140, s23;
	v18 =	vsub.f32 v59, v42;
	v53 =	vld.idx.msk [tilespmem:v44+s7+$0x0], $0xffff;
	s16 =	sand.u32 $0x7FFFFB80, s16;
	v10 =	vsel vm9, s17, v10;
	vm10 =	vgt.f32 v59, v11  }
0x245: {  	v9 =	vmax.f32 v9, v43;
	v34 =	vld.idx.msk [tilespmem:v8+s16+$0x0 ss:$0x1], $0xffff;
	v10 =	vsel vm0, s14, v10;
	v11 =	vsel vm10, v59, v11  }
0x246: {  	v9 =	vmax.f32 v9, v19;
	s16 =	sadd.s32 s8, s24;
	v49 =	vld.idx.msk [tilespmem:v41+s7+$0x0], $0xffff;
	v10 =	vsel vm10, s18, v10;
	vm0 =	vgt.f32 v62, v11  }
0x247: {  	s28 =	smul.u32 $0x500, s26;
	v47 =	vsub.f32 v55, v36;
	s16 =	sand.u32 $0x7FFFFF80, s16;
	v58 =	vld.idx.msk [tilespmem:v50+s7+$0x0], $0xffff;
	v10 =	vsel vm0, s15, v10;
	s15 =	sor.u32 $0x6, s15;
	v11 =	vsel vm0, v62, v11  }
0x248: {  	v12 =	vsub.f32 v56, v24;
	v40 =	vld.idx.msk [tilespmem:v8+s16+$0x0 ss:$0x1], $0xffff;
	s29 =	smul.u32 $0x140, s15;
	vm0 =	vgt.f32 v63, v11;
	v51 =	vmov s15  }
0x249: {  	v55 =	vsub.f32 v62, v13;
	v9 =	vmax.f32 v9, v47;
	s16 =	sshra.s32 s28, $0x2;
	v56 =	vld.idx.msk [tilespmem:v46+s7+$0x0], $0xffff;
	v11 =	vsel vm0, v63, v11  }
0x24a: {  	v9 =	vmax.f32 v9, v12;
	v45 =	vld.idx.msk [tilespmem:v7+s16+$0x0 ss:$0x1], $0xffff;
	v10 =	vsel vm0, s13, v10;
	s16 =	sadd.s32 s8, s29;
	vm0 =	vgt.f32 v34, v11  }
0x24b: {  	v61 =	vld.idx.msk [tilespmem:v54+s7+$0x0], $0xffff;
	s31 =	smul.u32 $0x500, s9;
	v15 =	vsub.f32 v63, v48;
	v9 =	vmax.f32 v9, v18;
	s30 =	sand.u32 $0x7FFFFF80, s16;
	v11 =	vsel vm0, v34, v11  }
0x24c: {  	v9 =	vmax.f32 v9, v55;
	v59 =	vsub.f32 v34, v49;
	v52 =	vld.idx.msk [tilespmem:v8+s30+$0x0 ss:$0x1], $0xffff;
	vm11 =	vgt.f32 v38, v11  }
0x24d: {  	v60 =	vsub.f32 v38, v53;
	v9 =	vmax.f32 v9, v15;
	s13 =	sshra.s32 s31, $0x2;
	v11 =	vsel vm11, v38, v11;
	v14 =	vld.idx.msk [tilespmem:v51+s7+$0x0], $0xffff  }
0x24e: {  	v9 =	vmax.f32 v9, v59;
	v13 =	vsub.f32 v40, v56;
	v57 =	vld.idx.msk [tilespmem:v7+s13+$0x0 ss:$0x1], $0xffff;
	vm12 =	vgt.f32 v40, v11  }
0x24f: {  	v9 =	vmax.f32 v9, v60;
	v12 =	vsub.f32 v45, v58;
	v11 =	vsel vm12, v40, v11  }
0x250: {  	p1 =	por p0, p0;
	v9 =	vmax.f32 v9, v13;
	v10 =	vsel vm0, s10, v10;
	vm13 =	vgt.f32 v45, v11  }
.Ltmp5:
0x251: {  	v9 =	vmax.f32 v9, v12;
	v10 =	vsel vm11, s21, v10;
	v11 =	vsel vm13, v45, v11;
	(pc) =	sbr.rel @p1 .LBB2_12-.Ltmp5, $4  }
0x252: {  	v10 =	vsel vm12, s23, v10;
	v62 =	vsub.f32 v52, v14;
	vm14 =	vgt.f32 v52, v11  }
0x253: {  	v63 =	vsub.f32 v57, v61;
	v10 =	vsel vm13, s26, v10;
	v11 =	vsel vm14, v52, v11  }
0x254: {  	v10 =	vsel vm14, s15, v10;
	v9 =	vmax.f32 v9, v62;
	vm15 =	vgt.f32 v57, v11  }
0x255: {  	p0 =	por $0x0, $0x0;
	v9 =	vmax.f32 v9, v63;
	v10 =	vsel vm15, s9, v10;
	v11 =	vsel vm15, v57, v11;
	s9 =	simm.s32 $0x4  }
0x256: {  	s9 =	sadd.s32 s5, s8;
	vm0 =	veq.f32 v9, $0.0e+00;
	vm1 =	vgt.f32 v11, $6.999999880e-01;
	s6 =	sadd.s32 $0x1, s6  }
0x257: {  	v6 =	vmov s9;
	vm0 =	vmor vm1, vm0;
	p0 =	sne.s32 s6, $0xA  }
.Ltmp6:
0x258: {  	vm2 =	vlt.f32 v11, $3.000000120e-01;
	vm15 =	vlt.u32 v6, v1;
	vm3 =	vmneg vm0;
	(pc) =	sbr.rel @p0 .LBB2_9-.Ltmp6, $4  }
0x259: {  	v3 =	vadd.f32 v5, v3;
	vm2 =	vmand vm2, vm3;
	vm0 =	vmand vm15, vm0  }
0x25a: {  	[tilespmem:s8+$0x5A80] =	vst v10;
	v2 =	vadd.f32 v4, v2;
	vm1 =	vmand vm15, vm2;
	v4 =	vsel vm0, $0x3F800000, v0  }
0x25b: {  	v5 =	vsel vm1, $0x3F800000, v0;
	[tilespmem:s8+$0x5C80] =	vst v4  }
0x25c: {  	v3 =	vadd.f32 v4, v3;
	[tilespmem:s8+$0x5E00] =	vst v5;
	v2 =	vadd.f32 v5, v2  }
0x25d: {  	_ = 	snop  }
0x25e: {  	(xrf2) =	vadd.scan.msk.f32 $0xffff, v3  }
0x25f: {  	(xrf2) =	vadd.scan.msk.f32 $0xffff, v2;
	_ =	sdelay $0x8  }
0x260: {  	v0, _, _ =	vpop (xrf2)  }
0x261: {  	v1, _, _ =	vpop (xrf2)  }
0x262: {  	v0 =	vbroadcast v0, $0xF;
	v1 =	vbroadcast v1, $0xF  }
0x263: {  	vm1 =	vmmov $0x1;
	vm0 =	vcmask $0x704  }
0x264: {  	v0 =	vnsel vm1, $0x0, v0;
	v1 =	vnsel vm0, $0x0, v1  }
0x265: {  	v0 =	vadd.f32 v1, v0  }
0x266: {  	s5 =	sshll.u32 s2, $0x4  }
0x267: {  	s7 =	simm.s32 $0x6480;
	s23 =	simm.s32 $0x1;
	s6 =	sadd.s32 s5, s4;
	[tilespmem:$0x6480] =	vst v0  }
0x268: {  	[spmem:s6] =	stream.linear.scatter [tilespmem:s7], [sflag:$0x1], $0x10, $0x38;
	[tilespmem:$0x65E0] =	vst v63  }
0x269: {  	_ =	swait.ge [sflag:s23], $0x10  }
0x26a: {  	[sflag:s23] =	ssyncset.done $0x0  }
0x26b: {  	[sflag:s23] =	ssyncadd.s32 $0xFFFFFFF0  }
0x26c: {  	s24 =	simm.s32 $0x6380;
	[bflag:$0x0] =	sbarrier.arrive $0xFFFF  }
0x26d: {  	[tilespmem:s24], [sflag:$0x1] =	stream.linear.gather [spmem:s4], $0x100, $0x38;
	[tilespmem:$0x65E0] =	vst v63  }
0x26e: {  	_ =	swait.ge [sflag:s23], $0x100  }
0x26f: {  	[sflag:s23] =	ssyncset.done $0x0  }
0x270: {  	s25 =	simm.s32 $0x500;
	[sflag:s23] =	ssyncadd.s32 $0xFFFFFF00  }
0x271: {  	v14 =	vld [tilespmem:s25+$0x0];
	_ =	sdelay $0x4  }
0x272: {  	v0 =	vand.u32 $0x7FFFFFFF, v14  }
0x273: {  	v2 =	vlaneseq.u32;
	v0 =	vsub.f32 $0.0e+00, v0  }
0x274: {  	v1 =	vmul.u32 $0x10, v2  }
0x275: {  	v0 =	vmul.f32 $1.442695020e+00, v0  }
0x276: {  	v3 =	vor.u32 $0x1, v1  }
0x277: {  	(erf) = vpow2.f32 v0;
	_ =	sdelay $0x2  }
0x278: {  	v1 =	vld.idx.msk [tilespmem:v1+s24+$0x0], $0xffff  }
0x279: {  	v0 =	vld.idx.msk [tilespmem:v3+s24+$0x0], $0xffff;
	_ =	sdelay $0x1  }
0x27a: {  	v3 =	vmov s2  }
0x27b: {  	s26 =	simm.s32 $0x0;
	v4 =	vld [tilespmem:$0x5A80];
	vm2 =	vgt.u32 v3, v2  }
0x27c: {  	v5 =	vld [tilespmem:s26+$0x0];
	v2 =	vnsel vm2, $0x0, v1  }
0x27d: {  	s28 =	simm.s32 $0x5A80;
	v6 =	vld [tilespmem:s26+$0x140];
	(xrf2) =	vadd.scan.msk.f32 $0xffff, v2;
	v2 =	vnsel vm2, $0x0, v0;
	v3 =	vpop (erf)  }
0x27e: {  	s4 =	sand.u32 $0x1F0, s26;
	v7 =	vld [tilespmem:s28+$0x0];
	(xrf2) =	vadd.scan.msk.f32 $0xffff, v2;
	v2 =	vadd.f32 $2.000000000e+00, v3  }
0x27f: {  	s29 =	simm.s32 $0x10;
	v8 =	vld [tilespmem:s4+$0x280]  }
0x280: {  	s30 =	simm.s32 $0x510;
	v16 =	vld [tilespmem:s29+$0x0];
	(erf) = vrcp.f32 v2  }
0x281: {  	v13 =	vld [tilespmem:s30+$0x0]  }
0x282: {  	s9 =	simm.s32 $0x5C80;
	v15 =	vld [tilespmem:s29+$0x140]  }
0x283: {  	s31 =	sand.u32 $0x1F0, s29;
	v18 =	vld [tilespmem:s9+$0x0]  }
0x284: {  	s8 =	simm.s32 $0x5E00;
	v12 =	vld [tilespmem:s31+$0x280];
	v21 =	vadd.s32 $0x80, v7  }
0x285: {  	v26 =	vld [tilespmem:s8+$0x0]  }
0x286: {  	s11 =	simm.s32 $0x5A90;
	v10 =	vld [tilespmem:s29+$0x3C0];
	v8 =	vsub.f32 v8, v5  }
0x287: {  	v20 =	vld [tilespmem:s11+$0x0];
	v11 =	vadd.s32 $0xC0, v7  }
0x288: {  	s4 =	simm.s32 $0x780;
	v19 =	vand.u32 $0x7FFFFFFF, v13;
	v28 =	vadd.s32 $0x40, v4;
	v8 =	vadd.f32 $1.000000000e+00, v8;
	v2 =	vld [tilespmem:s26+$0x3C0];
	v9, _, _ =	vpop (xrf2);
	(xrf2) =	vadd.scan.msk.f32 $0xffff, v18  }
0x289: {  	v34 =	vadd.s32 $0x80, v4;
	v27 =	vsub.f32 v12, v16;
	v36 =	vadd.s32 $0xC0, v4;
	v21 =	vld.idx.msk [tilespmem:v21+s4+$0x0], $0xffff;
	v17 =	vpop (erf)  }
0x28a: {  	v22 =	vmul.f32 $5.000000000e-01, v8;
	(v2sf) =	vpush v9, $0xF;
	v9, _, _ =	vpop (xrf2);
	(xrf2) =	vadd.scan.msk.f32 $0xffff, v26;
	v23 =	vmul.f32 v17, v3  }
0x28b: {  	(v2sf) =	vpush v9, $0xF;
	v9 =	vadd.s32 $0x40, v7;
	v7 =	vld.idx.msk [tilespmem:v7+s4+$0x0], $0xffff;
	v3 =	vsub.f32 $0.0e+00, v19  }
0x28c: {  	v25 =	vadd.s32 $0xC0, v20;
	v24 =	vadd.s32 $0x80, v20;
	v29 =	vmul.f32 v23, v23  }
0x28d: {  	v5 =	vadd.f32 v22, v5;
	v2 =	vsub.f32 v2, v6;
	v3 =	vmul.f32 $1.442695020e+00, v3  }
0x28e: {  	v8 =	vsub.f32 v8, v21;
	v19 =	vsub.f32 v10, v15;
	v10 =	vmul.f32 $1.111111120e-01, v29  }
0x28f: {  	v11 =	vld.idx.msk [tilespmem:v11+s4+$0x0], $0xffff;
	v22 =	vadd.s32 $0x40, v20;
	v2 =	vadd.f32 $1.000000000e+00, v2;
	(erf) = vpow2.f32 v3  }
0x290: {  	v39 =	vand.u32 $0x7FFFFFFF, v8;
	v9 =	vld.idx.msk [tilespmem:v9+s4+$0x0], $0xffff;
	v5 =	vsub.f32 v5, v7;
	v7 =	vadd.f32 $1.428571490e-01, v10  }
0x291: {  	vm4 =	vlt.f32 v39, $1.000000000e+00;
	v40 =	vadd.f32 $-5.000000000e-01, v39;
	v3 =	vmul.f32 $5.000000000e-01, v2  }
0x292: {  	s13 =	simm.s32 $0x20;
	v12 =	vld [tilespmem:$0x280];
	v31, _, _ =	vpop (xrf2);
	v60 =	vadd.f32 v23, v23;
	v10 =	vand.u32 $0x7FFFFFFF, v5;
	v5 =	vmul.f32 v7, v29  }
0x293: {  	v17 =	vimm.f32 $0.0e+00;
	v61 =	vsub.f32 v31, v18;
	v23 =	vld [tilespmem:s13+$0x0];
	v6 =	vadd.f32 v3, v6  }
0x294: {  	v32, _, _ =	vpop (xrf2);
	v3 =	vld [tilespmem:$0x5C80];
	v21 =	vmul.f32 $5.000000000e-01, v10;
	v7 =	vsub.f32 v2, v11;
	v11 =	vadd.f32 $2.000000030e-01, v5  }
0x295: {  	v58 =	vsub.f32 v32, v26;
	vm3 =	vlt.f32 v10, $1.000000000e+00;
	v9 =	vsub.f32 v6, v9;
	v2 =	vld [tilespmem:$0x5E00]  }
0x296: {  	v37 =	vadd.f32 $-5.000000000e-01, v10;
	v6 =	vld [tilespmem:$0x0];
	v21 =	vmul.f32 v21, v10;
	v8 =	vmul.f32 v11, v29  }
0x297: {  	v38 =	vand.u32 $0x7FFFFFFF, v9;
	v7 =	vand.u32 $0x7FFFFFFF, v7;
	v9 =	vld.idx.msk [tilespmem:v28+s4+$0x0], $0xffff;
	v28 =	vmul.f32 $5.000000000e-01, v39  }
0x298: {  	v5 =	vld [tilespmem:$0x140];
	vm2 =	vlt.f32 v7, $1.000000000e+00;
	v33 =	vadd.f32 $-5.000000000e-01, v7;
	v30 =	vpop (erf);
	v10 =	vadd.f32 $3.333333430e-01, v8  }
0x299: {  	s6 =	spop (v2sf);
	v35 =	vmul.f32 $5.000000000e-01, v7;
	v41 =	vmul.f32 $5.000000000e-01, v38;
	v8 =	vld.idx.msk [tilespmem:v4+s4+$0x0], $0xffff;
	v4 =	vadd.f32 $2.000000000e+00, v30  }
0x29a: {  	s10 =	simm.f32 $0.0e+00;
	s7 =	spop (v2sf);
	v62 =	vsel vm3, v21, v37;
	v21 =	vld [tilespmem:s13+$0x140];
	v28 =	vmul.f32 v28, v39;
	v29 =	vmul.f32 v10, v29  }
0x29b: {  	v42 =	vadd.f32 $-5.000000000e-01, v38;
	s12 =	sadd.f32 s10, s7;
	v11 =	vld [tilespmem:$0x3C0];
	v59 =	vmul.f32 v41, v38;
	(erf) = vrcp.f32 v4  }
0x29c: {  	s14 =	sadd.f32 s10, s6;
	vm5 =	vlt.f32 v38, $1.000000000e+00;
	v35 =	vmul.f32 v35, v7;
	v7 =	vld.idx.msk [tilespmem:v36+s4+$0x0], $0xffff;
	v29 =	vadd.f32 $1.000000000e+00, v29  }
0x29d: {  	v37 =	vsel vm4, v28, v40;
	v28 =	vadd.f32 s12, v58;
	v63 =	vsel vm5, v59, v42;
	v10 =	vld.idx.msk [tilespmem:v34+s4+$0x0], $0xffff  }
0x29e: {  	v38 =	vadd.f32 s14, v61;
	v4 =	vld [tilespmem:$0x500];
	v40 =	vadd.f32 v63, v62;
	v36 =	vmul.f32 v29, v60  }
0x29f: {  	s14 =	simm.s32 $0x520;
	v34 =	vld [tilespmem:s13+$0x3C0];
	vm3 =	vlt.f32 v28, $1.280000000e+02;
	v28 =	vimm.f32 $0.0e+00;
	v29 =	vmax.f32 v14, $0.0e+00  }
0x2a0: {  	s15 =	simm.s32 $0x30;
	s16 =	sand.u32 $0x1F0, s13;
	s12 =	simm.f32 $0.0e+00;
	v39 =	vsub.f32 v29, v14;
	v14 =	vld [tilespmem:s14+$0x0];
	v41 =	vadd.f32 v36, v29;
	v29 =	vimm.f32 $0.0e+00  }
.LBB2_15:
0x2a1: {  	p0 =	sne.s32 s15, $0x130;
	v42 =	vld [tilespmem:s16+$0x280];
	s11 =	sadd.s32 $0x10, s11;
	v26 =	vnsel vm3, $0x0, v26;
	v37 =	vadd.f32 v40, v37;
	v33 =	vsel vm2, v35, v33  }
0x2a2: {  	vm2 =	vlt.f32 v38, $1.280000000e+02;
	s9 =	sadd.s32 $0x10, s9;
	v35 =	vld [tilespmem:s11+$0x0];
	v36 =	vadd.f32 v36, v39;
	v26 =	vmul.f32 v41, v26  }
0x2a3: {  	v38 =	vadd.f32 $1.000000000e+00, v27;
	v27 =	vnsel vm2, $0x0, v18;
	v18 =	vld [tilespmem:s9+$0x0];
	v33 =	vadd.f32 v37, v33  }
0x2a4: {  	v37 =	vld.idx.msk [tilespmem:v20+s4+$0x0], $0xffff;
	v20 =	vpop (erf);
	v36 =	vmul.f32 v36, v27;
	v17 =	vadd.f32 v26, v17;
	(v2sf) =	vpush v31, $0xF  }
0x2a5: {  	s8 =	sadd.s32 $0x10, s8;
	v26 =	vand.u32 $0x7FFFFFFF, v14;
	v31 =	vld.idx.msk [tilespmem:v25+s4+$0x0], $0xffff;
	v39 =	vmul.f32 v20, v30;
	(v2sf) =	vpush v32, $0xF  }
0x2a6: {  	v27 =	vmul.f32 v33, v27;
	v25 =	vsub.f32 $0.0e+00, v26;
	v26 =	vld [tilespmem:s8+$0x0];
	v29 =	vadd.f32 v36, v29  }
0x2a7: {  	v30 =	vmul.f32 $5.000000000e-01, v38;
	v32 =	vld.idx.msk [tilespmem:v24+s4+$0x0], $0xffff;
	v36 =	vmul.f32 v39, v39;
	v20 =	vmov v35  }
0x2a8: {  	v33 =	vadd.f32 $1.000000000e+00, v19;
	v28 =	vadd.f32 v27, v28;
	v24 =	vmul.f32 $1.442695020e+00, v25;
	v35 =	vld.idx.msk [tilespmem:v22+s4+$0x0], $0xffff;
	(xrf2) =	vadd.scan.msk.f32 $0xffff, v18  }
0x2a9: {  	v19 =	vsub.f32 v34, v21;
	v22 =	vadd.f32 v30, v16;
	v16 =	vmovc v23;
	v30 =	vmul.f32 $1.111111120e-01, v36  }
0x2aa: {  	v23 =	vmul.f32 $5.000000000e-01, v33;
	v27 =	vsub.f32 v42, v16;
	(erf) = vpow2.f32 v24  }
0x2ab: {  	v25 =	vadd.s32 $0xC0, v20;
	v34 =	vsub.f32 v22, v37;
	v30 =	vadd.f32 $1.428571490e-01, v30;
	(xrf2) =	vadd.scan.msk.f32 $0xffff, v26  }
0x2ac: {  	v22 =	vadd.s32 $0x40, v20;
	v24 =	vadd.s32 $0x80, v20;
	v23 =	vadd.f32 v23, v15;
	v15 =	vmovc v21  }
0x2ad: {  	v31 =	vsub.f32 v33, v31;
	v21 =	vand.u32 $0x7FFFFFFF, v34;
	v30 =	vmul.f32 v30, v36  }
0x2ae: {  	v32 =	vsub.f32 v38, v32;
	vm3 =	vlt.f32 v21, $1.000000000e+00;
	v23 =	vsub.f32 v23, v35  }
0x2af: {  	v34 =	vmul.f32 $5.000000000e-01, v21;
	v37 =	vadd.f32 $-5.000000000e-01, v21;
	v30 =	vadd.f32 $2.000000030e-01, v30  }
0x2b0: {  	v38 =	vand.u32 $0x7FFFFFFF, v32;
	v32 =	vand.u32 $0x7FFFFFFF, v31;
	v23 =	vand.u32 $0x7FFFFFFF, v23  }
0x2b1: {  	vm2 =	vlt.f32 v32, $1.000000000e+00;
	v33 =	vadd.f32 $-5.000000000e-01, v32;
	v35 =	vmul.f32 v30, v36  }
0x2b2: {  	vm4 =	vlt.f32 v38, $1.000000000e+00;
	v40 =	vadd.f32 $-5.000000000e-01, v38;
	v41 =	vmul.f32 $5.000000000e-01, v32;
	v31, _, _ =	vpop (xrf2)  }
0x2b3: {  	v21 =	vmul.f32 v34, v21;
	vm5 =	vlt.f32 v23, $1.000000000e+00;
	v30 =	vpop (erf);
	v34 =	vadd.f32 $3.333333430e-01, v35;
	s16 =	spop (v2sf)  }
0x2b4: {  	v44 =	vmul.f32 $5.000000000e-01, v38;
	v43 =	vmul.f32 $5.000000000e-01, v23;
	v42 =	vadd.f32 $2.000000000e+00, v30;
	s17 =	spop (v2sf)  }
0x2b5: {  	v45 =	vadd.f32 $-5.000000000e-01, v23;
	v35 =	vmul.f32 v41, v32;
	v34 =	vmul.f32 v34, v36;
	v32, _, _ =	vpop (xrf2);
	s10 =	sadd.f32 s17, s10  }
0x2b6: {  	v38 =	vmul.f32 v44, v38;
	s12 =	sadd.f32 s16, s12;
	(erf) = vrcp.f32 v42;
	v36 =	vsub.f32 v32, v26  }
.Ltmp7:
0x2b7: {  	s13 =	sadd.s32 $0x10, s13;
	v39 =	vadd.f32 v39, v39;
	v41 =	vmul.f32 v43, v23;
	s16 =	sadd.f32 s10, s7;
	v34 =	vadd.f32 $1.000000000e+00, v34;
	(pc) =	sbr.rel @p0 .LBB2_15-.Ltmp7, $4  }
0x2b8: {  	v43 =	vsel vm3, v21, v37;
	v37 =	vsel vm4, v38, v40;
	v42 =	vsub.f32 v31, v18;
	s17 =	sadd.f32 s12, s6;
	v23 =	vld [tilespmem:s13+$0x0]  }
0x2b9: {  	v40 =	vsel vm5, v41, v45;
	v21 =	vld [tilespmem:s13+$0x140];
	v44 =	vadd.f32 s16, v36;
	v36 =	vmul.f32 v34, v39  }
0x2ba: {  	s14 =	sadd.s32 $0x10, s14;
	v41 =	vmax.f32 v13, $0.0e+00;
	v40 =	vadd.f32 v40, v43;
	v38 =	vadd.f32 s17, v42;
	v34 =	vld [tilespmem:s13+$0x3C0]  }
0x2bb: {  	s16 =	sand.u32 $0x1F0, s15;
	s15 =	sadd.s32 $0x10, s15;
	v39 =	vsub.f32 v41, v13;
	v13 =	vmovc v14;
	vm3 =	vlt.f32 v44, $1.280000000e+02;
	v41 =	vadd.f32 v36, v41;
	v14 =	vld [tilespmem:s14+$0x0]  }
0x2bc: {  	v26 =	vnsel vm3, $0x0, v26;
	v37 =	vadd.f32 v40, v37;
	v27 =	vadd.f32 $1.000000000e+00, v27  }
0x2bd: {  	v33 =	vsel vm2, v35, v33;
	(v2sf) =	vpush v31, $0xF;
	v19 =	vadd.f32 $1.000000000e+00, v19  }
0x2be: {  	vm7 =	vlt.f32 v38, $1.280000000e+02;
	v12 =	vsub.f32 v12, v6;
	v11 =	vsub.f32 v11, v5  }
0x2bf: {  	v56 =	vld [tilespmem:s16+$0x280];
	v36 =	vadd.f32 v36, v39;
	v26 =	vmul.f32 v41, v26;
	v18 =	vnsel vm7, $0x0, v18  }
0x2c0: {  	v25 =	vld.idx.msk [tilespmem:v25+s4+$0x0], $0xffff;
	(v2sf) =	vpush v32, $0xF;
	v33 =	vadd.f32 v37, v33;
	v60 =	vmul.f32 $5.000000000e-01, v27  }
0x2c1: {  	v24 =	vld.idx.msk [tilespmem:v24+s4+$0x0], $0xffff;
	v42 =	vmul.f32 $5.000000000e-01, v19;
	v12 =	vadd.f32 $1.000000000e+00, v12;
	v11 =	vadd.f32 $1.000000000e+00, v11  }
0x2c2: {  	v20 =	vld.idx.msk [tilespmem:v20+s4+$0x0], $0xffff;
	v58 =	vpop (erf);
	v36 =	vmul.f32 v36, v18;
	v17 =	vadd.f32 v26, v17;
	v57 =	vand.u32 $0x7FFFFFFF, v14  }
0x2c3: {  	s11 =	sadd.s32 $0x10, s11;
	v22 =	vld.idx.msk [tilespmem:v22+s4+$0x0], $0xffff;
	v30 =	vmul.f32 v58, v30;
	v16 =	vadd.f32 v60, v16;
	v15 =	vadd.f32 v42, v15  }
0x2c4: {  	v38 =	vld [tilespmem:s11+$0x0];
	v18 =	vmul.f32 v33, v18;
	v10 =	vsub.f32 v12, v10;
	v59 =	vsub.f32 $0.0e+00, v57  }
0x2c5: {  	v60 =	vmax.f32 v13, $0.0e+00;
	v29 =	vadd.f32 v36, v29;
	v63 =	vsub.f32 v56, v23  }
0x2c6: {  	v19 =	vsub.f32 v19, v25;
	v44 =	vsub.f32 v27, v24;
	v57 =	vand.u32 $0x7FFFFFFF, v4  }
0x2c7: {  	v13 =	vsub.f32 v60, v13;
	v61 =	vmul.f32 v30, v30;
	v18 =	vadd.f32 v18, v28  }
0x2c8: {  	v28 =	vsub.f32 v34, v21;
	v16 =	vsub.f32 v16, v20;
	v31 =	vmul.f32 $1.442695020e+00, v59  }
0x2c9: {  	v26 =	vadd.s32 $0x40, v38;
	v36 =	vadd.s32 $0x80, v38;
	v15 =	vsub.f32 v15, v22  }
0x2ca: {  	s9 =	sadd.s32 $0x10, s9;
	v30 =	vadd.f32 v30, v30;
	v25 =	vsub.f32 $0.0e+00, v57;
	(erf) = vpow2.f32 v31  }
0x2cb: {  	v39 =	vld [tilespmem:s9+$0x0];
	v22 =	vand.u32 $0x7FFFFFFF, v44;
	v19 =	vand.u32 $0x7FFFFFFF, v19;
	v62 =	vmul.f32 $1.111111120e-01, v61  }
0x2cc: {  	s8 =	sadd.s32 $0x10, s8;
	v16 =	vand.u32 $0x7FFFFFFF, v16;
	v15 =	vand.u32 $0x7FFFFFFF, v15;
	vm9 =	vlt.f32 v19, $1.000000000e+00  }
0x2cd: {  	v32 =	vld [tilespmem:s8+$0x0];
	v47 =	vadd.f32 $-5.000000000e-01, v19;
	vm4 =	vlt.f32 v22, $1.000000000e+00;
	v51 =	vmul.f32 $5.000000000e-01, v19  }
0x2ce: {  	v49 =	vadd.f32 $-5.000000000e-01, v22;
	v42 =	vmul.f32 $5.000000000e-01, v22;
	v25 =	vmul.f32 $1.442695020e+00, v25  }
0x2cf: {  	v28 =	vadd.f32 $1.000000000e+00, v28;
	vm8 =	vlt.f32 v16, $1.000000000e+00;
	v45 =	vmul.f32 $5.000000000e-01, v16  }
0x2d0: {  	(xrf2) =	vadd.scan.msk.f32 $0xffff, v39;
	v46 =	vadd.f32 $-5.000000000e-01, v16;
	v53 =	vmul.f32 $5.000000000e-01, v15;
	v43 =	vadd.f32 $1.428571490e-01, v62  }
0x2d1: {  	vm5 =	vlt.f32 v15, $1.000000000e+00;
	v19 =	vmul.f32 v51, v19;
	v22 =	vmul.f32 v42, v22  }
0x2d2: {  	(xrf2) =	vadd.scan.msk.f32 $0xffff, v32;
	v62 =	vadd.f32 $1.000000000e+00, v63;
	v16 =	vmul.f32 v45, v16;
	v20 =	vmul.f32 v43, v61  }
0x2d3: {  	v63 =	vld.idx.msk [tilespmem:v38+s4+$0x0], $0xffff;
	v43 =	vadd.f32 $-5.000000000e-01, v15;
	v15 =	vmul.f32 v53, v15;
	v22 =	vsel vm4, v22, v49;
	v48 =	vpop (erf)  }
0x2d4: {  	v26 =	vld.idx.msk [tilespmem:v26+s4+$0x0], $0xffff;
	v19 =	vsel vm9, v19, v47;
	v20 =	vadd.f32 $2.000000030e-01, v20;
	v50 =	vadd.f32 $2.000000000e+00, v48  }
0x2d5: {  	v45 =	vld.idx.msk [tilespmem:v36+s4+$0x0], $0xffff;
	v42 =	vmul.f32 $5.000000000e-01, v62;
	v47 =	vmul.f32 $5.000000000e-01, v28;
	v16 =	vsel vm8, v16, v46  }
0x2d6: {  	v15 =	vsel vm5, v15, v43;
	v20 =	vmul.f32 v20, v61;
	(erf) = vrcp.f32 v50  }
0x2d7: {  	v46 =	vadd.f32 v42, v23;
	v49 =	vadd.f32 v47, v21;
	(erf) = vpow2.f32 v25  }
0x2d8: {  	v42 =	vmax.f32 v14, $0.0e+00;
	v15 =	vadd.f32 v15, v16;
	v20 =	vadd.f32 $3.333333430e-01, v20  }
0x2d9: {  	v35 =	vadd.s32 $0xC0, v38;
	v14 =	vsub.f32 v42, v14;
	v23 =	vsub.f32 v46, v63  }
0x2da: {  	v52, _, _ =	vpop (xrf2);
	v21 =	vsub.f32 v49, v26;
	v24 =	vsub.f32 v62, v45;
	v20 =	vmul.f32 v20, v61  }
0x2db: {  	v10 =	vand.u32 $0x7FFFFFFF, v10;
	v56 =	vsub.f32 v52, v39;
	v22 =	vadd.f32 v15, v22  }
0x2dc: {  	v36 =	vmul.f32 $5.000000000e-01, v12;
	v54, _, _ =	vpop (xrf2);
	(v2sf) =	vpush v52, $0xF;
	v20 =	vadd.f32 $1.000000000e+00, v20  }
0x2dd: {  	s29 =	spop (v2sf);
	v55 =	vsub.f32 v54, v32;
	(v2sf) =	vpush v54, $0xF;
	v23 =	vand.u32 $0x7FFFFFFF, v23  }
0x2de: {  	s13 =	spop (v2sf);
	s11 =	sadd.f32 s29, s12;
	v21 =	vand.u32 $0x7FFFFFFF, v21;
	v24 =	vand.u32 $0x7FFFFFFF, v24;
	v20 =	vmul.f32 v20, v30  }
0x2df: {  	v41 =	vld.idx.msk [tilespmem:v35+s4+$0x0], $0xffff;
	s10 =	sadd.f32 s13, s10;
	v19 =	vadd.f32 v22, v19;
	vm12 =	vlt.f32 v23, $1.000000000e+00;
	v53 =	vmul.f32 $5.000000000e-01, v23;
	v61 =	vpop (erf)  }
0x2e0: {  	s31 =	sadd.f32 s11, s6;
	v54 =	vadd.f32 $-5.000000000e-01, v23;
	vm14 =	vlt.f32 v24, $1.000000000e+00;
	v16 =	vadd.f32 v20, v60;
	v51 =	vpop (erf)  }
0x2e1: {  	s30 =	sadd.f32 s10, s7;
	v13 =	vadd.f32 v20, v13;
	v20 =	vmul.f32 v61, v48;
	v52 =	vadd.f32 $2.000000000e+00, v51  }
0x2e2: {  	v57 =	vadd.f32 $-5.000000000e-01, v24;
	vm15 =	vlt.f32 v21, $1.000000000e+00;
	v59 =	vadd.f32 s31, v56  }
0x2e3: {  	s9 =	sadd.s32 $0x10, s9;
	v58 =	vadd.f32 s30, v55;
	v38 =	vmul.f32 v20, v20;
	(erf) = vrcp.f32 v52  }
0x2e4: {  	v15 =	vld [tilespmem:s9+$0x0];
	v50 =	vsub.f32 v28, v41;
	v23 =	vmul.f32 v53, v23;
	vm11 =	vlt.f32 v59, $1.280000000e+02  }
0x2e5: {  	v59 =	vmul.f32 $5.000000000e-01, v24;
	vm10 =	vlt.f32 v58, $1.280000000e+02;
	v44 =	vmul.f32 $1.111111120e-01, v38  }
0x2e6: {  	v40 =	vnsel vm11, $0x0, v39;
	v58 =	vmul.f32 $5.000000000e-01, v21;
	v23 =	vsel vm12, v23, v54  }
0x2e7: {  	v39 =	vmul.f32 $5.000000000e-01, v11;
	v19 =	vmul.f32 v19, v40;
	v48 =	vadd.f32 $1.428571490e-01, v44  }
0x2e8: {  	vm11 =	vlt.f32 v10, $1.000000000e+00;
	v32 =	vnsel vm10, $0x0, v32;
	v24 =	vmul.f32 v59, v24  }
0x2e9: {  	s8 =	sadd.s32 $0x10, s8;
	(xrf2) =	vadd.scan.msk.f32 $0xffff, v15;
	v18 =	vadd.f32 v19, v18;
	v19 =	vand.u32 $0x7FFFFFFF, v50;
	v22 =	vmul.f32 v48, v38  }
0x2ea: {  	v60 =	vadd.f32 $-5.000000000e-01, v21;
	v21 =	vmul.f32 v58, v21;
	v37 =	vmul.f32 v16, v32;
	v16 =	vld [tilespmem:s8+$0x0]  }
0x2eb: {  	v24 =	vsel vm14, v24, v57;
	v50 =	vmul.f32 $5.000000000e-01, v10;
	v22 =	vadd.f32 $2.000000030e-01, v22  }
0x2ec: {  	v57 =	vnsel vm1, $0x0, v3;
	vm13 =	vlt.f32 v19, $1.000000000e+00;
	v55 =	vadd.f32 $-5.000000000e-01, v19;
	v63 =	vpop (erf)  }
0x2ed: {  	v21 =	vsel vm15, v21, v60;
	v22 =	vmul.f32 v22, v38;
	v27 =	vmul.f32 v63, v51  }
0x2ee: {  	v56 =	vmul.f32 $5.000000000e-01, v19;
	v43 =	vmul.f32 v13, v40;
	v21 =	vadd.f32 v21, v23  }
0x2ef: {  	v13 =	vadd.f32 v37, v17;
	(xrf2) =	vadd.scan.msk.f32 $0xffff, v16;
	v22 =	vadd.f32 $3.333333430e-01, v22;
	v40 =	vmul.f32 v27, v27  }
0x2f0: {  	v19 =	vmul.f32 v56, v19;
	v17 =	vadd.f32 v43, v29;
	v43 =	vadd.f32 v39, v5  }
0x2f1: {  	s9 =	spop (v2sf);
	v22 =	vmul.f32 v22, v38;
	v38 =	vadd.f32 v36, v6;
	v44 =	vmul.f32 $1.111111120e-01, v40  }
0x2f2: {  	v54 =	vmul.f32 v50, v10;
	v45 =	vadd.f32 v21, v24;
	v5 =	vsub.f32 v43, v9;
	s4 =	sadd.f32 s9, s11  }
0x2f3: {  	v19 =	vsel vm13, v19, v55;
	v32, _, _ =	vpop (xrf2);
	v6 =	vsub.f32 v38, v8;
	v8 =	vadd.f32 $1.428571490e-01, v44  }
0x2f4: {  	v55 =	vadd.f32 $-5.000000000e-01, v10;
	v62 =	vsub.f32 v32, v15;
	v5 =	vand.u32 $0x7FFFFFFF, v5;
	s4 =	sadd.f32 s4, s6  }
0x2f5: {  	v20 =	vadd.f32 v20, v20;
	v48 =	vmul.f32 $5.000000000e-01, v5;
	v8 =	vmul.f32 v8, v40  }
0x2f6: {  	v58 =	vsel vm11, v54, v55;
	v26 =	vadd.f32 v45, v19;
	v41 =	vadd.f32 s4, v62  }
0x2f7: {  	s12 =	spop (v2sf);
	v49 =	vadd.f32 $-5.000000000e-01, v5;
	v21 =	vmul.f32 v48, v5;
	v8 =	vadd.f32 $2.000000030e-01, v8  }
0x2f8: {  	s8 =	sadd.f32 s12, s10;
	vm10 =	vlt.f32 v5, $1.000000000e+00;
	vm13 =	vlt.f32 v41, $1.280000000e+02;
	v6 =	vand.u32 $0x7FFFFFFF, v6  }
0x2f9: {  	v29, _, _ =	vpop (xrf2);
	v53 =	vsel vm10, v21, v49;
	v46 =	vmul.f32 $5.000000000e-01, v6;
	v52 =	vmul.f32 v8, v40  }
0x2fa: {  	s13 =	sadd.f32 s8, s7;
	v61 =	vsub.f32 v29, v16;
	v51 =	vsub.f32 v11, v7;
	vm9 =	vlt.f32 v6, $1.000000000e+00  }
0x2fb: {  	v47 =	vmul.f32 v46, v6;
	v6 =	vadd.f32 $-5.000000000e-01, v6;
	v7 =	vadd.f32 $3.333333430e-01, v52  }
0x2fc: {  	v37 =	vadd.f32 s13, v61;
	v5 =	vand.u32 $0x7FFFFFFF, v51;
	v62 =	vadd.f32 v27, v27  }
0x2fd: {  	v56 =	vmul.f32 $5.000000000e-01, v5;
	v6 =	vsel vm9, v47, v6;
	v7 =	vmul.f32 v7, v40  }
0x2fe: {  	v11 =	vmax.f32 v4, $0.0e+00;
	v60 =	vadd.f32 $-5.000000000e-01, v5;
	v6 =	vadd.f32 v53, v6  }
0x2ff: {  	(xrf2) =	vadd.scan.msk.f32 $0xffff, v1;
	v22 =	vadd.f32 $1.000000000e+00, v22;
	v59 =	vmul.f32 v56, v5;
	v61 =	vadd.f32 $1.000000000e+00, v7  }
0x300: {  	(xrf2) =	vadd.scan.msk.f32 $0xffff, v0;
	v23 =	vsub.f32 v11, v4;
	vm12 =	vlt.f32 v5, $1.000000000e+00;
	v3 =	vadd.f32 v6, v58  }
0x301: {  	(xrf2) =	vadd.scan.msk.f32 $0xffff, v57;
	v20 =	vmul.f32 v22, v20;
	v10 =	vsel vm12, v59, v60;
	v21 =	vmul.f32 v61, v62  }
0x302: {  	v63 =	vnsel vm1, $0x0, v2;
	v27 =	vnsel vm13, $0x0, v15;
	v12 =	vadd.f32 v3, v10  }
0x303: {  	vm8 =	vlt.f32 v37, $1.280000000e+02;
	v24 =	vadd.f32 v20, v14;
	v3 =	vadd.f32 v21, v23  }
0x304: {  	(xrf2) =	vadd.scan.msk.f32 $0xffff, v63;
	v5 =	vmul.f32 v26, v27;
	v1 =	vnsel vm1, $0x0, v12;
	v30 =	vadd.f32 v21, v11  }
0x305: {  	v28 =	vadd.f32 v20, v42;
	v0 =	vmul.f32 v24, v27;
	(xrf2) =	vadd.scan.msk.f32 $0xffff, v1;
	v3 =	vnsel vm1, $0x0, v3  }
0x306: {  	v31 =	vnsel vm8, $0x0, v16;
	v33 =	vadd.f32 v5, v18;
	v1 =	vnsel vm1, $0x0, v30;
	(xrf2) =	vadd.scan.msk.f32 $0xffff, v3  }
0x307: {  	(v2sf) =	vpush v32, $0xF;
	v2 =	vmul.f32 v28, v31;
	v0 =	vadd.f32 v0, v17;
	(xrf2) =	vadd.scan.msk.f32 $0xffff, v1  }
0x308: {  	(xrf2) =	vadd.scan.msk.f32 $0xffff, v33  }
0x309: {  	(v2sf) =	vpush v29, $0xF;
	v34, _, _ =	vpop (xrf2);
	v35 =	vadd.f32 v2, v13;
	(xrf2) =	vadd.scan.msk.f32 $0xffff, v0  }
0x30a: {  	(v2sf) =	vpush v34, $0xF;
	v36, _, _ =	vpop (xrf2)  }
0x30b: {  	(v2sf) =	vpush v36, $0xF;
	v37, _, _ =	vpop (xrf2);
	(xrf2) =	vadd.scan.msk.f32 $0xffff, v35;
	_ =	sdelay $0x2  }
0x30c: {  	(v2sf) =	vpush v37, $0xF;
	v38, _, _ =	vpop (xrf2)  }
0x30d: {  	(v2sf) =	vpush v38, $0xF;
	v39, _, _ =	vpop (xrf2)  }
0x30e: {  	(v2sf) =	vpush v39, $0xF;
	v40, _, _ =	vpop (xrf2)  }
0x30f: {  	v41, _, _ =	vpop (xrf2);
	(v2sf) =	vpush v40, $0xF  }
0x310: {  	(v2sf) =	vpush v41, $0xF;
	v42, _, _ =	vpop (xrf2)  }
0x311: {  	(v2sf) =	vpush v42, $0xF;
	v43, _, _ =	vpop (xrf2)  }
0x312: {  	(v2sf) =	vpush v43, $0xF  }
0x313: {  	v44, _, _ =	vpop (xrf2)  }
0x314: {  	s14 =	spop (v2sf);
	(v2sf) =	vpush v44, $0xF;
	_ =	sdelay $0x1  }
0x315: {  	s15 =	spop (v2sf)  }
0x316: {  	s4 =	spop (v2sf)  }
0x317: {  	p0 =	seq.s32 s2, $0x0;
	s4 =	smin.f32 s4, $1.280000000e+02;
	s17 =	spop (v2sf)  }
0x318: {  	s6 =	simm.f32 $1.000000000e+00;
	s16 =	ssub.f32 $1.280000000e+02, s4;
	s8 =	smin.f32 s17, $1.280000000e+02  }
0x319: {  	s6 =	simm.s32 @!p0 $0x0;
	s22 =	ssub.f32 $1.280000000e+02, s8  }
0x31a: {  	s19 =	smul.f32 s16, s6;
	s18 =	spop (v2sf)  }
0x31b: {  	s6 =	smul.f32 s22, s6;
	s20 =	spop (v2sf)  }
0x31c: {  	s10 =	smul.f32 s18, s19;
	s21 =	spop (v2sf)  }
0x31d: {  	s6 =	smul.f32 s20, s6;
	s14 =	spop (v2sf)  }
0x31e: {  	s12 =	smul.f32 s21, s10;
	s15 =	spop (v2sf)  }
0x31f: {  	s10 =	smul.f32 s14, s10;
	s23 =	spop (v2sf)  }
0x320: {  	s12 =	sadd.f32 s23, s12;
	s24 =	spop (v2sf)  }
0x321: {  	s6 =	smul.f32 s15, s6;
	s10 =	sadd.f32 s24, s10  }
0x322: {  	s25 =	spop (v2sf)  }
0x323: {  	vm14 =	vcmask $0x300;
	s6 =	sadd.f32 s25, s6;
	v45 =	vmov s12;
	v46 =	vmov s10  }
0x324: {  	v0 =	vnsel vm14, $0x0, v45;
	v1 =	vnsel vm0, $0x0, v46  }
0x325: {  	vm15 =	vcmask $0xB08;
	v47 =	vmov s6;
	v0 =	vadd.f32 v1, v0  }
0x326: {  	v1 =	vnsel vm15, $0x0, v47  }
0x327: {  	v0 =	vadd.f32 v1, v0;
	_ =	sdelay $0x1  }
0x328: {  	s5 =	sadd.s32 s5, s3;
	s26 =	simm.s32 $0x6480;
	s28 =	simm.s32 $0x1;
	[tilespmem:$0x6480] =	vst v0  }
0x329: {  	[spmem:s5] =	stream.linear.scatter [tilespmem:s26], [sflag:$0x1], $0x10, $0x38;
	[tilespmem:$0x65E0] =	vst v63  }
0x32a: {  	_ =	swait.ge [sflag:s28], $0x10  }
0x32b: {  	v48 =	vlaneseq.u32;
	[sflag:s28] =	ssyncset.done $0x0  }
0x32c: {  	v0 =	vmul.u32 $0x10, v48;
	[sflag:s28] =	ssyncadd.s32 $0xFFFFFFF0  }
0x32d: {  	s29 =	simm.s32 $0x6380;
	[bflag:$0x0] =	sbarrier.arrive $0xFFFF  }
0x32e: {  	v49 =	vor.u32 $0x1, v0;
	[tilespmem:s29], [sflag:$0x1] =	stream.linear.gather [spmem:s3], $0x100, $0x38;
	[tilespmem:$0x65E0] =	vst v63  }
0x32f: {  	s30 =	smul.f32 s18, s16;
	_ =	swait.ge [sflag:s28], $0x100  }
0x330: {  	v50 =	vor.u32 $0x2, v0;
	[sflag:s28] =	ssyncset.done $0x0  }
0x331: {  	s3 =	sadd.f32 s30, s4;
	[sflag:s28] =	ssyncadd.s32 $0xFFFFFF00  }
0x332: {  	v0 =	vld.idx.msk [tilespmem:v0+s29+$0x0], $0xffff  }
0x333: {  	v51 =	vmov s3;
	v1 =	vld.idx.msk [tilespmem:v49+s29+$0x0], $0xffff  }
0x334: {  	v52 =	vmul.f32 $4.000000000e+00, v51  }
0x335: {  	s31 =	smul.f32 s20, s22;
	v2 =	vld.idx.msk [tilespmem:v50+s29+$0x0], $0xffff  }
0x336: {  	v53 =	vmax.f32 v52, $1.000000000e+00  }
0x337: {  	s3 =	sadd.f32 s31, s8;
	(erf) = vrcp.f32 v53;
	(xrf2) =	vadd.scan.msk.f32 $0xffff, v0  }
0x338: {  	(xrf2) =	vadd.scan.msk.f32 $0xffff, v1  }
0x339: {  	v55 =	vmax.f32 v51, $1.000000000e+00;
	v54 =	vmov s3  }
0x33a: {  	(erf) = vrcp.f32 v55;
	v0 =	vmax.f32 v54, $1.000000000e+00;
	(xrf2) =	vadd.scan.msk.f32 $0xffff, v2  }
0x33b: {  	v0 =	vbroadcast v0, $0x0;
	_ =	sdelay $0x1  }
0x33c: {  	(erf) = vrcp.f32 v0;
	_ =	sdelay $0x2  }
0x33d: {  	v57 =	vpop (erf)  }
0x33e: {  	v56, _, _ =	vpop (xrf2)  }
0x33f: {  	v58, _, _ =	vpop (xrf2);
	v0 =	vbroadcast v56, $0xF  }
0x340: {  	v59 =	vpop (erf);
	v2 =	vbroadcast v58, $0xF  }
0x341: {  	v60, _, _ =	vpop (xrf2);
	v0 =	vmul.f32 v0, v57  }
0x342: {  	v62 =	vbroadcast v60, $0xF;
	v61 =	vmul.f32 v2, v59  }
0x343: {  	v63 =	vpop (erf)  }
0x344: {  	v2 =	vmul.f32 v62, v63;
	v0 =	vadd.f32 v61, v0;
	_ =	sdelay $0x1  }
0x345: {  	v0 =	vadd.f32 v2, v0;
	_ =	sdelay $0x1  }
0x346: {  	p0 =	sne.s32 s2, $0x0;
	[tilespmem:$0x6500] =	vst v0  }
0x347: {  	_ =	sfence.sel @p0 $0x180000  }
0x348: {  	[bflag:$0x0] =	sbarrier.arrive @p0 $0xFFFF  }
0x349: {  	_ =	strace @p0 $0x90000047  }
0x34a: {  	s2 =	simm.s32 @!p0 $0x0;
	s3 =	simm.s32 @!p0 $0x6500;
	[bflag:$0x2] =	sbarrier.arrive @p0 $0xFFFF  }
0x34b: {  	[hbm4b:s1+s2] =	stream.linear.scatter @!p0 [tilespmem:s3], [sflag:$0x1], $0x80, $0x38;
	[tilespmem:$0x65E0] =	vst v63  }
0x34c: {  	s1 =	simm.s32 @!p0 $0x1  }
0x34d: {  	_ =	swait.ge @!p0 [sflag:s1], $0x80  }
0x34e: {  	[sflag:s1] =	ssyncset.done @!p0 $0x0  }
0x34f: {  	[sflag:s1] =	ssyncadd.s32 @!p0 $0xFFFFFF80  }
0x350: {  	_ =	sfence.sel @!p0 $0x180000  }
0x351: {  	[bflag:$0x0] =	sbarrier.arrive @!p0 $0xFFFF  }
0x352: {  	_ =	strace @!p0 $0x90000047  }
0x353: {  	s0 =	sadd.s32 @!p0 $0x100000, s0;
	[bflag:$0x2] =	sbarrier.arrive @!p0 $0xFFFF  }
0x354: {  	[sflag:s0] =	ssyncadd.tile.s32 @!p0 $0x1;
	_ =	shalt  }
.Lfunc_end2:
_tile_overlayer_lowered:
.L_overlay_start_2:
0x355: {  	(tag) =	ssettag $0x2  }
0x356: {  	s0 =	rddreg [dreg:$0x0];
	s2 =	stileid.u32  }
0x357: {  	s1 =	rddreg [dreg:$0x1];
	p0 =	sne.s32 s2, $0x0  }
0x358: {  	s3 =	rddreg [dreg:$0x2];
	[bflag:$0x3] =	sbarrier.arrive $0xFFFF;
	s2 =	simm.s32 @!p0 $0x1C01  }
0x359: {  	[timem:s3], [sflag:s2] =	dma.local @!p0 [hbm:s0], s1  }
0x35a: {  	s0 =	simm.s32 @!p0 $0x1  }
0x35b: {  	_ =	swait.ge @!p0 [sflag:s0], s1  }
0x35c: {  	s1 =	ssub.s32 @!p0 $0x0, s1;
	[sflag:s0] =	ssyncset.done @!p0 $0x0  }
0x35d: {  	[sflag:s0] =	ssyncadd.s32 @!p0 s1  }
0x35e: {  	[bflag:$0x3] =	sbarrier.arrive $0xFFFF  }
0x35f: {  	_ =	shalt  }

</sc_bundles>
